<compile_context>
chip_gen: v7x
topology: tpu7x:2x2x1
jax: 0.10.2.dev20260603
libtpu: 0.0.44.dev20260713+nightly
codegen_flags: <defaults>
</compile_context>

<pallas_src>
import functools

import jax
import jax.numpy as jnp
from jax import lax
from jax.experimental import pallas as pl
from jax.experimental.pallas import tpu as pltpu
from jax.experimental.pallas import tpu_sc as plsc

P = 4000
C = 2000
N = 10000
E = 320000
EMB = 128

NC, NS, L = 2, 16, 16
NW = NC * NS
CH = 80
VPC = CH // L
NCHUNK = 126
EPAD = NCHUNK * CH
NBUF = 3
NRP = NCHUNK // (2 * NBUF)

_mesh = plsc.VectorSubcoreMesh(core_axis_name="c", subcore_axis_name="s")


def _sc_scatter_pass(table_rows, acc_rows, dump_row, mode):
    rpt = acc_rows // NS

    @functools.partial(
        pl.kernel,
        mesh=_mesh,
        out_type=jax.ShapeDtypeStruct((NC, acc_rows, EMB), jnp.float32),
        scratch_types=[
            pltpu.VMEM((NCHUNK, CH), jnp.int32),
            pltpu.VMEM((NCHUNK, CH), jnp.int32),
            pltpu.VMEM((2 * NBUF, CH, EMB), jnp.float32),
            pltpu.VMEM_SHARED((acc_rows, EMB), jnp.float32),
            pltpu.SemaphoreType.DMA,
            pltpu.SemaphoreType.DMA,
            pltpu.SemaphoreType.DMA,
            pltpu.SemaphoreType.DMA,
        ],
    )
    def sc_kernel(src_r, dst_r, table, zeros, out, gidx, sidx, rows, acc,
                  gsem0, gsem1, ssem0, ssem1):
        cid = lax.axis_index("c")
        sid = lax.axis_index("s")
        wid = sid * NC + cid

        base_r = sid * rpt
        pltpu.sync_copy(zeros.at[pl.ds(0, rpt)], acc.at[pl.ds(base_r, rpt)])

        pltpu.sync_copy(src_r.at[wid], gidx)
        pltpu.sync_copy(dst_r.at[wid], sidx)

        def build(j, carry):
            for k in range(VPC):
                s_ = gidx[j, pl.ds(k * L, L)]
                d_ = sidx[j, pl.ds(k * L, L)]
                if mode == 1:
                    valid = (d_ >= 2 * P) & (s_ < 2 * P)
                    g = jnp.where(valid, s_, s_ & 4095)
                    s2 = jnp.where(valid, d_ - 2 * P, dump_row + (d_ & 31))
                else:
                    valid = (s_ >= 2 * P) & (d_ < 2 * P)
                    isneg = d_ >= P
                    g = jnp.where(valid, jnp.where(isneg, s_ - 2 * P + C,
                                                   s_ - 2 * P), s_ & 2047)
                    s2 = jnp.where(valid, jnp.where(isneg, d_ - P, d_),
                                   dump_row + (d_ & 63))
                gidx[j, pl.ds(k * L, L)] = g
                sidx[j, pl.ds(k * L, L)] = s2
            return carry

        lax.fori_loop(0, NCHUNK, build, 0)

        plsc.subcore_barrier()

        def fire_gather(c0, half, sem):
            for b in range(NBUF):
                pltpu.async_copy(table.at[gidx.at[c0 + b]],
                                 rows.at[half * NBUF + b], sem)

        fire_gather(0, 0, gsem0)

        def pair(rp, carry):
            c0 = 2 * rp * NBUF
            c1 = c0 + NBUF
            for b in range(NBUF):
                pltpu.make_async_copy(table.at[gidx.at[c0 + b]],
                                      rows.at[b], gsem0).wait()
            g1 = []
            for b in range(NBUF):
                g1.append(pltpu.async_copy(table.at[gidx.at[c1 + b]],
                                           rows.at[NBUF + b], gsem1))
            s0 = []
            for b in range(NBUF):
                s0.append(pltpu.async_copy(rows.at[b],
                                           acc.at[sidx.at[c0 + b]],
                                           ssem0, add=True))
            for h in g1:
                h.wait()
            s1 = []
            for b in range(NBUF):
                s1.append(pltpu.async_copy(rows.at[NBUF + b],
                                           acc.at[sidx.at[c1 + b]],
                                           ssem1, add=True))
            for h in s0:
                h.wait()

            @pl.when(rp < NRP - 1)
            def _():
                fire_gather(c0 + 2 * NBUF, 0, gsem0)

            for h in s1:
                h.wait()
            return carry

        lax.fori_loop(0, NRP, pair, 0)

        plsc.subcore_barrier()

        pltpu.sync_copy(acc.at[pl.ds(base_r, rpt)],
                        out.at[cid, pl.ds(base_r, rpt)])

    return sc_kernel


_sc_pass1 = _sc_scatter_pass(2 * P, 2048, C, mode=1)
_sc_pass2 = _sc_scatter_pass(2 * C, 4096, P, mode=2)


def _dot_t(x, w):
    return lax.dot_general(x, w, (((1,), (1,)), ((), ())),
                           preferred_element_type=jnp.float32)


def _lit_mlp_body(x_ref, w1_ref, b1_ref, w2_ref, b2_ref, o_ref):
    h = jnp.maximum(_dot_t(x_ref[...], w1_ref[0]) + b1_ref[0], 0.0)
    o_ref[...] = _dot_t(h, w2_ref[0]) + b2_ref[0]


def _clause_body(lc0_ref, lc1_ref, ch_ref, cc_ref, wih_ref, whh_ref, b_ref,
                 wp1_ref, bp1_ref, wp2_ref, bp2_ref,
                 wn1_ref, bn1_ref, wn2_ref, bn2_ref,
                 h2_ref, c2_ref, pos_ref, neg_ref):
    x = lc0_ref[...] + lc1_ref[...]
    h = ch_ref[...]
    gates = _dot_t(x, wih_ref[...]) + _dot_t(h, whh_ref[...]) + b_ref[...]
    gi = gates[:, 0 * EMB:1 * EMB]
    gf = gates[:, 1 * EMB:2 * EMB]
    gg = gates[:, 2 * EMB:3 * EMB]
    go = gates[:, 3 * EMB:4 * EMB]
    c2 = jax.nn.sigmoid(gf) * cc_ref[...] + jax.nn.sigmoid(gi) * jnp.tanh(gg)
    h2 = jax.nn.sigmoid(go) * jnp.tanh(c2)
    h2_ref[...] = h2
    c2_ref[...] = c2
    hp = jnp.maximum(_dot_t(h2, wp1_ref[...]) + bp1_ref[...], 0.0)
    pos_ref[...] = _dot_t(hp, wp2_ref[...]) + bp2_ref[...]
    hn = jnp.maximum(_dot_t(h2, wn1_ref[...]) + bn1_ref[...], 0.0)
    neg_ref[...] = _dot_t(hn, wn2_ref[...]) + bn2_ref[...]


def _lit_lstm_body(cl0_ref, cl1_ref, lh_ref, lc_ref, wih_ref, whh_ref, b_ref,
                   h2_ref, c2_ref):
    x = cl0_ref[...] + cl1_ref[...]
    h = lh_ref[...]
    gates = _dot_t(x, wih_ref[...]) + _dot_t(h, whh_ref[...]) + b_ref[...]
    gi = gates[:, 0 * EMB:1 * EMB]
    gf = gates[:, 1 * EMB:2 * EMB]
    gg = gates[:, 2 * EMB:3 * EMB]
    go = gates[:, 3 * EMB:4 * EMB]
    c2 = jax.nn.sigmoid(gf) * lc_ref[...] + jax.nn.sigmoid(gi) * jnp.tanh(gg)
    h2_ref[...] = jax.nn.sigmoid(go) * jnp.tanh(c2)
    c2_ref[...] = c2


def kernel(l_h, l_c, c_h, c_c, node_type, edge_index, params):
    p = params
    f32 = jnp.float32
    x_lit = l_h[0]

    w1 = jnp.stack([p["Lp_W1"], p["Ln_W1"]])
    b1 = jnp.stack([p["Lp_b1"], p["Ln_b1"]])[:, None, :]
    w2 = jnp.stack([p["Lp_W2"], p["Ln_W2"]])
    b2 = jnp.stack([p["Lp_b2"], p["Ln_b2"]])[:, None, :]
    l_lit = pl.pallas_call(
        _lit_mlp_body,
        grid=(2,),
        in_specs=[
            pl.BlockSpec((P, EMB), lambda i: (i, 0)),
            pl.BlockSpec((1, EMB, EMB), lambda i: (i, 0, 0)),
            pl.BlockSpec((1, 1, EMB), lambda i: (i, 0, 0)),
            pl.BlockSpec((1, EMB, EMB), lambda i: (i, 0, 0)),
            pl.BlockSpec((1, 1, EMB), lambda i: (i, 0, 0)),
        ],
        out_specs=pl.BlockSpec((P, EMB), lambda i: (i, 0)),
        out_shape=jax.ShapeDtypeStruct((2 * P, EMB), f32),
    )(x_lit, w1, b1, w2, b2)

    zeros256 = jnp.zeros((256, EMB), f32)
    epad = jnp.zeros((NW * EPAD - E,), jnp.int32)
    src_r = jnp.concatenate([edge_index[0], epad]).reshape(NW, NCHUNK, CH)
    dst_r = jnp.concatenate([edge_index[1], epad]).reshape(NW, NCHUNK, CH)

    lc_parts = _sc_pass1(src_r, dst_r, l_lit, zeros256)

    cu_b = (p["Cu_bih"] + p["Cu_bhh"])[None, :]
    c_h2, c_c2, c_pos, c_neg = pl.pallas_call(
        _clause_body,
        out_shape=[
            jax.ShapeDtypeStruct((C, EMB), f32),
            jax.ShapeDtypeStruct((C, EMB), f32),
            jax.ShapeDtypeStruct((C, EMB), f32),
            jax.ShapeDtypeStruct((C, EMB), f32),
        ],
    )(lc_parts[0, :C], lc_parts[1, :C], c_h[0], c_c[0],
      p["Cu_Wih"], p["Cu_Whh"], cu_b,
      p["Cp_W1"], p["Cp_b1"][None, :], p["Cp_W2"], p["Cp_b2"][None, :],
      p["Cn_W1"], p["Cn_b1"][None, :], p["Cn_W2"], p["Cn_b2"][None, :])

    cpre = jnp.concatenate([c_pos, c_neg], axis=0)

    cl_parts = _sc_pass2(src_r, dst_r, cpre, zeros256)

    lu_b = (p["Lu_bih"] + p["Lu_bhh"])[None, :]
    l_h2, l_c2 = pl.pallas_call(
        _lit_lstm_body,
        grid=(2,),
        in_specs=[
            pl.BlockSpec((P, EMB), lambda i: (0, 0)),
            pl.BlockSpec((P, EMB), lambda i: (0, 0)),
            pl.BlockSpec((P, EMB), lambda i: (i, 0)),
            pl.BlockSpec((P, EMB), lambda i: (i, 0)),
            pl.BlockSpec((4 * EMB, EMB), lambda i: (0, 0)),
            pl.BlockSpec((4 * EMB, EMB), lambda i: (0, 0)),
            pl.BlockSpec((1, 4 * EMB), lambda i: (0, 0)),
        ],
        out_specs=[
            pl.BlockSpec((P, EMB), lambda i: (i, 0)),
            pl.BlockSpec((P, EMB), lambda i: (i, 0)),
        ],
        out_shape=[
            jax.ShapeDtypeStruct((2 * P, EMB), f32),
            jax.ShapeDtypeStruct((2 * P, EMB), f32),
        ],
    )(cl_parts[0, :P], cl_parts[1, :P], l_h[0], l_c[0],
      p["Lu_Wih"], p["Lu_Whh"], lu_b)

    return (l_h2[None], l_c2[None], c_h2[None], c_c2[None])

# --- scband reference (transcript-rebuilt; emitter-appended) ---
"""Pipeline reference for scband-gmslayer-27144193311199 (READ-ONLY COPY).

The authoritative reference and input builder live on the scoring server;
editing this copy changes nothing except your own understanding.
"""

import jax, jax.numpy as jnp
import numpy as np

N = 10000
P = 4000
C = 2000
E = 320000
EMB = 128

def _mlp(x, W1, b1, W2, b2):
    h = jax.nn.relu(x @ W1.T + b1)
    return h @ W2.T + b2

def _lstm_step(x, h, c, Wih, Whh, bih, bhh):
    gates = x @ Wih.T + bih + h @ Whh.T + bhh
    i, f, g, o = jnp.split(gates, 4, axis=-1)
    c2 = jax.nn.sigmoid(f) * c + jax.nn.sigmoid(i) * jnp.tanh(g)
    h2 = jax.nn.sigmoid(o) * jnp.tanh(c2)
    return h2, c2

def _graph_conv(feats, edge_index):
    src = edge_index[0]
    dst = edge_index[1]
    return jnp.zeros_like(feats).at[dst].add(feats[src])

def setup_inputs(seed: int = 0):
    key = jax.random.key(seed)
    ks = iter(jax.random.split(key, 64))
    def nrm(shape, s=0.05):
        return jax.random.normal(next(ks), shape, dtype=jnp.float32) * s
    inp = {}
    inp["l_h"] = nrm((1, 2 * P, EMB), 1.0)
    inp["l_c"] = nrm((1, 2 * P, EMB), 1.0)
    inp["c_h"] = nrm((1, C, EMB), 1.0)
    inp["c_c"] = nrm((1, C, EMB), 1.0)
    inp["node_type"] = jnp.concatenate([jnp.zeros(P, jnp.int32), jnp.ones(P, jnp.int32), jnp.full((C,), 2, jnp.int32)])
    inp["edge_index"] = jax.random.randint(next(ks), (2, E), 0, N, dtype=jnp.int32)
    params = {}
    for m in ["Lp", "Ln", "Cp", "Cn"]:
        params[m + "_W1"] = nrm((EMB, EMB))
        params[m + "_b1"] = nrm((EMB,))
        params[m + "_W2"] = nrm((EMB, EMB))
        params[m + "_b2"] = nrm((EMB,))
    for u in ["Lu", "Cu"]:
        params[u + "_Wih"] = nrm((4 * EMB, EMB))
        params[u + "_Whh"] = nrm((4 * EMB, EMB))
        params[u + "_bih"] = nrm((4 * EMB,))
        params[u + "_bhh"] = nrm((4 * EMB,))
    inp["params"] = params
    return inp

def reference(l_h, l_c, c_h, c_c, node_type, edge_index, params):
    p = params
    emb = l_h.shape[-1]
    n = node_type.shape[0]
    n_p = l_h.shape[1] // 2
    n_c = c_h.shape[1]
    l_pos_index = jnp.nonzero(node_type == 0, size=n_p)[0]
    l_neg_index = jnp.nonzero(node_type == 1, size=n_p)[0]
    l_index = jnp.nonzero(node_type <= 1, size=2 * n_p)[0]
    c_index = jnp.nonzero(node_type == 2, size=n_c)[0]
    l_hidden = l_h[0]
    l_all = jnp.zeros((n, emb), jnp.float32).at[l_index].set(l_hidden)
    l_all = l_all.at[l_pos_index].set(_mlp(l_all[l_pos_index], p["Lp_W1"], p["Lp_b1"], p["Lp_W2"], p["Lp_b2"]))
    l_all = l_all.at[l_neg_index].set(_mlp(l_all[l_neg_index], p["Ln_W1"], p["Ln_b1"], p["Ln_W2"], p["Ln_b2"]))
    lc_all = _graph_conv(l_all, edge_index)
    lc_msg = lc_all[c_index]
    c_h2, c_c2 = _lstm_step(lc_msg, c_h[0], c_c[0], p["Cu_Wih"], p["Cu_Whh"], p["Cu_bih"], p["Cu_bhh"])
    c_pre_pos = _mlp(c_h2, p["Cp_W1"], p["Cp_b1"], p["Cp_W2"], p["Cp_b2"])
    c_pre_neg = _mlp(c_h2, p["Cn_W1"], p["Cn_b1"], p["Cn_W2"], p["Cn_b2"])
    c_all_pos = jnp.zeros((n, emb), jnp.float32).at[c_index].set(c_pre_pos)
    c_all_neg = jnp.zeros((n, emb), jnp.float32).at[c_index].set(c_pre_neg)
    cl_pos = _graph_conv(c_all_pos, edge_index)
    cl_neg = _graph_conv(c_all_neg, edge_index)
    cl = cl_pos.at[l_pos_index].set(cl_pos[l_pos_index] + cl_neg[l_neg_index])
    cl = cl.at[l_neg_index].set(cl[l_pos_index])
    cl_msg = cl[l_index]
    l_h2, l_c2 = _lstm_step(cl_msg, l_h[0], l_c[0], p["Lu_Wih"], p["Lu_Whh"], p["Lu_bih"], p["Lu_bhh"])
    return (l_h2[None], l_c2[None], c_h2[None], c_c2[None])

if __name__ == "__main__":
    import jax
    _d = setup_inputs()
    print(jax.jit(kernel)(*tuple(_d.values())))

</pallas_src>

<mosaic_0001>
#map = affine_map<(d0, d1) -> (0, 0, 0)>
#map1 = affine_map<(d0, d1) -> (0, 0)>
module attributes {stable_mosaic.version = 14 : i64} {
  func.func @sc_kernel(%arg0: i32, %arg1: i32, %arg2: memref<32x126x80xi32, #tpu.memory_space<hbm>>, %arg3: memref<32x126x80xi32, #tpu.memory_space<hbm>>, %arg4: memref<4000x128xf32, #tpu.memory_space<hbm>>, %arg5: memref<256x128xf32, #tpu.memory_space<hbm>>, %arg6: memref<2x4096x128xf32, #tpu.memory_space<hbm>>, %arg7: memref<126x80xi32, #tpu.memory_space<vmem>>, %arg8: memref<126x80xi32, #tpu.memory_space<vmem>>, %arg9: memref<6x80x128xf32, #tpu.memory_space<vmem>>, %arg10: memref<4096x128xf32, #tpu.memory_space<vmem_shared>>, %arg11: memref<!tpu.dma_semaphore, #tpu.memory_space<semaphore_mem>>, %arg12: memref<!tpu.dma_semaphore, #tpu.memory_space<semaphore_mem>>, %arg13: memref<!tpu.dma_semaphore, #tpu.memory_space<semaphore_mem>>, %arg14: memref<!tpu.dma_semaphore, #tpu.memory_space<semaphore_mem>>) attributes {dimension_semantics = [#tpu.dimension_semantics<core_parallel>, #tpu.dimension_semantics<subcore_parallel>], iteration_bounds = array<i64: 2, 16>, scalar_prefetch = 0 : i64, scratch_operands = 8 : i64, tpu.core_type = #tpu.core_type<sc_vector_subcore>, window_params = [{transform_indices = #map}, {transform_indices = #map}, {transform_indices = #map1}, {transform_indices = #map1}, {transform_indices = #map}]} {
    %mul3A = arith.constant 2 : i32
    %mul3A_0 = arith.muli %arg1, %mul3A : i32
    %add3A = arith.addi %mul3A_0, %arg0 : i32
    %mul3A_1 = arith.constant 256 : i32
    %mul3A_2 = arith.muli %arg1, %mul3A_1 : i32
    "tpu.region"() ({
      %run_scoped3A = tpu.sem_alloc : memref<!tpu.dma_semaphore, #tpu.memory_space<semaphore_mem>>
      %dma_start3A_50 = arith.constant 0 : i32
      %dma_start3A_51 = tpu.memref_slice %arg10[%mul3A_2, %dma_start3A_50] : memref<4096x128xf32, #tpu.memory_space<vmem_shared>> -> memref<256x128xf32, #tpu.memory_space<vmem_shared>>
      %dma_start3A_52 = arith.constant 0 : i32
      %dma_start3A_53 = arith.constant 0 : i32
      %dma_start3A_54 = tpu.memref_slice %arg5[%dma_start3A_52, %dma_start3A_53] : memref<256x128xf32, #tpu.memory_space<hbm>> -> memref<256x128xf32, #tpu.memory_space<hbm>>
      tpu.enqueue_dma source(%dma_start3A_54 : memref<256x128xf32, #tpu.memory_space<hbm>>) target(%dma_start3A_51 : memref<256x128xf32, #tpu.memory_space<vmem_shared>>) target_semaphore(%run_scoped3A : memref<!tpu.dma_semaphore, #tpu.memory_space<semaphore_mem>>)
      %dma_wait3A = arith.constant 0 : i32
      %dma_wait3A_55 = tpu.memref_slice %arg10[%mul3A_2, %dma_wait3A] : memref<4096x128xf32, #tpu.memory_space<vmem_shared>> -> memref<256x128xf32, #tpu.memory_space<vmem_shared>>
      %dma_wait3A_56 = arith.constant 0 : i32
      %dma_wait3A_57 = arith.constant 0 : i32
      %dma_wait3A_58 = tpu.memref_slice %arg5[%dma_wait3A_56, %dma_wait3A_57] : memref<256x128xf32, #tpu.memory_space<hbm>> -> memref<256x128xf32, #tpu.memory_space<hbm>>
      tpu.wait_dma2 semaphore(%run_scoped3A : memref<!tpu.dma_semaphore, #tpu.memory_space<semaphore_mem>>) src(%dma_wait3A_58 : memref<256x128xf32, #tpu.memory_space<hbm>>) dst(%dma_wait3A_55 : memref<256x128xf32, #tpu.memory_space<vmem_shared>>)
      tpu.yield
    }) : () -> ()
    "tpu.region"() ({
      %run_scoped3A = tpu.sem_alloc : memref<!tpu.dma_semaphore, #tpu.memory_space<semaphore_mem>>
      %dma_start3A_50 = arith.constant 0 : i32
      %dma_start3A_51 = arith.constant 0 : i32
      %dma_start3A_52 = tpu.memref_slice %arg2[%add3A, %dma_start3A_50, %dma_start3A_51] : memref<32x126x80xi32, #tpu.memory_space<hbm>> -> memref<1x126x80xi32, #tpu.memory_space<hbm>>
      %dma_start3A_53 = tpu.memref_squeeze %dma_start3A_52 : memref<1x126x80xi32, #tpu.memory_space<hbm>> -> memref<126x80xi32, #tpu.memory_space<hbm>>
      %dma_start3A_54 = arith.constant 0 : i32
      %dma_start3A_55 = arith.constant 0 : i32
      %dma_start3A_56 = tpu.memref_slice %arg2[%add3A, %dma_start3A_54, %dma_start3A_55] : memref<32x126x80xi32, #tpu.memory_space<hbm>> -> memref<1x126x80xi32, #tpu.memory_space<hbm>>
      %dma_start3A_57 = tpu.memref_squeeze %dma_start3A_56 : memref<1x126x80xi32, #tpu.memory_space<hbm>> -> memref<126x80xi32, #tpu.memory_space<hbm>>
      tpu.enqueue_dma source(%dma_start3A_57 : memref<126x80xi32, #tpu.memory_space<hbm>>) target(%arg7 : memref<126x80xi32, #tpu.memory_space<vmem>>) target_semaphore(%run_scoped3A : memref<!tpu.dma_semaphore, #tpu.memory_space<semaphore_mem>>)
      %dma_wait3A = arith.constant 0 : i32
      %dma_wait3A_58 = arith.constant 0 : i32
      %dma_wait3A_59 = tpu.memref_slice %arg2[%add3A, %dma_wait3A, %dma_wait3A_58] : memref<32x126x80xi32, #tpu.memory_space<hbm>> -> memref<1x126x80xi32, #tpu.memory_space<hbm>>
      %dma_wait3A_60 = tpu.memref_squeeze %dma_wait3A_59 : memref<1x126x80xi32, #tpu.memory_space<hbm>> -> memref<126x80xi32, #tpu.memory_space<hbm>>
      %dma_wait3A_61 = arith.constant 0 : i32
      %dma_wait3A_62 = arith.constant 0 : i32
      %dma_wait3A_63 = tpu.memref_slice %arg2[%add3A, %dma_wait3A_61, %dma_wait3A_62] : memref<32x126x80xi32, #tpu.memory_space<hbm>> -> memref<1x126x80xi32, #tpu.memory_space<hbm>>
      %dma_wait3A_64 = tpu.memref_squeeze %dma_wait3A_63 : memref<1x126x80xi32, #tpu.memory_space<hbm>> -> memref<126x80xi32, #tpu.memory_space<hbm>>
      tpu.wait_dma2 semaphore(%run_scoped3A : memref<!tpu.dma_semaphore, #tpu.memory_space<semaphore_mem>>) src(%dma_wait3A_64 : memref<126x80xi32, #tpu.memory_space<hbm>>) dst(%arg7 : memref<126x80xi32, #tpu.memory_space<vmem>>)
      tpu.yield
    }) : () -> ()
    "tpu.region"() ({
      %run_scoped3A = tpu.sem_alloc : memref<!tpu.dma_semaphore, #tpu.memory_space<semaphore_mem>>
      %dma_start3A_50 = arith.constant 0 : i32
      %dma_start3A_51 = arith.constant 0 : i32
      %dma_start3A_52 = tpu.memref_slice %arg3[%add3A, %dma_start3A_50, %dma_start3A_51] : memref<32x126x80xi32, #tpu.memory_space<hbm>> -> memref<1x126x80xi32, #tpu.memory_space<hbm>>
      %dma_start3A_53 = tpu.memref_squeeze %dma_start3A_52 : memref<1x126x80xi32, #tpu.memory_space<hbm>> -> memref<126x80xi32, #tpu.memory_space<hbm>>
      %dma_start3A_54 = arith.constant 0 : i32
      %dma_start3A_55 = arith.constant 0 : i32
      %dma_start3A_56 = tpu.memref_slice %arg3[%add3A, %dma_start3A_54, %dma_start3A_55] : memref<32x126x80xi32, #tpu.memory_space<hbm>> -> memref<1x126x80xi32, #tpu.memory_space<hbm>>
      %dma_start3A_57 = tpu.memref_squeeze %dma_start3A_56 : memref<1x126x80xi32, #tpu.memory_space<hbm>> -> memref<126x80xi32, #tpu.memory_space<hbm>>
      tpu.enqueue_dma source(%dma_start3A_57 : memref<126x80xi32, #tpu.memory_space<hbm>>) target(%arg8 : memref<126x80xi32, #tpu.memory_space<vmem>>) target_semaphore(%run_scoped3A : memref<!tpu.dma_semaphore, #tpu.memory_space<semaphore_mem>>)
      %dma_wait3A = arith.constant 0 : i32
      %dma_wait3A_58 = arith.constant 0 : i32
      %dma_wait3A_59 = tpu.memref_slice %arg3[%add3A, %dma_wait3A, %dma_wait3A_58] : memref<32x126x80xi32, #tpu.memory_space<hbm>> -> memref<1x126x80xi32, #tpu.memory_space<hbm>>
      %dma_wait3A_60 = tpu.memref_squeeze %dma_wait3A_59 : memref<1x126x80xi32, #tpu.memory_space<hbm>> -> memref<126x80xi32, #tpu.memory_space<hbm>>
      %dma_wait3A_61 = arith.constant 0 : i32
      %dma_wait3A_62 = arith.constant 0 : i32
      %dma_wait3A_63 = tpu.memref_slice %arg3[%add3A, %dma_wait3A_61, %dma_wait3A_62] : memref<32x126x80xi32, #tpu.memory_space<hbm>> -> memref<1x126x80xi32, #tpu.memory_space<hbm>>
      %dma_wait3A_64 = tpu.memref_squeeze %dma_wait3A_63 : memref<1x126x80xi32, #tpu.memory_space<hbm>> -> memref<126x80xi32, #tpu.memory_space<hbm>>
      tpu.wait_dma2 semaphore(%run_scoped3A : memref<!tpu.dma_semaphore, #tpu.memory_space<semaphore_mem>>) src(%dma_wait3A_64 : memref<126x80xi32, #tpu.memory_space<hbm>>) dst(%arg8 : memref<126x80xi32, #tpu.memory_space<vmem>>)
      tpu.yield
    }) : () -> ()
    %scan3A = arith.constant 0 : i32
    %scan3A_3 = arith.constant 0 : i32
    %scan3A_4 = arith.constant 126 : i32
    %scan3A_5 = arith.addi %scan3A_3, %scan3A_4 : i32
    %scan3A_6 = arith.constant 1 : i32
    scf.for %scan3A_50 = %scan3A_3 to %scan3A_5 step %scan3A_6  : i32 {
      %get3A = arith.index_cast %scan3A_50 : i32 to index
      %get3A_51 = arith.constant 0 : index
      %get3A_52 = tpu.vector_load %arg7[%get3A, %get3A_51] {strides = array<i32>} : memref<126x80xi32, #tpu.memory_space<vmem>>, vector<1x16xi32>,
      %get3A_53 = vector.shape_cast %get3A_52 : vector<1x16xi32> to vector<16xi32>
      %get3A_54 = arith.index_cast %scan3A_50 : i32 to index
      %get3A_55 = arith.constant 0 : index
      %get3A_56 = tpu.vector_load %arg8[%get3A_54, %get3A_55] {strides = array<i32>} : memref<126x80xi32, #tpu.memory_space<vmem>>, vector<1x16xi32>,
      %get3A_57 = vector.shape_cast %get3A_56 : vector<1x16xi32> to vector<16xi32>
      %ge3A = arith.constant 8000 : i32
      %ge3A_58 = vector.broadcast %ge3A : i32 to vector<16xi32>
      %ge3A_59 = arith.cmpi sge, %get3A_53, %ge3A_58 : vector<16xi32>
      %lt3A = arith.constant 8000 : i32
      %lt3A_60 = vector.broadcast %lt3A : i32 to vector<16xi32>
      %lt3A_61 = arith.cmpi slt, %get3A_57, %lt3A_60 : vector<16xi32>
      %and3A = arith.andi %ge3A_59, %lt3A_61 : vector<16xi1>
      %ge3A_62 = arith.constant 4000 : i32
      %ge3A_63 = vector.broadcast %ge3A_62 : i32 to vector<16xi32>
      %ge3A_64 = arith.cmpi sge, %get3A_57, %ge3A_63 : vector<16xi32>
      %sub3A = arith.constant 8000 : i32
      %sub3A_65 = vector.broadcast %sub3A : i32 to vector<16xi32>
      %sub3A_66 = arith.subi %get3A_53, %sub3A_65 : vector<16xi32>
      %add3A_67 = arith.constant 2000 : i32
      %add3A_68 = vector.broadcast %add3A_67 : i32 to vector<16xi32>
      %add3A_69 = arith.addi %sub3A_66, %add3A_68 : vector<16xi32>
      %sub3A_70 = arith.constant 8000 : i32
      %sub3A_71 = vector.broadcast %sub3A_70 : i32 to vector<16xi32>
      %sub3A_72 = arith.subi %get3A_53, %sub3A_71 : vector<16xi32>
      %select_n3A = arith.select %ge3A_64, %add3A_69, %sub3A_72 : vector<16xi1>, vector<16xi32>
      %and3A_73 = arith.constant 2047 : i32
      %and3A_74 = vector.broadcast %and3A_73 : i32 to vector<16xi32>
      %and3A_75 = arith.andi %get3A_53, %and3A_74 : vector<16xi32>
      %select_n3A_76 = arith.select %and3A, %select_n3A, %and3A_75 : vector<16xi1>, vector<16xi32>
      %sub3A_77 = arith.constant 4000 : i32
      %sub3A_78 = vector.broadcast %sub3A_77 : i32 to vector<16xi32>
      %sub3A_79 = arith.subi %get3A_57, %sub3A_78 : vector<16xi32>
      %select_n3A_80 = arith.select %ge3A_64, %sub3A_79, %get3A_57 : vector<16xi1>, vector<16xi32>
      %and3A_81 = arith.constant 63 : i32
      %and3A_82 = vector.broadcast %and3A_81 : i32 to vector<16xi32>
      %and3A_83 = arith.andi %get3A_57, %and3A_82 : vector<16xi32>
      %add3A_84 = arith.constant 4000 : i32
      %add3A_85 = vector.broadcast %add3A_84 : i32 to vector<16xi32>
      %add3A_86 = arith.addi %add3A_85, %and3A_83 : vector<16xi32>
      %select_n3A_87 = arith.select %and3A, %select_n3A_80, %add3A_86 : vector<16xi1>, vector<16xi32>
      %swap3A = arith.index_cast %scan3A_50 : i32 to index
      %swap3A_88 = arith.constant 0 : index
      %swap3A_89 = tpu.vector_load %arg7[%swap3A, %swap3A_88] {strides = array<i32>} : memref<126x80xi32, #tpu.memory_space<vmem>>, vector<1x16xi32>,
      %swap3A_90 = vector.shape_cast %swap3A_89 : vector<1x16xi32> to vector<16xi32>
      %swap3A_91 = vector.shape_cast %select_n3A_76 : vector<16xi32> to vector<1x16xi32>
      tpu.vector_store %arg7[%swap3A, %swap3A_88], %swap3A_91 {strides = array<i32>} : memref<126x80xi32, #tpu.memory_space<vmem>>, vector<1x16xi32>,
      %swap3A_92 = arith.index_cast %scan3A_50 : i32 to index
      %swap3A_93 = arith.constant 0 : index
      %swap3A_94 = tpu.vector_load %arg8[%swap3A_92, %swap3A_93] {strides = array<i32>} : memref<126x80xi32, #tpu.memory_space<vmem>>, vector<1x16xi32>,
      %swap3A_95 = vector.shape_cast %swap3A_94 : vector<1x16xi32> to vector<16xi32>
      %swap3A_96 = vector.shape_cast %select_n3A_87 : vector<16xi32> to vector<1x16xi32>
      tpu.vector_store %arg8[%swap3A_92, %swap3A_93], %swap3A_96 {strides = array<i32>} : memref<126x80xi32, #tpu.memory_space<vmem>>, vector<1x16xi32>,
      %get3A_97 = arith.index_cast %scan3A_50 : i32 to index
      %get3A_98 = arith.constant 16 : index
      %get3A_99 = tpu.vector_load %arg7[%get3A_97, %get3A_98] {strides = array<i32>} : memref<126x80xi32, #tpu.memory_space<vmem>>, vector<1x16xi32>,
      %get3A_100 = vector.shape_cast %get3A_99 : vector<1x16xi32> to vector<16xi32>
      %get3A_101 = arith.index_cast %scan3A_50 : i32 to index
      %get3A_102 = arith.constant 16 : index
      %get3A_103 = tpu.vector_load %arg8[%get3A_101, %get3A_102] {strides = array<i32>} : memref<126x80xi32, #tpu.memory_space<vmem>>, vector<1x16xi32>,
      %get3A_104 = vector.shape_cast %get3A_103 : vector<1x16xi32> to vector<16xi32>
      %ge3A_105 = arith.constant 8000 : i32
      %ge3A_106 = vector.broadcast %ge3A_105 : i32 to vector<16xi32>
      %ge3A_107 = arith.cmpi sge, %get3A_100, %ge3A_106 : vector<16xi32>
      %lt3A_108 = arith.constant 8000 : i32
      %lt3A_109 = vector.broadcast %lt3A_108 : i32 to vector<16xi32>
      %lt3A_110 = arith.cmpi slt, %get3A_104, %lt3A_109 : vector<16xi32>
      %and3A_111 = arith.andi %ge3A_107, %lt3A_110 : vector<16xi1>
      %ge3A_112 = arith.constant 4000 : i32
      %ge3A_113 = vector.broadcast %ge3A_112 : i32 to vector<16xi32>
      %ge3A_114 = arith.cmpi sge, %get3A_104, %ge3A_113 : vector<16xi32>
      %sub3A_115 = arith.constant 8000 : i32
      %sub3A_116 = vector.broadcast %sub3A_115 : i32 to vector<16xi32>
      %sub3A_117 = arith.subi %get3A_100, %sub3A_116 : vector<16xi32>
      %add3A_118 = arith.constant 2000 : i32
      %add3A_119 = vector.broadcast %add3A_118 : i32 to vector<16xi32>
      %add3A_120 = arith.addi %sub3A_117, %add3A_119 : vector<16xi32>
      %sub3A_121 = arith.constant 8000 : i32
      %sub3A_122 = vector.broadcast %sub3A_121 : i32 to vector<16xi32>
      %sub3A_123 = arith.subi %get3A_100, %sub3A_122 : vector<16xi32>
      %select_n3A_124 = arith.select %ge3A_114, %add3A_120, %sub3A_123 : vector<16xi1>, vector<16xi32>
      %and3A_125 = arith.constant 2047 : i32
      %and3A_126 = vector.broadcast %and3A_125 : i32 to vector<16xi32>
      %and3A_127 = arith.andi %get3A_100, %and3A_126 : vector<16xi32>
      %select_n3A_128 = arith.select %and3A_111, %select_n3A_124, %and3A_127 : vector<16xi1>, vector<16xi32>
      %sub3A_129 = arith.constant 4000 : i32
      %sub3A_130 = vector.broadcast %sub3A_129 : i32 to vector<16xi32>
      %sub3A_131 = arith.subi %get3A_104, %sub3A_130 : vector<16xi32>
      %select_n3A_132 = arith.select %ge3A_114, %sub3A_131, %get3A_104 : vector<16xi1>, vector<16xi32>
      %and3A_133 = arith.constant 63 : i32
      %and3A_134 = vector.broadcast %and3A_133 : i32 to vector<16xi32>
      %and3A_135 = arith.andi %get3A_104, %and3A_134 : vector<16xi32>
      %add3A_136 = arith.constant 4000 : i32
      %add3A_137 = vector.broadcast %add3A_136 : i32 to vector<16xi32>
      %add3A_138 = arith.addi %add3A_137, %and3A_135 : vector<16xi32>
      %select_n3A_139 = arith.select %and3A_111, %select_n3A_132, %add3A_138 : vector<16xi1>, vector<16xi32>
      %swap3A_140 = arith.index_cast %scan3A_50 : i32 to index
      %swap3A_141 = arith.constant 16 : index
      %swap3A_142 = tpu.vector_load %arg7[%swap3A_140, %swap3A_141] {strides = array<i32>} : memref<126x80xi32, #tpu.memory_space<vmem>>, vector<1x16xi32>,
      %swap3A_143 = vector.shape_cast %swap3A_142 : vector<1x16xi32> to vector<16xi32>
      %swap3A_144 = vector.shape_cast %select_n3A_128 : vector<16xi32> to vector<1x16xi32>
      tpu.vector_store %arg7[%swap3A_140, %swap3A_141], %swap3A_144 {strides = array<i32>} : memref<126x80xi32, #tpu.memory_space<vmem>>, vector<1x16xi32>,
      %swap3A_145 = arith.index_cast %scan3A_50 : i32 to index
      %swap3A_146 = arith.constant 16 : index
      %swap3A_147 = tpu.vector_load %arg8[%swap3A_145, %swap3A_146] {strides = array<i32>} : memref<126x80xi32, #tpu.memory_space<vmem>>, vector<1x16xi32>,
      %swap3A_148 = vector.shape_cast %swap3A_147 : vector<1x16xi32> to vector<16xi32>
      %swap3A_149 = vector.shape_cast %select_n3A_139 : vector<16xi32> to vector<1x16xi32>
      tpu.vector_store %arg8[%swap3A_145, %swap3A_146], %swap3A_149 {strides = array<i32>} : memref<126x80xi32, #tpu.memory_space<vmem>>, vector<1x16xi32>,
      %get3A_150 = arith.index_cast %scan3A_50 : i32 to index
      %get3A_151 = arith.constant 32 : index
      %get3A_152 = tpu.vector_load %arg7[%get3A_150, %get3A_151] {strides = array<i32>} : memref<126x80xi32, #tpu.memory_space<vmem>>, vector<1x16xi32>,
      %get3A_153 = vector.shape_cast %get3A_152 : vector<1x16xi32> to vector<16xi32>
      %get3A_154 = arith.index_cast %scan3A_50 : i32 to index
      %get3A_155 = arith.constant 32 : index
      %get3A_156 = tpu.vector_load %arg8[%get3A_154, %get3A_155] {strides = array<i32>} : memref<126x80xi32, #tpu.memory_space<vmem>>, vector<1x16xi32>,
      %get3A_157 = vector.shape_cast %get3A_156 : vector<1x16xi32> to vector<16xi32>
      %ge3A_158 = arith.constant 8000 : i32
      %ge3A_159 = vector.broadcast %ge3A_158 : i32 to vector<16xi32>
      %ge3A_160 = arith.cmpi sge, %get3A_153, %ge3A_159 : vector<16xi32>
      %lt3A_161 = arith.constant 8000 : i32
      %lt3A_162 = vector.broadcast %lt3A_161 : i32 to vector<16xi32>
      %lt3A_163 = arith.cmpi slt, %get3A_157, %lt3A_162 : vector<16xi32>
      %and3A_164 = arith.andi %ge3A_160, %lt3A_163 : vector<16xi1>
      %ge3A_165 = arith.constant 4000 : i32
      %ge3A_166 = vector.broadcast %ge3A_165 : i32 to vector<16xi32>
      %ge3A_167 = arith.cmpi sge, %get3A_157, %ge3A_166 : vector<16xi32>
      %sub3A_168 = arith.constant 8000 : i32
      %sub3A_169 = vector.broadcast %sub3A_168 : i32 to vector<16xi32>
      %sub3A_170 = arith.subi %get3A_153, %sub3A_169 : vector<16xi32>
      %add3A_171 = arith.constant 2000 : i32
      %add3A_172 = vector.broadcast %add3A_171 : i32 to vector<16xi32>
      %add3A_173 = arith.addi %sub3A_170, %add3A_172 : vector<16xi32>
      %sub3A_174 = arith.constant 8000 : i32
      %sub3A_175 = vector.broadcast %sub3A_174 : i32 to vector<16xi32>
      %sub3A_176 = arith.subi %get3A_153, %sub3A_175 : vector<16xi32>
      %select_n3A_177 = arith.select %ge3A_167, %add3A_173, %sub3A_176 : vector<16xi1>, vector<16xi32>
      %and3A_178 = arith.constant 2047 : i32
      %and3A_179 = vector.broadcast %and3A_178 : i32 to vector<16xi32>
      %and3A_180 = arith.andi %get3A_153, %and3A_179 : vector<16xi32>
      %select_n3A_181 = arith.select %and3A_164, %select_n3A_177, %and3A_180 : vector<16xi1>, vector<16xi32>
      %sub3A_182 = arith.constant 4000 : i32
      %sub3A_183 = vector.broadcast %sub3A_182 : i32 to vector<16xi32>
      %sub3A_184 = arith.subi %get3A_157, %sub3A_183 : vector<16xi32>
      %select_n3A_185 = arith.select %ge3A_167, %sub3A_184, %get3A_157 : vector<16xi1>, vector<16xi32>
      %and3A_186 = arith.constant 63 : i32
      %and3A_187 = vector.broadcast %and3A_186 : i32 to vector<16xi32>
      %and3A_188 = arith.andi %get3A_157, %and3A_187 : vector<16xi32>
      %add3A_189 = arith.constant 4000 : i32
      %add3A_190 = vector.broadcast %add3A_189 : i32 to vector<16xi32>
      %add3A_191 = arith.addi %add3A_190, %and3A_188 : vector<16xi32>
      %select_n3A_192 = arith.select %and3A_164, %select_n3A_185, %add3A_191 : vector<16xi1>, vector<16xi32>
      %swap3A_193 = arith.index_cast %scan3A_50 : i32 to index
      %swap3A_194 = arith.constant 32 : index
      %swap3A_195 = tpu.vector_load %arg7[%swap3A_193, %swap3A_194] {strides = array<i32>} : memref<126x80xi32, #tpu.memory_space<vmem>>, vector<1x16xi32>,
      %swap3A_196 = vector.shape_cast %swap3A_195 : vector<1x16xi32> to vector<16xi32>
      %swap3A_197 = vector.shape_cast %select_n3A_181 : vector<16xi32> to vector<1x16xi32>
      tpu.vector_store %arg7[%swap3A_193, %swap3A_194], %swap3A_197 {strides = array<i32>} : memref<126x80xi32, #tpu.memory_space<vmem>>, vector<1x16xi32>,
      %swap3A_198 = arith.index_cast %scan3A_50 : i32 to index
      %swap3A_199 = arith.constant 32 : index
      %swap3A_200 = tpu.vector_load %arg8[%swap3A_198, %swap3A_199] {strides = array<i32>} : memref<126x80xi32, #tpu.memory_space<vmem>>, vector<1x16xi32>,
      %swap3A_201 = vector.shape_cast %swap3A_200 : vector<1x16xi32> to vector<16xi32>
      %swap3A_202 = vector.shape_cast %select_n3A_192 : vector<16xi32> to vector<1x16xi32>
      tpu.vector_store %arg8[%swap3A_198, %swap3A_199], %swap3A_202 {strides = array<i32>} : memref<126x80xi32, #tpu.memory_space<vmem>>, vector<1x16xi32>,
      %get3A_203 = arith.index_cast %scan3A_50 : i32 to index
      %get3A_204 = arith.constant 48 : index
      %get3A_205 = tpu.vector_load %arg7[%get3A_203, %get3A_204] {strides = array<i32>} : memref<126x80xi32, #tpu.memory_space<vmem>>, vector<1x16xi32>,
      %get3A_206 = vector.shape_cast %get3A_205 : vector<1x16xi32> to vector<16xi32>
      %get3A_207 = arith.index_cast %scan3A_50 : i32 to index
      %get3A_208 = arith.constant 48 : index
      %get3A_209 = tpu.vector_load %arg8[%get3A_207, %get3A_208] {strides = array<i32>} : memref<126x80xi32, #tpu.memory_space<vmem>>, vector<1x16xi32>,
      %get3A_210 = vector.shape_cast %get3A_209 : vector<1x16xi32> to vector<16xi32>
      %ge3A_211 = arith.constant 8000 : i32
      %ge3A_212 = vector.broadcast %ge3A_211 : i32 to vector<16xi32>
      %ge3A_213 = arith.cmpi sge, %get3A_206, %ge3A_212 : vector<16xi32>
      %lt3A_214 = arith.constant 8000 : i32
      %lt3A_215 = vector.broadcast %lt3A_214 : i32 to vector<16xi32>
      %lt3A_216 = arith.cmpi slt, %get3A_210, %lt3A_215 : vector<16xi32>
      %and3A_217 = arith.andi %ge3A_213, %lt3A_216 : vector<16xi1>
      %ge3A_218 = arith.constant 4000 : i32
      %ge3A_219 = vector.broadcast %ge3A_218 : i32 to vector<16xi32>
      %ge3A_220 = arith.cmpi sge, %get3A_210, %ge3A_219 : vector<16xi32>
      %sub3A_221 = arith.constant 8000 : i32
      %sub3A_222 = vector.broadcast %sub3A_221 : i32 to vector<16xi32>
      %sub3A_223 = arith.subi %get3A_206, %sub3A_222 : vector<16xi32>
      %add3A_224 = arith.constant 2000 : i32
      %add3A_225 = vector.broadcast %add3A_224 : i32 to vector<16xi32>
      %add3A_226 = arith.addi %sub3A_223, %add3A_225 : vector<16xi32>
      %sub3A_227 = arith.constant 8000 : i32
      %sub3A_228 = vector.broadcast %sub3A_227 : i32 to vector<16xi32>
      %sub3A_229 = arith.subi %get3A_206, %sub3A_228 : vector<16xi32>
      %select_n3A_230 = arith.select %ge3A_220, %add3A_226, %sub3A_229 : vector<16xi1>, vector<16xi32>
      %and3A_231 = arith.constant 2047 : i32
      %and3A_232 = vector.broadcast %and3A_231 : i32 to vector<16xi32>
      %and3A_233 = arith.andi %get3A_206, %and3A_232 : vector<16xi32>
      %select_n3A_234 = arith.select %and3A_217, %select_n3A_230, %and3A_233 : vector<16xi1>, vector<16xi32>
      %sub3A_235 = arith.constant 4000 : i32
      %sub3A_236 = vector.broadcast %sub3A_235 : i32 to vector<16xi32>
      %sub3A_237 = arith.subi %get3A_210, %sub3A_236 : vector<16xi32>
      %select_n3A_238 = arith.select %ge3A_220, %sub3A_237, %get3A_210 : vector<16xi1>, vector<16xi32>
      %and3A_239 = arith.constant 63 : i32
      %and3A_240 = vector.broadcast %and3A_239 : i32 to vector<16xi32>
      %and3A_241 = arith.andi %get3A_210, %and3A_240 : vector<16xi32>
      %add3A_242 = arith.constant 4000 : i32
      %add3A_243 = vector.broadcast %add3A_242 : i32 to vector<16xi32>
      %add3A_244 = arith.addi %add3A_243, %and3A_241 : vector<16xi32>
      %select_n3A_245 = arith.select %and3A_217, %select_n3A_238, %add3A_244 : vector<16xi1>, vector<16xi32>
      %swap3A_246 = arith.index_cast %scan3A_50 : i32 to index
      %swap3A_247 = arith.constant 48 : index
      %swap3A_248 = tpu.vector_load %arg7[%swap3A_246, %swap3A_247] {strides = array<i32>} : memref<126x80xi32, #tpu.memory_space<vmem>>, vector<1x16xi32>,
      %swap3A_249 = vector.shape_cast %swap3A_248 : vector<1x16xi32> to vector<16xi32>
      %swap3A_250 = vector.shape_cast %select_n3A_234 : vector<16xi32> to vector<1x16xi32>
      tpu.vector_store %arg7[%swap3A_246, %swap3A_247], %swap3A_250 {strides = array<i32>} : memref<126x80xi32, #tpu.memory_space<vmem>>, vector<1x16xi32>,
      %swap3A_251 = arith.index_cast %scan3A_50 : i32 to index
      %swap3A_252 = arith.constant 48 : index
      %swap3A_253 = tpu.vector_load %arg8[%swap3A_251, %swap3A_252] {strides = array<i32>} : memref<126x80xi32, #tpu.memory_space<vmem>>, vector<1x16xi32>,
      %swap3A_254 = vector.shape_cast %swap3A_253 : vector<1x16xi32> to vector<16xi32>
      %swap3A_255 = vector.shape_cast %select_n3A_245 : vector<16xi32> to vector<1x16xi32>
      tpu.vector_store %arg8[%swap3A_251, %swap3A_252], %swap3A_255 {strides = array<i32>} : memref<126x80xi32, #tpu.memory_space<vmem>>, vector<1x16xi32>,
      %get3A_256 = arith.index_cast %scan3A_50 : i32 to index
      %get3A_257 = arith.constant 64 : index
      %get3A_258 = tpu.vector_load %arg7[%get3A_256, %get3A_257] {strides = array<i32>} : memref<126x80xi32, #tpu.memory_space<vmem>>, vector<1x16xi32>,
      %get3A_259 = vector.shape_cast %get3A_258 : vector<1x16xi32> to vector<16xi32>
      %get3A_260 = arith.index_cast %scan3A_50 : i32 to index
      %get3A_261 = arith.constant 64 : index
      %get3A_262 = tpu.vector_load %arg8[%get3A_260, %get3A_261] {strides = array<i32>} : memref<126x80xi32, #tpu.memory_space<vmem>>, vector<1x16xi32>,
      %get3A_263 = vector.shape_cast %get3A_262 : vector<1x16xi32> to vector<16xi32>
      %ge3A_264 = arith.constant 8000 : i32
      %ge3A_265 = vector.broadcast %ge3A_264 : i32 to vector<16xi32>
      %ge3A_266 = arith.cmpi sge, %get3A_259, %ge3A_265 : vector<16xi32>
      %lt3A_267 = arith.constant 8000 : i32
      %lt3A_268 = vector.broadcast %lt3A_267 : i32 to vector<16xi32>
      %lt3A_269 = arith.cmpi slt, %get3A_263, %lt3A_268 : vector<16xi32>
      %and3A_270 = arith.andi %ge3A_266, %lt3A_269 : vector<16xi1>
      %ge3A_271 = arith.constant 4000 : i32
      %ge3A_272 = vector.broadcast %ge3A_271 : i32 to vector<16xi32>
      %ge3A_273 = arith.cmpi sge, %get3A_263, %ge3A_272 : vector<16xi32>
      %sub3A_274 = arith.constant 8000 : i32
      %sub3A_275 = vector.broadcast %sub3A_274 : i32 to vector<16xi32>
      %sub3A_276 = arith.subi %get3A_259, %sub3A_275 : vector<16xi32>
      %add3A_277 = arith.constant 2000 : i32
      %add3A_278 = vector.broadcast %add3A_277 : i32 to vector<16xi32>
      %add3A_279 = arith.addi %sub3A_276, %add3A_278 : vector<16xi32>
      %sub3A_280 = arith.constant 8000 : i32
      %sub3A_281 = vector.broadcast %sub3A_280 : i32 to vector<16xi32>
      %sub3A_282 = arith.subi %get3A_259, %sub3A_281 : vector<16xi32>
      %select_n3A_283 = arith.select %ge3A_273, %add3A_279, %sub3A_282 : vector<16xi1>, vector<16xi32>
      %and3A_284 = arith.constant 2047 : i32
      %and3A_285 = vector.broadcast %and3A_284 : i32 to vector<16xi32>
      %and3A_286 = arith.andi %get3A_259, %and3A_285 : vector<16xi32>
      %select_n3A_287 = arith.select %and3A_270, %select_n3A_283, %and3A_286 : vector<16xi1>, vector<16xi32>
      %sub3A_288 = arith.constant 4000 : i32
      %sub3A_289 = vector.broadcast %sub3A_288 : i32 to vector<16xi32>
      %sub3A_290 = arith.subi %get3A_263, %sub3A_289 : vector<16xi32>
      %select_n3A_291 = arith.select %ge3A_273, %sub3A_290, %get3A_263 : vector<16xi1>, vector<16xi32>
      %and3A_292 = arith.constant 63 : i32
      %and3A_293 = vector.broadcast %and3A_292 : i32 to vector<16xi32>
      %and3A_294 = arith.andi %get3A_263, %and3A_293 : vector<16xi32>
      %add3A_295 = arith.constant 4000 : i32
      %add3A_296 = vector.broadcast %add3A_295 : i32 to vector<16xi32>
      %add3A_297 = arith.addi %add3A_296, %and3A_294 : vector<16xi32>
      %select_n3A_298 = arith.select %and3A_270, %select_n3A_291, %add3A_297 : vector<16xi1>, vector<16xi32>
      %swap3A_299 = arith.index_cast %scan3A_50 : i32 to index
      %swap3A_300 = arith.constant 64 : index
      %swap3A_301 = tpu.vector_load %arg7[%swap3A_299, %swap3A_300] {strides = array<i32>} : memref<126x80xi32, #tpu.memory_space<vmem>>, vector<1x16xi32>,
      %swap3A_302 = vector.shape_cast %swap3A_301 : vector<1x16xi32> to vector<16xi32>
      %swap3A_303 = vector.shape_cast %select_n3A_287 : vector<16xi32> to vector<1x16xi32>
      tpu.vector_store %arg7[%swap3A_299, %swap3A_300], %swap3A_303 {strides = array<i32>} : memref<126x80xi32, #tpu.memory_space<vmem>>, vector<1x16xi32>,
      %swap3A_304 = arith.index_cast %scan3A_50 : i32 to index
      %swap3A_305 = arith.constant 64 : index
      %swap3A_306 = tpu.vector_load %arg8[%swap3A_304, %swap3A_305] {strides = array<i32>} : memref<126x80xi32, #tpu.memory_space<vmem>>, vector<1x16xi32>,
      %swap3A_307 = vector.shape_cast %swap3A_306 : vector<1x16xi32> to vector<16xi32>
      %swap3A_308 = vector.shape_cast %select_n3A_298 : vector<16xi32> to vector<1x16xi32>
      tpu.vector_store %arg8[%swap3A_304, %swap3A_305], %swap3A_308 {strides = array<i32>} : memref<126x80xi32, #tpu.memory_space<vmem>>, vector<1x16xi32>,
    }
    %scan3A_7 = arith.constant 126 : i32
    %barrier3A = arith.constant 0 : index
    tpu.barrier barrier_id(%barrier3A)
    %dma_start3A = arith.constant 0 : i32
    %dma_start3A_8 = arith.constant 0 : i32
    %dma_start3A_9 = arith.constant 0 : i32
    %dma_start3A_10 = arith.constant 0 : i32
    %dma_start3A_11 = tpu.memref_slice %arg9[%dma_start3A_8, %dma_start3A_9, %dma_start3A_10] : memref<6x80x128xf32, #tpu.memory_space<vmem>> -> memref<1x80x128xf32, #tpu.memory_space<vmem>>
    %dma_start3A_12 = tpu.memref_squeeze %dma_start3A_11 : memref<1x80x128xf32, #tpu.memory_space<vmem>> -> memref<80x128xf32, #tpu.memory_space<vmem>>
    %dma_start3A_13 = arith.constant 0 : i32
    %dma_start3A_14 = tpu.memref_slice %arg7[%dma_start3A, %dma_start3A_13] : memref<126x80xi32, #tpu.memory_space<vmem>> -> memref<1x80xi32, #tpu.memory_space<vmem>>
    %dma_start3A_15 = tpu.memref_squeeze %dma_start3A_14 : memref<1x80xi32, #tpu.memory_space<vmem>> -> memref<80xi32, #tpu.memory_space<vmem>>
    %dma_start3A_16 = arith.constant 0 : i32
    %dma_start3A_17 = arith.constant 0 : i32
    %dma_start3A_18 = tpu.memref_slice %arg4[%dma_start3A_16, %dma_start3A_17] : memref<4000x128xf32, #tpu.memory_space<hbm>> -> memref<4000x128xf32, #tpu.memory_space<hbm>>
    tpu.enqueue_indirect_dma source(%dma_start3A_18 : memref<4000x128xf32, #tpu.memory_space<hbm>>) target(%dma_start3A_12 : memref<80x128xf32, #tpu.memory_space<vmem>>) offsets(%dma_start3A_15 : memref<80xi32, #tpu.memory_space<vmem>>) semaphore(%arg11 : memref<!tpu.dma_semaphore, #tpu.memory_space<semaphore_mem>>)
    %dma_start3A_19 = arith.constant 1 : i32
    %dma_start3A_20 = arith.constant 1 : i32
    %dma_start3A_21 = arith.constant 0 : i32
    %dma_start3A_22 = arith.constant 0 : i32
    %dma_start3A_23 = tpu.memref_slice %arg9[%dma_start3A_20, %dma_start3A_21, %dma_start3A_22] : memref<6x80x128xf32, #tpu.memory_space<vmem>> -> memref<1x80x128xf32, #tpu.memory_space<vmem>>
    %dma_start3A_24 = tpu.memref_squeeze %dma_start3A_23 : memref<1x80x128xf32, #tpu.memory_space<vmem>> -> memref<80x128xf32, #tpu.memory_space<vmem>>
    %dma_start3A_25 = arith.constant 0 : i32
    %dma_start3A_26 = tpu.memref_slice %arg7[%dma_start3A_19, %dma_start3A_25] : memref<126x80xi32, #tpu.memory_space<vmem>> -> memref<1x80xi32, #tpu.memory_space<vmem>>
    %dma_start3A_27 = tpu.memref_squeeze %dma_start3A_26 : memref<1x80xi32, #tpu.memory_space<vmem>> -> memref<80xi32, #tpu.memory_space<vmem>>
    %dma_start3A_28 = arith.constant 0 : i32
    %dma_start3A_29 = arith.constant 0 : i32
    %dma_start3A_30 = tpu.memref_slice %arg4[%dma_start3A_28, %dma_start3A_29] : memref<4000x128xf32, #tpu.memory_space<hbm>> -> memref<4000x128xf32, #tpu.memory_space<hbm>>
    tpu.enqueue_indirect_dma source(%dma_start3A_30 : memref<4000x128xf32, #tpu.memory_space<hbm>>) target(%dma_start3A_24 : memref<80x128xf32, #tpu.memory_space<vmem>>) offsets(%dma_start3A_27 : memref<80xi32, #tpu.memory_space<vmem>>) semaphore(%arg11 : memref<!tpu.dma_semaphore, #tpu.memory_space<semaphore_mem>>)
    %dma_start3A_31 = arith.constant 2 : i32
    %dma_start3A_32 = arith.constant 2 : i32
    %dma_start3A_33 = arith.constant 0 : i32
    %dma_start3A_34 = arith.constant 0 : i32
    %dma_start3A_35 = tpu.memref_slice %arg9[%dma_start3A_32, %dma_start3A_33, %dma_start3A_34] : memref<6x80x128xf32, #tpu.memory_space<vmem>> -> memref<1x80x128xf32, #tpu.memory_space<vmem>>
    %dma_start3A_36 = tpu.memref_squeeze %dma_start3A_35 : memref<1x80x128xf32, #tpu.memory_space<vmem>> -> memref<80x128xf32, #tpu.memory_space<vmem>>
    %dma_start3A_37 = arith.constant 0 : i32
    %dma_start3A_38 = tpu.memref_slice %arg7[%dma_start3A_31, %dma_start3A_37] : memref<126x80xi32, #tpu.memory_space<vmem>> -> memref<1x80xi32, #tpu.memory_space<vmem>>
    %dma_start3A_39 = tpu.memref_squeeze %dma_start3A_38 : memref<1x80xi32, #tpu.memory_space<vmem>> -> memref<80xi32, #tpu.memory_space<vmem>>
    %dma_start3A_40 = arith.constant 0 : i32
    %dma_start3A_41 = arith.constant 0 : i32
    %dma_start3A_42 = tpu.memref_slice %arg4[%dma_start3A_40, %dma_start3A_41] : memref<4000x128xf32, #tpu.memory_space<hbm>> -> memref<4000x128xf32, #tpu.memory_space<hbm>>
    tpu.enqueue_indirect_dma source(%dma_start3A_42 : memref<4000x128xf32, #tpu.memory_space<hbm>>) target(%dma_start3A_36 : memref<80x128xf32, #tpu.memory_space<vmem>>) offsets(%dma_start3A_39 : memref<80xi32, #tpu.memory_space<vmem>>) semaphore(%arg11 : memref<!tpu.dma_semaphore, #tpu.memory_space<semaphore_mem>>)
    %scan3A_43 = arith.constant 0 : i32
    %scan3A_44 = arith.constant 0 : i32
    %scan3A_45 = arith.constant 21 : i32
    %scan3A_46 = arith.addi %scan3A_44, %scan3A_45 : i32
    %scan3A_47 = arith.constant 1 : i32
    scf.for %scan3A_50 = %scan3A_44 to %scan3A_46 step %scan3A_47  : i32 {
      %mul3A_51 = arith.constant 2 : i32
      %mul3A_52 = arith.muli %mul3A_51, %scan3A_50 : i32
      %mul3A_53 = arith.constant 3 : i32
      %mul3A_54 = arith.muli %mul3A_52, %mul3A_53 : i32
      %add3A_55 = arith.constant 3 : i32
      %add3A_56 = arith.addi %mul3A_54, %add3A_55 : i32
      %add3A_57 = arith.constant 0 : i32
      %add3A_58 = arith.addi %mul3A_54, %add3A_57 : i32
      %dma_wait3A = arith.constant 0 : i32
      %dma_wait3A_59 = arith.constant 0 : i32
      %dma_wait3A_60 = arith.constant 0 : i32
      %dma_wait3A_61 = tpu.memref_slice %arg9[%dma_wait3A, %dma_wait3A_59, %dma_wait3A_60] : memref<6x80x128xf32, #tpu.memory_space<vmem>> -> memref<1x80x128xf32, #tpu.memory_space<vmem>>
      %dma_wait3A_62 = tpu.memref_squeeze %dma_wait3A_61 : memref<1x80x128xf32, #tpu.memory_space<vmem>> -> memref<80x128xf32, #tpu.memory_space<vmem>>
      %dma_wait3A_63 = arith.constant 0 : i32
      %dma_wait3A_64 = tpu.memref_slice %arg7[%add3A_58, %dma_wait3A_63] : memref<126x80xi32, #tpu.memory_space<vmem>> -> memref<1x80xi32, #tpu.memory_space<vmem>>
      %dma_wait3A_65 = tpu.memref_squeeze %dma_wait3A_64 : memref<1x80xi32, #tpu.memory_space<vmem>> -> memref<80xi32, #tpu.memory_space<vmem>>
      %dma_wait3A_66 = arith.constant 0 : i32
      %dma_wait3A_67 = arith.constant 0 : i32
      %dma_wait3A_68 = tpu.memref_slice %arg4[%dma_wait3A_66, %dma_wait3A_67] : memref<4000x128xf32, #tpu.memory_space<hbm>> -> memref<4000x128xf32, #tpu.memory_space<hbm>>
      tpu.wait_indirect_dma semaphore(%arg11 : memref<!tpu.dma_semaphore, #tpu.memory_space<semaphore_mem>>) src(%dma_wait3A_68 : memref<4000x128xf32, #tpu.memory_space<hbm>>) dst(%dma_wait3A_62 : memref<80x128xf32, #tpu.memory_space<vmem>>)
      %add3A_69 = arith.constant 1 : i32
      %add3A_70 = arith.addi %mul3A_54, %add3A_69 : i32
      %dma_wait3A_71 = arith.constant 1 : i32
      %dma_wait3A_72 = arith.constant 0 : i32
      %dma_wait3A_73 = arith.constant 0 : i32
      %dma_wait3A_74 = tpu.memref_slice %arg9[%dma_wait3A_71, %dma_wait3A_72, %dma_wait3A_73] : memref<6x80x128xf32, #tpu.memory_space<vmem>> -> memref<1x80x128xf32, #tpu.memory_space<vmem>>
      %dma_wait3A_75 = tpu.memref_squeeze %dma_wait3A_74 : memref<1x80x128xf32, #tpu.memory_space<vmem>> -> memref<80x128xf32, #tpu.memory_space<vmem>>
      %dma_wait3A_76 = arith.constant 0 : i32
      %dma_wait3A_77 = tpu.memref_slice %arg7[%add3A_70, %dma_wait3A_76] : memref<126x80xi32, #tpu.memory_space<vmem>> -> memref<1x80xi32, #tpu.memory_space<vmem>>
      %dma_wait3A_78 = tpu.memref_squeeze %dma_wait3A_77 : memref<1x80xi32, #tpu.memory_space<vmem>> -> memref<80xi32, #tpu.memory_space<vmem>>
      %dma_wait3A_79 = arith.constant 0 : i32
      %dma_wait3A_80 = arith.constant 0 : i32
      %dma_wait3A_81 = tpu.memref_slice %arg4[%dma_wait3A_79, %dma_wait3A_80] : memref<4000x128xf32, #tpu.memory_space<hbm>> -> memref<4000x128xf32, #tpu.memory_space<hbm>>
      tpu.wait_indirect_dma semaphore(%arg11 : memref<!tpu.dma_semaphore, #tpu.memory_space<semaphore_mem>>) src(%dma_wait3A_81 : memref<4000x128xf32, #tpu.memory_space<hbm>>) dst(%dma_wait3A_75 : memref<80x128xf32, #tpu.memory_space<vmem>>)
      %add3A_82 = arith.constant 2 : i32
      %add3A_83 = arith.addi %mul3A_54, %add3A_82 : i32
      %dma_wait3A_84 = arith.constant 2 : i32
      %dma_wait3A_85 = arith.constant 0 : i32
      %dma_wait3A_86 = arith.constant 0 : i32
      %dma_wait3A_87 = tpu.memref_slice %arg9[%dma_wait3A_84, %dma_wait3A_85, %dma_wait3A_86] : memref<6x80x128xf32, #tpu.memory_space<vmem>> -> memref<1x80x128xf32, #tpu.memory_space<vmem>>
      %dma_wait3A_88 = tpu.memref_squeeze %dma_wait3A_87 : memref<1x80x128xf32, #tpu.memory_space<vmem>> -> memref<80x128xf32, #tpu.memory_space<vmem>>
      %dma_wait3A_89 = arith.constant 0 : i32
      %dma_wait3A_90 = tpu.memref_slice %arg7[%add3A_83, %dma_wait3A_89] : memref<126x80xi32, #tpu.memory_space<vmem>> -> memref<1x80xi32, #tpu.memory_space<vmem>>
      %dma_wait3A_91 = tpu.memref_squeeze %dma_wait3A_90 : memref<1x80xi32, #tpu.memory_space<vmem>> -> memref<80xi32, #tpu.memory_space<vmem>>
      %dma_wait3A_92 = arith.constant 0 : i32
      %dma_wait3A_93 = arith.constant 0 : i32
      %dma_wait3A_94 = tpu.memref_slice %arg4[%dma_wait3A_92, %dma_wait3A_93] : memref<4000x128xf32, #tpu.memory_space<hbm>> -> memref<4000x128xf32, #tpu.memory_space<hbm>>
      tpu.wait_indirect_dma semaphore(%arg11 : memref<!tpu.dma_semaphore, #tpu.memory_space<semaphore_mem>>) src(%dma_wait3A_94 : memref<4000x128xf32, #tpu.memory_space<hbm>>) dst(%dma_wait3A_88 : memref<80x128xf32, #tpu.memory_space<vmem>>)
      %add3A_95 = arith.constant 0 : i32
      %add3A_96 = arith.addi %add3A_56, %add3A_95 : i32
      %dma_start3A_97 = arith.constant 3 : i32
      %dma_start3A_98 = arith.constant 0 : i32
      %dma_start3A_99 = arith.constant 0 : i32
      %dma_start3A_100 = tpu.memref_slice %arg9[%dma_start3A_97, %dma_start3A_98, %dma_start3A_99] : memref<6x80x128xf32, #tpu.memory_space<vmem>> -> memref<1x80x128xf32, #tpu.memory_space<vmem>>
      %dma_start3A_101 = tpu.memref_squeeze %dma_start3A_100 : memref<1x80x128xf32, #tpu.memory_space<vmem>> -> memref<80x128xf32, #tpu.memory_space<vmem>>
      %dma_start3A_102 = arith.constant 0 : i32
      %dma_start3A_103 = tpu.memref_slice %arg7[%add3A_96, %dma_start3A_102] : memref<126x80xi32, #tpu.memory_space<vmem>> -> memref<1x80xi32, #tpu.memory_space<vmem>>
      %dma_start3A_104 = tpu.memref_squeeze %dma_start3A_103 : memref<1x80xi32, #tpu.memory_space<vmem>> -> memref<80xi32, #tpu.memory_space<vmem>>
      %dma_start3A_105 = arith.constant 0 : i32
      %dma_start3A_106 = arith.constant 0 : i32
      %dma_start3A_107 = tpu.memref_slice %arg4[%dma_start3A_105, %dma_start3A_106] : memref<4000x128xf32, #tpu.memory_space<hbm>> -> memref<4000x128xf32, #tpu.memory_space<hbm>>
      tpu.enqueue_indirect_dma source(%dma_start3A_107 : memref<4000x128xf32, #tpu.memory_space<hbm>>) target(%dma_start3A_101 : memref<80x128xf32, #tpu.memory_space<vmem>>) offsets(%dma_start3A_104 : memref<80xi32, #tpu.memory_space<vmem>>) semaphore(%arg12 : memref<!tpu.dma_semaphore, #tpu.memory_space<semaphore_mem>>)
      %add3A_108 = arith.constant 1 : i32
      %add3A_109 = arith.addi %add3A_56, %add3A_108 : i32
      %dma_start3A_110 = arith.constant 4 : i32
      %dma_start3A_111 = arith.constant 0 : i32
      %dma_start3A_112 = arith.constant 0 : i32
      %dma_start3A_113 = tpu.memref_slice %arg9[%dma_start3A_110, %dma_start3A_111, %dma_start3A_112] : memref<6x80x128xf32, #tpu.memory_space<vmem>> -> memref<1x80x128xf32, #tpu.memory_space<vmem>>
      %dma_start3A_114 = tpu.memref_squeeze %dma_start3A_113 : memref<1x80x128xf32, #tpu.memory_space<vmem>> -> memref<80x128xf32, #tpu.memory_space<vmem>>
      %dma_start3A_115 = arith.constant 0 : i32
      %dma_start3A_116 = tpu.memref_slice %arg7[%add3A_109, %dma_start3A_115] : memref<126x80xi32, #tpu.memory_space<vmem>> -> memref<1x80xi32, #tpu.memory_space<vmem>>
      %dma_start3A_117 = tpu.memref_squeeze %dma_start3A_116 : memref<1x80xi32, #tpu.memory_space<vmem>> -> memref<80xi32, #tpu.memory_space<vmem>>
      %dma_start3A_118 = arith.constant 0 : i32
      %dma_start3A_119 = arith.constant 0 : i32
      %dma_start3A_120 = tpu.memref_slice %arg4[%dma_start3A_118, %dma_start3A_119] : memref<4000x128xf32, #tpu.memory_space<hbm>> -> memref<4000x128xf32, #tpu.memory_space<hbm>>
      tpu.enqueue_indirect_dma source(%dma_start3A_120 : memref<4000x128xf32, #tpu.memory_space<hbm>>) target(%dma_start3A_114 : memref<80x128xf32, #tpu.memory_space<vmem>>) offsets(%dma_start3A_117 : memref<80xi32, #tpu.memory_space<vmem>>) semaphore(%arg12 : memref<!tpu.dma_semaphore, #tpu.memory_space<semaphore_mem>>)
      %add3A_121 = arith.constant 2 : i32
      %add3A_122 = arith.addi %add3A_56, %add3A_121 : i32
      %dma_start3A_123 = arith.constant 5 : i32
      %dma_start3A_124 = arith.constant 0 : i32
      %dma_start3A_125 = arith.constant 0 : i32
      %dma_start3A_126 = tpu.memref_slice %arg9[%dma_start3A_123, %dma_start3A_124, %dma_start3A_125] : memref<6x80x128xf32, #tpu.memory_space<vmem>> -> memref<1x80x128xf32, #tpu.memory_space<vmem>>
      %dma_start3A_127 = tpu.memref_squeeze %dma_start3A_126 : memref<1x80x128xf32, #tpu.memory_space<vmem>> -> memref<80x128xf32, #tpu.memory_space<vmem>>
      %dma_start3A_128 = arith.constant 0 : i32
      %dma_start3A_129 = tpu.memref_slice %arg7[%add3A_122, %dma_start3A_128] : memref<126x80xi32, #tpu.memory_space<vmem>> -> memref<1x80xi32, #tpu.memory_space<vmem>>
      %dma_start3A_130 = tpu.memref_squeeze %dma_start3A_129 : memref<1x80xi32, #tpu.memory_space<vmem>> -> memref<80xi32, #tpu.memory_space<vmem>>
      %dma_start3A_131 = arith.constant 0 : i32
      %dma_start3A_132 = arith.constant 0 : i32
      %dma_start3A_133 = tpu.memref_slice %arg4[%dma_start3A_131, %dma_start3A_132] : memref<4000x128xf32, #tpu.memory_space<hbm>> -> memref<4000x128xf32, #tpu.memory_space<hbm>>
      tpu.enqueue_indirect_dma source(%dma_start3A_133 : memref<4000x128xf32, #tpu.memory_space<hbm>>) target(%dma_start3A_127 : memref<80x128xf32, #tpu.memory_space<vmem>>) offsets(%dma_start3A_130 : memref<80xi32, #tpu.memory_space<vmem>>) semaphore(%arg12 : memref<!tpu.dma_semaphore, #tpu.memory_space<semaphore_mem>>)
      %add3A_134 = arith.constant 0 : i32
      %add3A_135 = arith.addi %mul3A_54, %add3A_134 : i32
      %dma_start3A_136 = arith.constant 0 : i32
      %dma_start3A_137 = arith.constant 0 : i32
      %dma_start3A_138 = arith.constant 0 : i32
      %dma_start3A_139 = tpu.memref_slice %arg9[%dma_start3A_136, %dma_start3A_137, %dma_start3A_138] : memref<6x80x128xf32, #tpu.memory_space<vmem>> -> memref<1x80x128xf32, #tpu.memory_space<vmem>>
      %dma_start3A_140 = tpu.memref_squeeze %dma_start3A_139 : memref<1x80x128xf32, #tpu.memory_space<vmem>> -> memref<80x128xf32, #tpu.memory_space<vmem>>
      %dma_start3A_141 = arith.constant 0 : i32
      %dma_start3A_142 = tpu.memref_slice %arg8[%add3A_135, %dma_start3A_141] : memref<126x80xi32, #tpu.memory_space<vmem>> -> memref<1x80xi32, #tpu.memory_space<vmem>>
      %dma_start3A_143 = tpu.memref_squeeze %dma_start3A_142 : memref<1x80xi32, #tpu.memory_space<vmem>> -> memref<80xi32, #tpu.memory_space<vmem>>
      %dma_start3A_144 = arith.constant 0 : i32
      %dma_start3A_145 = arith.constant 0 : i32
      %dma_start3A_146 = tpu.memref_slice %arg10[%dma_start3A_144, %dma_start3A_145] : memref<4096x128xf32, #tpu.memory_space<vmem_shared>> -> memref<4096x128xf32, #tpu.memory_space<vmem_shared>>
      tpu.enqueue_indirect_dma source(%dma_start3A_140 : memref<80x128xf32, #tpu.memory_space<vmem>>) target(%dma_start3A_146 : memref<4096x128xf32, #tpu.memory_space<vmem_shared>>) offsets(%dma_start3A_143 : memref<80xi32, #tpu.memory_space<vmem>>) semaphore(%arg13 : memref<!tpu.dma_semaphore, #tpu.memory_space<semaphore_mem>>) {add = true}
      %add3A_147 = arith.constant 1 : i32
      %add3A_148 = arith.addi %mul3A_54, %add3A_147 : i32
      %dma_start3A_149 = arith.constant 1 : i32
      %dma_start3A_150 = arith.constant 0 : i32
      %dma_start3A_151 = arith.constant 0 : i32
      %dma_start3A_152 = tpu.memref_slice %arg9[%dma_start3A_149, %dma_start3A_150, %dma_start3A_151] : memref<6x80x128xf32, #tpu.memory_space<vmem>> -> memref<1x80x128xf32, #tpu.memory_space<vmem>>
      %dma_start3A_153 = tpu.memref_squeeze %dma_start3A_152 : memref<1x80x128xf32, #tpu.memory_space<vmem>> -> memref<80x128xf32, #tpu.memory_space<vmem>>
      %dma_start3A_154 = arith.constant 0 : i32
      %dma_start3A_155 = tpu.memref_slice %arg8[%add3A_148, %dma_start3A_154] : memref<126x80xi32, #tpu.memory_space<vmem>> -> memref<1x80xi32, #tpu.memory_space<vmem>>
      %dma_start3A_156 = tpu.memref_squeeze %dma_start3A_155 : memref<1x80xi32, #tpu.memory_space<vmem>> -> memref<80xi32, #tpu.memory_space<vmem>>
      %dma_start3A_157 = arith.constant 0 : i32
      %dma_start3A_158 = arith.constant 0 : i32
      %dma_start3A_159 = tpu.memref_slice %arg10[%dma_start3A_157, %dma_start3A_158] : memref<4096x128xf32, #tpu.memory_space<vmem_shared>> -> memref<4096x128xf32, #tpu.memory_space<vmem_shared>>
      tpu.enqueue_indirect_dma source(%dma_start3A_153 : memref<80x128xf32, #tpu.memory_space<vmem>>) target(%dma_start3A_159 : memref<4096x128xf32, #tpu.memory_space<vmem_shared>>) offsets(%dma_start3A_156 : memref<80xi32, #tpu.memory_space<vmem>>) semaphore(%arg13 : memref<!tpu.dma_semaphore, #tpu.memory_space<semaphore_mem>>) {add = true}
      %add3A_160 = arith.constant 2 : i32
      %add3A_161 = arith.addi %mul3A_54, %add3A_160 : i32
      %dma_start3A_162 = arith.constant 2 : i32
      %dma_start3A_163 = arith.constant 0 : i32
      %dma_start3A_164 = arith.constant 0 : i32
      %dma_start3A_165 = tpu.memref_slice %arg9[%dma_start3A_162, %dma_start3A_163, %dma_start3A_164] : memref<6x80x128xf32, #tpu.memory_space<vmem>> -> memref<1x80x128xf32, #tpu.memory_space<vmem>>
      %dma_start3A_166 = tpu.memref_squeeze %dma_start3A_165 : memref<1x80x128xf32, #tpu.memory_space<vmem>> -> memref<80x128xf32, #tpu.memory_space<vmem>>
      %dma_start3A_167 = arith.constant 0 : i32
      %dma_start3A_168 = tpu.memref_slice %arg8[%add3A_161, %dma_start3A_167] : memref<126x80xi32, #tpu.memory_space<vmem>> -> memref<1x80xi32, #tpu.memory_space<vmem>>
      %dma_start3A_169 = tpu.memref_squeeze %dma_start3A_168 : memref<1x80xi32, #tpu.memory_space<vmem>> -> memref<80xi32, #tpu.memory_space<vmem>>
      %dma_start3A_170 = arith.constant 0 : i32
      %dma_start3A_171 = arith.constant 0 : i32
      %dma_start3A_172 = tpu.memref_slice %arg10[%dma_start3A_170, %dma_start3A_171] : memref<4096x128xf32, #tpu.memory_space<vmem_shared>> -> memref<4096x128xf32, #tpu.memory_space<vmem_shared>>
      tpu.enqueue_indirect_dma source(%dma_start3A_166 : memref<80x128xf32, #tpu.memory_space<vmem>>) target(%dma_start3A_172 : memref<4096x128xf32, #tpu.memory_space<vmem_shared>>) offsets(%dma_start3A_169 : memref<80xi32, #tpu.memory_space<vmem>>) semaphore(%arg13 : memref<!tpu.dma_semaphore, #tpu.memory_space<semaphore_mem>>) {add = true}
      %dma_wait3A_173 = arith.constant 3 : i32
      %dma_wait3A_174 = arith.constant 0 : i32
      %dma_wait3A_175 = arith.constant 0 : i32
      %dma_wait3A_176 = tpu.memref_slice %arg9[%dma_wait3A_173, %dma_wait3A_174, %dma_wait3A_175] : memref<6x80x128xf32, #tpu.memory_space<vmem>> -> memref<1x80x128xf32, #tpu.memory_space<vmem>>
      %dma_wait3A_177 = tpu.memref_squeeze %dma_wait3A_176 : memref<1x80x128xf32, #tpu.memory_space<vmem>> -> memref<80x128xf32, #tpu.memory_space<vmem>>
      %dma_wait3A_178 = arith.constant 0 : i32
      %dma_wait3A_179 = tpu.memref_slice %arg7[%add3A_96, %dma_wait3A_178] : memref<126x80xi32, #tpu.memory_space<vmem>> -> memref<1x80xi32, #tpu.memory_space<vmem>>
      %dma_wait3A_180 = tpu.memref_squeeze %dma_wait3A_179 : memref<1x80xi32, #tpu.memory_space<vmem>> -> memref<80xi32, #tpu.memory_space<vmem>>
      %dma_wait3A_181 = arith.constant 0 : i32
      %dma_wait3A_182 = arith.constant 0 : i32
      %dma_wait3A_183 = tpu.memref_slice %arg4[%dma_wait3A_181, %dma_wait3A_182] : memref<4000x128xf32, #tpu.memory_space<hbm>> -> memref<4000x128xf32, #tpu.memory_space<hbm>>
      tpu.wait_indirect_dma semaphore(%arg12 : memref<!tpu.dma_semaphore, #tpu.memory_space<semaphore_mem>>) src(%dma_wait3A_183 : memref<4000x128xf32, #tpu.memory_space<hbm>>) dst(%dma_wait3A_177 : memref<80x128xf32, #tpu.memory_space<vmem>>)
      %dma_wait3A_184 = arith.constant 4 : i32
      %dma_wait3A_185 = arith.constant 0 : i32
      %dma_wait3A_186 = arith.constant 0 : i32
      %dma_wait3A_187 = tpu.memref_slice %arg9[%dma_wait3A_184, %dma_wait3A_185, %dma_wait3A_186] : memref<6x80x128xf32, #tpu.memory_space<vmem>> -> memref<1x80x128xf32, #tpu.memory_space<vmem>>
      %dma_wait3A_188 = tpu.memref_squeeze %dma_wait3A_187 : memref<1x80x128xf32, #tpu.memory_space<vmem>> -> memref<80x128xf32, #tpu.memory_space<vmem>>
      %dma_wait3A_189 = arith.constant 0 : i32
      %dma_wait3A_190 = tpu.memref_slice %arg7[%add3A_109, %dma_wait3A_189] : memref<126x80xi32, #tpu.memory_space<vmem>> -> memref<1x80xi32, #tpu.memory_space<vmem>>
      %dma_wait3A_191 = tpu.memref_squeeze %dma_wait3A_190 : memref<1x80xi32, #tpu.memory_space<vmem>> -> memref<80xi32, #tpu.memory_space<vmem>>
      %dma_wait3A_192 = arith.constant 0 : i32
      %dma_wait3A_193 = arith.constant 0 : i32
      %dma_wait3A_194 = tpu.memref_slice %arg4[%dma_wait3A_192, %dma_wait3A_193] : memref<4000x128xf32, #tpu.memory_space<hbm>> -> memref<4000x128xf32, #tpu.memory_space<hbm>>
      tpu.wait_indirect_dma semaphore(%arg12 : memref<!tpu.dma_semaphore, #tpu.memory_space<semaphore_mem>>) src(%dma_wait3A_194 : memref<4000x128xf32, #tpu.memory_space<hbm>>) dst(%dma_wait3A_188 : memref<80x128xf32, #tpu.memory_space<vmem>>)
      %dma_wait3A_195 = arith.constant 5 : i32
      %dma_wait3A_196 = arith.constant 0 : i32
      %dma_wait3A_197 = arith.constant 0 : i32
      %dma_wait3A_198 = tpu.memref_slice %arg9[%dma_wait3A_195, %dma_wait3A_196, %dma_wait3A_197] : memref<6x80x128xf32, #tpu.memory_space<vmem>> -> memref<1x80x128xf32, #tpu.memory_space<vmem>>
      %dma_wait3A_199 = tpu.memref_squeeze %dma_wait3A_198 : memref<1x80x128xf32, #tpu.memory_space<vmem>> -> memref<80x128xf32, #tpu.memory_space<vmem>>
      %dma_wait3A_200 = arith.constant 0 : i32
      %dma_wait3A_201 = tpu.memref_slice %arg7[%add3A_122, %dma_wait3A_200] : memref<126x80xi32, #tpu.memory_space<vmem>> -> memref<1x80xi32, #tpu.memory_space<vmem>>
      %dma_wait3A_202 = tpu.memref_squeeze %dma_wait3A_201 : memref<1x80xi32, #tpu.memory_space<vmem>> -> memref<80xi32, #tpu.memory_space<vmem>>
      %dma_wait3A_203 = arith.constant 0 : i32
      %dma_wait3A_204 = arith.constant 0 : i32
      %dma_wait3A_205 = tpu.memref_slice %arg4[%dma_wait3A_203, %dma_wait3A_204] : memref<4000x128xf32, #tpu.memory_space<hbm>> -> memref<4000x128xf32, #tpu.memory_space<hbm>>
      tpu.wait_indirect_dma semaphore(%arg12 : memref<!tpu.dma_semaphore, #tpu.memory_space<semaphore_mem>>) src(%dma_wait3A_205 : memref<4000x128xf32, #tpu.memory_space<hbm>>) dst(%dma_wait3A_199 : memref<80x128xf32, #tpu.memory_space<vmem>>)
      %add3A_206 = arith.constant 0 : i32
      %add3A_207 = arith.addi %add3A_56, %add3A_206 : i32
      %dma_start3A_208 = arith.constant 3 : i32
      %dma_start3A_209 = arith.constant 0 : i32
      %dma_start3A_210 = arith.constant 0 : i32
      %dma_start3A_211 = tpu.memref_slice %arg9[%dma_start3A_208, %dma_start3A_209, %dma_start3A_210] : memref<6x80x128xf32, #tpu.memory_space<vmem>> -> memref<1x80x128xf32, #tpu.memory_space<vmem>>
      %dma_start3A_212 = tpu.memref_squeeze %dma_start3A_211 : memref<1x80x128xf32, #tpu.memory_space<vmem>> -> memref<80x128xf32, #tpu.memory_space<vmem>>
      %dma_start3A_213 = arith.constant 0 : i32
      %dma_start3A_214 = tpu.memref_slice %arg8[%add3A_207, %dma_start3A_213] : memref<126x80xi32, #tpu.memory_space<vmem>> -> memref<1x80xi32, #tpu.memory_space<vmem>>
      %dma_start3A_215 = tpu.memref_squeeze %dma_start3A_214 : memref<1x80xi32, #tpu.memory_space<vmem>> -> memref<80xi32, #tpu.memory_space<vmem>>
      %dma_start3A_216 = arith.constant 0 : i32
      %dma_start3A_217 = arith.constant 0 : i32
      %dma_start3A_218 = tpu.memref_slice %arg10[%dma_start3A_216, %dma_start3A_217] : memref<4096x128xf32, #tpu.memory_space<vmem_shared>> -> memref<4096x128xf32, #tpu.memory_space<vmem_shared>>
      tpu.enqueue_indirect_dma source(%dma_start3A_212 : memref<80x128xf32, #tpu.memory_space<vmem>>) target(%dma_start3A_218 : memref<4096x128xf32, #tpu.memory_space<vmem_shared>>) offsets(%dma_start3A_215 : memref<80xi32, #tpu.memory_space<vmem>>) semaphore(%arg14 : memref<!tpu.dma_semaphore, #tpu.memory_space<semaphore_mem>>) {add = true}
      %add3A_219 = arith.constant 1 : i32
      %add3A_220 = arith.addi %add3A_56, %add3A_219 : i32
      %dma_start3A_221 = arith.constant 4 : i32
      %dma_start3A_222 = arith.constant 0 : i32
      %dma_start3A_223 = arith.constant 0 : i32
      %dma_start3A_224 = tpu.memref_slice %arg9[%dma_start3A_221, %dma_start3A_222, %dma_start3A_223] : memref<6x80x128xf32, #tpu.memory_space<vmem>> -> memref<1x80x128xf32, #tpu.memory_space<vmem>>
      %dma_start3A_225 = tpu.memref_squeeze %dma_start3A_224 : memref<1x80x128xf32, #tpu.memory_space<vmem>> -> memref<80x128xf32, #tpu.memory_space<vmem>>
      %dma_start3A_226 = arith.constant 0 : i32
      %dma_start3A_227 = tpu.memref_slice %arg8[%add3A_220, %dma_start3A_226] : memref<126x80xi32, #tpu.memory_space<vmem>> -> memref<1x80xi32, #tpu.memory_space<vmem>>
      %dma_start3A_228 = tpu.memref_squeeze %dma_start3A_227 : memref<1x80xi32, #tpu.memory_space<vmem>> -> memref<80xi32, #tpu.memory_space<vmem>>
      %dma_start3A_229 = arith.constant 0 : i32
      %dma_start3A_230 = arith.constant 0 : i32
      %dma_start3A_231 = tpu.memref_slice %arg10[%dma_start3A_229, %dma_start3A_230] : memref<4096x128xf32, #tpu.memory_space<vmem_shared>> -> memref<4096x128xf32, #tpu.memory_space<vmem_shared>>
      tpu.enqueue_indirect_dma source(%dma_start3A_225 : memref<80x128xf32, #tpu.memory_space<vmem>>) target(%dma_start3A_231 : memref<4096x128xf32, #tpu.memory_space<vmem_shared>>) offsets(%dma_start3A_228 : memref<80xi32, #tpu.memory_space<vmem>>) semaphore(%arg14 : memref<!tpu.dma_semaphore, #tpu.memory_space<semaphore_mem>>) {add = true}
      %add3A_232 = arith.constant 2 : i32
      %add3A_233 = arith.addi %add3A_56, %add3A_232 : i32
      %dma_start3A_234 = arith.constant 5 : i32
      %dma_start3A_235 = arith.constant 0 : i32
      %dma_start3A_236 = arith.constant 0 : i32
      %dma_start3A_237 = tpu.memref_slice %arg9[%dma_start3A_234, %dma_start3A_235, %dma_start3A_236] : memref<6x80x128xf32, #tpu.memory_space<vmem>> -> memref<1x80x128xf32, #tpu.memory_space<vmem>>
      %dma_start3A_238 = tpu.memref_squeeze %dma_start3A_237 : memref<1x80x128xf32, #tpu.memory_space<vmem>> -> memref<80x128xf32, #tpu.memory_space<vmem>>
      %dma_start3A_239 = arith.constant 0 : i32
      %dma_start3A_240 = tpu.memref_slice %arg8[%add3A_233, %dma_start3A_239] : memref<126x80xi32, #tpu.memory_space<vmem>> -> memref<1x80xi32, #tpu.memory_space<vmem>>
      %dma_start3A_241 = tpu.memref_squeeze %dma_start3A_240 : memref<1x80xi32, #tpu.memory_space<vmem>> -> memref<80xi32, #tpu.memory_space<vmem>>
      %dma_start3A_242 = arith.constant 0 : i32
      %dma_start3A_243 = arith.constant 0 : i32
      %dma_start3A_244 = tpu.memref_slice %arg10[%dma_start3A_242, %dma_start3A_243] : memref<4096x128xf32, #tpu.memory_space<vmem_shared>> -> memref<4096x128xf32, #tpu.memory_space<vmem_shared>>
      tpu.enqueue_indirect_dma source(%dma_start3A_238 : memref<80x128xf32, #tpu.memory_space<vmem>>) target(%dma_start3A_244 : memref<4096x128xf32, #tpu.memory_space<vmem_shared>>) offsets(%dma_start3A_241 : memref<80xi32, #tpu.memory_space<vmem>>) semaphore(%arg14 : memref<!tpu.dma_semaphore, #tpu.memory_space<semaphore_mem>>) {add = true}
      %dma_wait3A_245 = arith.constant 0 : i32
      %dma_wait3A_246 = arith.constant 0 : i32
      %dma_wait3A_247 = arith.constant 0 : i32
      %dma_wait3A_248 = tpu.memref_slice %arg9[%dma_wait3A_245, %dma_wait3A_246, %dma_wait3A_247] : memref<6x80x128xf32, #tpu.memory_space<vmem>> -> memref<1x80x128xf32, #tpu.memory_space<vmem>>
      %dma_wait3A_249 = tpu.memref_squeeze %dma_wait3A_248 : memref<1x80x128xf32, #tpu.memory_space<vmem>> -> memref<80x128xf32, #tpu.memory_space<vmem>>
      %dma_wait3A_250 = arith.constant 0 : i32
      %dma_wait3A_251 = tpu.memref_slice %arg8[%add3A_135, %dma_wait3A_250] : memref<126x80xi32, #tpu.memory_space<vmem>> -> memref<1x80xi32, #tpu.memory_space<vmem>>
      %dma_wait3A_252 = tpu.memref_squeeze %dma_wait3A_251 : memref<1x80xi32, #tpu.memory_space<vmem>> -> memref<80xi32, #tpu.memory_space<vmem>>
      %dma_wait3A_253 = arith.constant 0 : i32
      %dma_wait3A_254 = arith.constant 0 : i32
      %dma_wait3A_255 = tpu.memref_slice %arg10[%dma_wait3A_253, %dma_wait3A_254] : memref<4096x128xf32, #tpu.memory_space<vmem_shared>> -> memref<4096x128xf32, #tpu.memory_space<vmem_shared>>
      tpu.wait_indirect_dma semaphore(%arg13 : memref<!tpu.dma_semaphore, #tpu.memory_space<semaphore_mem>>) src(%dma_wait3A_249 : memref<80x128xf32, #tpu.memory_space<vmem>>) dst(%dma_wait3A_255 : memref<4096x128xf32, #tpu.memory_space<vmem_shared>>)
      %dma_wait3A_256 = arith.constant 1 : i32
      %dma_wait3A_257 = arith.constant 0 : i32
      %dma_wait3A_258 = arith.constant 0 : i32
      %dma_wait3A_259 = tpu.memref_slice %arg9[%dma_wait3A_256, %dma_wait3A_257, %dma_wait3A_258] : memref<6x80x128xf32, #tpu.memory_space<vmem>> -> memref<1x80x128xf32, #tpu.memory_space<vmem>>
      %dma_wait3A_260 = tpu.memref_squeeze %dma_wait3A_259 : memref<1x80x128xf32, #tpu.memory_space<vmem>> -> memref<80x128xf32, #tpu.memory_space<vmem>>
      %dma_wait3A_261 = arith.constant 0 : i32
      %dma_wait3A_262 = tpu.memref_slice %arg8[%add3A_148, %dma_wait3A_261] : memref<126x80xi32, #tpu.memory_space<vmem>> -> memref<1x80xi32, #tpu.memory_space<vmem>>
      %dma_wait3A_263 = tpu.memref_squeeze %dma_wait3A_262 : memref<1x80xi32, #tpu.memory_space<vmem>> -> memref<80xi32, #tpu.memory_space<vmem>>
      %dma_wait3A_264 = arith.constant 0 : i32
      %dma_wait3A_265 = arith.constant 0 : i32
      %dma_wait3A_266 = tpu.memref_slice %arg10[%dma_wait3A_264, %dma_wait3A_265] : memref<4096x128xf32, #tpu.memory_space<vmem_shared>> -> memref<4096x128xf32, #tpu.memory_space<vmem_shared>>
      tpu.wait_indirect_dma semaphore(%arg13 : memref<!tpu.dma_semaphore, #tpu.memory_space<semaphore_mem>>) src(%dma_wait3A_260 : memref<80x128xf32, #tpu.memory_space<vmem>>) dst(%dma_wait3A_266 : memref<4096x128xf32, #tpu.memory_space<vmem_shared>>)
      %dma_wait3A_267 = arith.constant 2 : i32
      %dma_wait3A_268 = arith.constant 0 : i32
      %dma_wait3A_269 = arith.constant 0 : i32
      %dma_wait3A_270 = tpu.memref_slice %arg9[%dma_wait3A_267, %dma_wait3A_268, %dma_wait3A_269] : memref<6x80x128xf32, #tpu.memory_space<vmem>> -> memref<1x80x128xf32, #tpu.memory_space<vmem>>
      %dma_wait3A_271 = tpu.memref_squeeze %dma_wait3A_270 : memref<1x80x128xf32, #tpu.memory_space<vmem>> -> memref<80x128xf32, #tpu.memory_space<vmem>>
      %dma_wait3A_272 = arith.constant 0 : i32
      %dma_wait3A_273 = tpu.memref_slice %arg8[%add3A_161, %dma_wait3A_272] : memref<126x80xi32, #tpu.memory_space<vmem>> -> memref<1x80xi32, #tpu.memory_space<vmem>>
      %dma_wait3A_274 = tpu.memref_squeeze %dma_wait3A_273 : memref<1x80xi32, #tpu.memory_space<vmem>> -> memref<80xi32, #tpu.memory_space<vmem>>
      %dma_wait3A_275 = arith.constant 0 : i32
      %dma_wait3A_276 = arith.constant 0 : i32
      %dma_wait3A_277 = tpu.memref_slice %arg10[%dma_wait3A_275, %dma_wait3A_276] : memref<4096x128xf32, #tpu.memory_space<vmem_shared>> -> memref<4096x128xf32, #tpu.memory_space<vmem_shared>>
      tpu.wait_indirect_dma semaphore(%arg13 : memref<!tpu.dma_semaphore, #tpu.memory_space<semaphore_mem>>) src(%dma_wait3A_271 : memref<80x128xf32, #tpu.memory_space<vmem>>) dst(%dma_wait3A_277 : memref<4096x128xf32, #tpu.memory_space<vmem_shared>>)
      %lt3A = arith.constant 20 : i32
      %lt3A_278 = arith.cmpi slt, %scan3A_50, %lt3A : i32
      %convert_element_type3A = arith.extui %lt3A_278 : i1 to i32
      %cond3A = arith.constant 0 : i32
      %cond3A_279 = arith.cmpi ne, %convert_element_type3A, %cond3A : i32
      scf.if %cond3A_279 {
        %add3A_313 = arith.constant 6 : i32
        %add3A_314 = arith.addi %mul3A_54, %add3A_313 : i32
        %add3A_315 = arith.constant 0 : i32
        %add3A_316 = arith.addi %add3A_314, %add3A_315 : i32
        %dma_start3A_317 = arith.constant 0 : i32
        %dma_start3A_318 = arith.constant 0 : i32
        %dma_start3A_319 = arith.constant 0 : i32
        %dma_start3A_320 = tpu.memref_slice %arg9[%dma_start3A_317, %dma_start3A_318, %dma_start3A_319] : memref<6x80x128xf32, #tpu.memory_space<vmem>> -> memref<1x80x128xf32, #tpu.memory_space<vmem>>
        %dma_start3A_321 = tpu.memref_squeeze %dma_start3A_320 : memref<1x80x128xf32, #tpu.memory_space<vmem>> -> memref<80x128xf32, #tpu.memory_space<vmem>>
        %dma_start3A_322 = arith.constant 0 : i32
        %dma_start3A_323 = tpu.memref_slice %arg7[%add3A_316, %dma_start3A_322] : memref<126x80xi32, #tpu.memory_space<vmem>> -> memref<1x80xi32, #tpu.memory_space<vmem>>
        %dma_start3A_324 = tpu.memref_squeeze %dma_start3A_323 : memref<1x80xi32, #tpu.memory_space<vmem>> -> memref<80xi32, #tpu.memory_space<vmem>>
        %dma_start3A_325 = arith.constant 0 : i32
        %dma_start3A_326 = arith.constant 0 : i32
        %dma_start3A_327 = tpu.memref_slice %arg4[%dma_start3A_325, %dma_start3A_326] : memref<4000x128xf32, #tpu.memory_space<hbm>> -> memref<4000x128xf32, #tpu.memory_space<hbm>>
        tpu.enqueue_indirect_dma source(%dma_start3A_327 : memref<4000x128xf32, #tpu.memory_space<hbm>>) target(%dma_start3A_321 : memref<80x128xf32, #tpu.memory_space<vmem>>) offsets(%dma_start3A_324 : memref<80xi32, #tpu.memory_space<vmem>>) semaphore(%arg11 : memref<!tpu.dma_semaphore, #tpu.memory_space<semaphore_mem>>)
        %add3A_328 = arith.constant 1 : i32
        %add3A_329 = arith.addi %add3A_314, %add3A_328 : i32
        %dma_start3A_330 = arith.constant 1 : i32
        %dma_start3A_331 = arith.constant 0 : i32
        %dma_start3A_332 = arith.constant 0 : i32
        %dma_start3A_333 = tpu.memref_slice %arg9[%dma_start3A_330, %dma_start3A_331, %dma_start3A_332] : memref<6x80x128xf32, #tpu.memory_space<vmem>> -> memref<1x80x128xf32, #tpu.memory_space<vmem>>
        %dma_start3A_334 = tpu.memref_squeeze %dma_start3A_333 : memref<1x80x128xf32, #tpu.memory_space<vmem>> -> memref<80x128xf32, #tpu.memory_space<vmem>>
        %dma_start3A_335 = arith.constant 0 : i32
        %dma_start3A_336 = tpu.memref_slice %arg7[%add3A_329, %dma_start3A_335] : memref<126x80xi32, #tpu.memory_space<vmem>> -> memref<1x80xi32, #tpu.memory_space<vmem>>
        %dma_start3A_337 = tpu.memref_squeeze %dma_start3A_336 : memref<1x80xi32, #tpu.memory_space<vmem>> -> memref<80xi32, #tpu.memory_space<vmem>>
        %dma_start3A_338 = arith.constant 0 : i32
        %dma_start3A_339 = arith.constant 0 : i32
        %dma_start3A_340 = tpu.memref_slice %arg4[%dma_start3A_338, %dma_start3A_339] : memref<4000x128xf32, #tpu.memory_space<hbm>> -> memref<4000x128xf32, #tpu.memory_space<hbm>>
        tpu.enqueue_indirect_dma source(%dma_start3A_340 : memref<4000x128xf32, #tpu.memory_space<hbm>>) target(%dma_start3A_334 : memref<80x128xf32, #tpu.memory_space<vmem>>) offsets(%dma_start3A_337 : memref<80xi32, #tpu.memory_space<vmem>>) semaphore(%arg11 : memref<!tpu.dma_semaphore, #tpu.memory_space<semaphore_mem>>)
        %add3A_341 = arith.constant 2 : i32
        %add3A_342 = arith.addi %add3A_314, %add3A_341 : i32
        %dma_start3A_343 = arith.constant 2 : i32
        %dma_start3A_344 = arith.constant 0 : i32
        %dma_start3A_345 = arith.constant 0 : i32
        %dma_start3A_346 = tpu.memref_slice %arg9[%dma_start3A_343, %dma_start3A_344, %dma_start3A_345] : memref<6x80x128xf32, #tpu.memory_space<vmem>> -> memref<1x80x128xf32, #tpu.memory_space<vmem>>
        %dma_start3A_347 = tpu.memref_squeeze %dma_start3A_346 : memref<1x80x128xf32, #tpu.memory_space<vmem>> -> memref<80x128xf32, #tpu.memory_space<vmem>>
        %dma_start3A_348 = arith.constant 0 : i32
        %dma_start3A_349 = tpu.memref_slice %arg7[%add3A_342, %dma_start3A_348] : memref<126x80xi32, #tpu.memory_space<vmem>> -> memref<1x80xi32, #tpu.memory_space<vmem>>
        %dma_start3A_350 = tpu.memref_squeeze %dma_start3A_349 : memref<1x80xi32, #tpu.memory_space<vmem>> -> memref<80xi32, #tpu.memory_space<vmem>>
        %dma_start3A_351 = arith.constant 0 : i32
        %dma_start3A_352 = arith.constant 0 : i32
        %dma_start3A_353 = tpu.memref_slice %arg4[%dma_start3A_351, %dma_start3A_352] : memref<4000x128xf32, #tpu.memory_space<hbm>> -> memref<4000x128xf32, #tpu.memory_space<hbm>>
        tpu.enqueue_indirect_dma source(%dma_start3A_353 : memref<4000x128xf32, #tpu.memory_space<hbm>>) target(%dma_start3A_347 : memref<80x128xf32, #tpu.memory_space<vmem>>) offsets(%dma_start3A_350 : memref<80xi32, #tpu.memory_space<vmem>>) semaphore(%arg11 : memref<!tpu.dma_semaphore, #tpu.memory_space<semaphore_mem>>)
      } else {
      }
      %dma_wait3A_280 = arith.constant 3 : i32
      %dma_wait3A_281 = arith.constant 0 : i32
      %dma_wait3A_282 = arith.constant 0 : i32
      %dma_wait3A_283 = tpu.memref_slice %arg9[%dma_wait3A_280, %dma_wait3A_281, %dma_wait3A_282] : memref<6x80x128xf32, #tpu.memory_space<vmem>> -> memref<1x80x128xf32, #tpu.memory_space<vmem>>
      %dma_wait3A_284 = tpu.memref_squeeze %dma_wait3A_283 : memref<1x80x128xf32, #tpu.memory_space<vmem>> -> memref<80x128xf32, #tpu.memory_space<vmem>>
      %dma_wait3A_285 = arith.constant 0 : i32
      %dma_wait3A_286 = tpu.memref_slice %arg8[%add3A_207, %dma_wait3A_285] : memref<126x80xi32, #tpu.memory_space<vmem>> -> memref<1x80xi32, #tpu.memory_space<vmem>>
      %dma_wait3A_287 = tpu.memref_squeeze %dma_wait3A_286 : memref<1x80xi32, #tpu.memory_space<vmem>> -> memref<80xi32, #tpu.memory_space<vmem>>
      %dma_wait3A_288 = arith.constant 0 : i32
      %dma_wait3A_289 = arith.constant 0 : i32
      %dma_wait3A_290 = tpu.memref_slice %arg10[%dma_wait3A_288, %dma_wait3A_289] : memref<4096x128xf32, #tpu.memory_space<vmem_shared>> -> memref<4096x128xf32, #tpu.memory_space<vmem_shared>>
      tpu.wait_indirect_dma semaphore(%arg14 : memref<!tpu.dma_semaphore, #tpu.memory_space<semaphore_mem>>) src(%dma_wait3A_284 : memref<80x128xf32, #tpu.memory_space<vmem>>) dst(%dma_wait3A_290 : memref<4096x128xf32, #tpu.memory_space<vmem_shared>>)
      %dma_wait3A_291 = arith.constant 4 : i32
      %dma_wait3A_292 = arith.constant 0 : i32
      %dma_wait3A_293 = arith.constant 0 : i32
      %dma_wait3A_294 = tpu.memref_slice %arg9[%dma_wait3A_291, %dma_wait3A_292, %dma_wait3A_293] : memref<6x80x128xf32, #tpu.memory_space<vmem>> -> memref<1x80x128xf32, #tpu.memory_space<vmem>>
      %dma_wait3A_295 = tpu.memref_squeeze %dma_wait3A_294 : memref<1x80x128xf32, #tpu.memory_space<vmem>> -> memref<80x128xf32, #tpu.memory_space<vmem>>
      %dma_wait3A_296 = arith.constant 0 : i32
      %dma_wait3A_297 = tpu.memref_slice %arg8[%add3A_220, %dma_wait3A_296] : memref<126x80xi32, #tpu.memory_space<vmem>> -> memref<1x80xi32, #tpu.memory_space<vmem>>
      %dma_wait3A_298 = tpu.memref_squeeze %dma_wait3A_297 : memref<1x80xi32, #tpu.memory_space<vmem>> -> memref<80xi32, #tpu.memory_space<vmem>>
      %dma_wait3A_299 = arith.constant 0 : i32
      %dma_wait3A_300 = arith.constant 0 : i32
      %dma_wait3A_301 = tpu.memref_slice %arg10[%dma_wait3A_299, %dma_wait3A_300] : memref<4096x128xf32, #tpu.memory_space<vmem_shared>> -> memref<4096x128xf32, #tpu.memory_space<vmem_shared>>
      tpu.wait_indirect_dma semaphore(%arg14 : memref<!tpu.dma_semaphore, #tpu.memory_space<semaphore_mem>>) src(%dma_wait3A_295 : memref<80x128xf32, #tpu.memory_space<vmem>>) dst(%dma_wait3A_301 : memref<4096x128xf32, #tpu.memory_space<vmem_shared>>)
      %dma_wait3A_302 = arith.constant 5 : i32
      %dma_wait3A_303 = arith.constant 0 : i32
      %dma_wait3A_304 = arith.constant 0 : i32
      %dma_wait3A_305 = tpu.memref_slice %arg9[%dma_wait3A_302, %dma_wait3A_303, %dma_wait3A_304] : memref<6x80x128xf32, #tpu.memory_space<vmem>> -> memref<1x80x128xf32, #tpu.memory_space<vmem>>
      %dma_wait3A_306 = tpu.memref_squeeze %dma_wait3A_305 : memref<1x80x128xf32, #tpu.memory_space<vmem>> -> memref<80x128xf32, #tpu.memory_space<vmem>>
      %dma_wait3A_307 = arith.constant 0 : i32
      %dma_wait3A_308 = tpu.memref_slice %arg8[%add3A_233, %dma_wait3A_307] : memref<126x80xi32, #tpu.memory_space<vmem>> -> memref<1x80xi32, #tpu.memory_space<vmem>>
      %dma_wait3A_309 = tpu.memref_squeeze %dma_wait3A_308 : memref<1x80xi32, #tpu.memory_space<vmem>> -> memref<80xi32, #tpu.memory_space<vmem>>
      %dma_wait3A_310 = arith.constant 0 : i32
      %dma_wait3A_311 = arith.constant 0 : i32
      %dma_wait3A_312 = tpu.memref_slice %arg10[%dma_wait3A_310, %dma_wait3A_311] : memref<4096x128xf32, #tpu.memory_space<vmem_shared>> -> memref<4096x128xf32, #tpu.memory_space<vmem_shared>>
      tpu.wait_indirect_dma semaphore(%arg14 : memref<!tpu.dma_semaphore, #tpu.memory_space<semaphore_mem>>) src(%dma_wait3A_306 : memref<80x128xf32, #tpu.memory_space<vmem>>) dst(%dma_wait3A_312 : memref<4096x128xf32, #tpu.memory_space<vmem_shared>>)
    }
    %scan3A_48 = arith.constant 21 : i32
    %barrier3A_49 = arith.constant 0 : index
    tpu.barrier barrier_id(%barrier3A_49)
    "tpu.region"() ({
      %run_scoped3A = tpu.sem_alloc : memref<!tpu.dma_semaphore, #tpu.memory_space<semaphore_mem>>
      %dma_start3A_50 = arith.constant 0 : i32
      %dma_start3A_51 = tpu.memref_slice %arg6[%arg0, %mul3A_2, %dma_start3A_50] : memref<2x4096x128xf32, #tpu.memory_space<hbm>> -> memref<1x256x128xf32, #tpu.memory_space<hbm>>
      %dma_start3A_52 = tpu.memref_squeeze %dma_start3A_51 : memref<1x256x128xf32, #tpu.memory_space<hbm>> -> memref<256x128xf32, #tpu.memory_space<hbm>>
      %dma_start3A_53 = arith.constant 0 : i32
      %dma_start3A_54 = tpu.memref_slice %arg10[%mul3A_2, %dma_start3A_53] : memref<4096x128xf32, #tpu.memory_space<vmem_shared>> -> memref<256x128xf32, #tpu.memory_space<vmem_shared>>
      tpu.enqueue_dma source(%dma_start3A_54 : memref<256x128xf32, #tpu.memory_space<vmem_shared>>) target(%dma_start3A_52 : memref<256x128xf32, #tpu.memory_space<hbm>>) target_semaphore(%run_scoped3A : memref<!tpu.dma_semaphore, #tpu.memory_space<semaphore_mem>>)
      %dma_wait3A = arith.constant 0 : i32
      %dma_wait3A_55 = tpu.memref_slice %arg6[%arg0, %mul3A_2, %dma_wait3A] : memref<2x4096x128xf32, #tpu.memory_space<hbm>> -> memref<1x256x128xf32, #tpu.memory_space<hbm>>
      %dma_wait3A_56 = tpu.memref_squeeze %dma_wait3A_55 : memref<1x256x128xf32, #tpu.memory_space<hbm>> -> memref<256x128xf32, #tpu.memory_space<hbm>>
      %dma_wait3A_57 = arith.constant 0 : i32
      %dma_wait3A_58 = tpu.memref_slice %arg10[%mul3A_2, %dma_wait3A_57] : memref<4096x128xf32, #tpu.memory_space<vmem_shared>> -> memref<256x128xf32, #tpu.memory_space<vmem_shared>>
      tpu.wait_dma2 semaphore(%run_scoped3A : memref<!tpu.dma_semaphore, #tpu.memory_space<semaphore_mem>>) src(%dma_wait3A_58 : memref<256x128xf32, #tpu.memory_space<vmem_shared>>) dst(%dma_wait3A_56 : memref<256x128xf32, #tpu.memory_space<hbm>>)
      tpu.yield
    }) : () -> ()
    return
  }
}

#map = affine_map<(d0, d1) -> (0, 0, 0)>
#map1 = affine_map<(d0, d1) -> (0, 0)>
module attributes {stable_mosaic.version = 14 : i64} {
  func.func @sc_kernel(%arg0: i32, %arg1: i32, %arg2: memref<32x126x80xi32, #tpu.memory_space<hbm>>, %arg3: memref<32x126x80xi32, #tpu.memory_space<hbm>>, %arg4: memref<8000x128xf32, #tpu.memory_space<hbm>>, %arg5: memref<256x128xf32, #tpu.memory_space<hbm>>, %arg6: memref<2x2048x128xf32, #tpu.memory_space<hbm>>, %arg7: memref<126x80xi32, #tpu.memory_space<vmem>>, %arg8: memref<126x80xi32, #tpu.memory_space<vmem>>, %arg9: memref<6x80x128xf32, #tpu.memory_space<vmem>>, %arg10: memref<2048x128xf32, #tpu.memory_space<vmem_shared>>, %arg11: memref<!tpu.dma_semaphore, #tpu.memory_space<semaphore_mem>>, %arg12: memref<!tpu.dma_semaphore, #tpu.memory_space<semaphore_mem>>, %arg13: memref<!tpu.dma_semaphore, #tpu.memory_space<semaphore_mem>>, %arg14: memref<!tpu.dma_semaphore, #tpu.memory_space<semaphore_mem>>) attributes {dimension_semantics = [#tpu.dimension_semantics<core_parallel>, #tpu.dimension_semantics<subcore_parallel>], iteration_bounds = array<i64: 2, 16>, scalar_prefetch = 0 : i64, scratch_operands = 8 : i64, tpu.core_type = #tpu.core_type<sc_vector_subcore>, window_params = [{transform_indices = #map}, {transform_indices = #map}, {transform_indices = #map1}, {transform_indices = #map1}, {transform_indices = #map}]} {
    %mul3A = arith.constant 2 : i32
    %mul3A_0 = arith.muli %arg1, %mul3A : i32
    %add3A = arith.addi %mul3A_0, %arg0 : i32
    %mul3A_1 = arith.constant 128 : i32
    %mul3A_2 = arith.muli %arg1, %mul3A_1 : i32
    "tpu.region"() ({
      %run_scoped3A = tpu.sem_alloc : memref<!tpu.dma_semaphore, #tpu.memory_space<semaphore_mem>>
      %dma_start3A_50 = arith.constant 0 : i32
      %dma_start3A_51 = tpu.memref_slice %arg10[%mul3A_2, %dma_start3A_50] : memref<2048x128xf32, #tpu.memory_space<vmem_shared>> -> memref<128x128xf32, #tpu.memory_space<vmem_shared>>
      %dma_start3A_52 = arith.constant 0 : i32
      %dma_start3A_53 = arith.constant 0 : i32
      %dma_start3A_54 = tpu.memref_slice %arg5[%dma_start3A_52, %dma_start3A_53] : memref<256x128xf32, #tpu.memory_space<hbm>> -> memref<128x128xf32, #tpu.memory_space<hbm>>
      tpu.enqueue_dma source(%dma_start3A_54 : memref<128x128xf32, #tpu.memory_space<hbm>>) target(%dma_start3A_51 : memref<128x128xf32, #tpu.memory_space<vmem_shared>>) target_semaphore(%run_scoped3A : memref<!tpu.dma_semaphore, #tpu.memory_space<semaphore_mem>>)
      %dma_wait3A = arith.constant 0 : i32
      %dma_wait3A_55 = tpu.memref_slice %arg10[%mul3A_2, %dma_wait3A] : memref<2048x128xf32, #tpu.memory_space<vmem_shared>> -> memref<128x128xf32, #tpu.memory_space<vmem_shared>>
      %dma_wait3A_56 = arith.constant 0 : i32
      %dma_wait3A_57 = arith.constant 0 : i32
      %dma_wait3A_58 = tpu.memref_slice %arg5[%dma_wait3A_56, %dma_wait3A_57] : memref<256x128xf32, #tpu.memory_space<hbm>> -> memref<128x128xf32, #tpu.memory_space<hbm>>
      tpu.wait_dma2 semaphore(%run_scoped3A : memref<!tpu.dma_semaphore, #tpu.memory_space<semaphore_mem>>) src(%dma_wait3A_58 : memref<128x128xf32, #tpu.memory_space<hbm>>) dst(%dma_wait3A_55 : memref<128x128xf32, #tpu.memory_space<vmem_shared>>)
      tpu.yield
    }) : () -> ()
    "tpu.region"() ({
      %run_scoped3A = tpu.sem_alloc : memref<!tpu.dma_semaphore, #tpu.memory_space<semaphore_mem>>
      %dma_start3A_50 = arith.constant 0 : i32
      %dma_start3A_51 = arith.constant 0 : i32
      %dma_start3A_52 = tpu.memref_slice %arg2[%add3A, %dma_start3A_50, %dma_start3A_51] : memref<32x126x80xi32, #tpu.memory_space<hbm>> -> memref<1x126x80xi32, #tpu.memory_space<hbm>>
      %dma_start3A_53 = tpu.memref_squeeze %dma_start3A_52 : memref<1x126x80xi32, #tpu.memory_space<hbm>> -> memref<126x80xi32, #tpu.memory_space<hbm>>
      %dma_start3A_54 = arith.constant 0 : i32
      %dma_start3A_55 = arith.constant 0 : i32
      %dma_start3A_56 = tpu.memref_slice %arg2[%add3A, %dma_start3A_54, %dma_start3A_55] : memref<32x126x80xi32, #tpu.memory_space<hbm>> -> memref<1x126x80xi32, #tpu.memory_space<hbm>>
      %dma_start3A_57 = tpu.memref_squeeze %dma_start3A_56 : memref<1x126x80xi32, #tpu.memory_space<hbm>> -> memref<126x80xi32, #tpu.memory_space<hbm>>
      tpu.enqueue_dma source(%dma_start3A_57 : memref<126x80xi32, #tpu.memory_space<hbm>>) target(%arg7 : memref<126x80xi32, #tpu.memory_space<vmem>>) target_semaphore(%run_scoped3A : memref<!tpu.dma_semaphore, #tpu.memory_space<semaphore_mem>>)
      %dma_wait3A = arith.constant 0 : i32
      %dma_wait3A_58 = arith.constant 0 : i32
      %dma_wait3A_59 = tpu.memref_slice %arg2[%add3A, %dma_wait3A, %dma_wait3A_58] : memref<32x126x80xi32, #tpu.memory_space<hbm>> -> memref<1x126x80xi32, #tpu.memory_space<hbm>>
      %dma_wait3A_60 = tpu.memref_squeeze %dma_wait3A_59 : memref<1x126x80xi32, #tpu.memory_space<hbm>> -> memref<126x80xi32, #tpu.memory_space<hbm>>
      %dma_wait3A_61 = arith.constant 0 : i32
      %dma_wait3A_62 = arith.constant 0 : i32
      %dma_wait3A_63 = tpu.memref_slice %arg2[%add3A, %dma_wait3A_61, %dma_wait3A_62] : memref<32x126x80xi32, #tpu.memory_space<hbm>> -> memref<1x126x80xi32, #tpu.memory_space<hbm>>
      %dma_wait3A_64 = tpu.memref_squeeze %dma_wait3A_63 : memref<1x126x80xi32, #tpu.memory_space<hbm>> -> memref<126x80xi32, #tpu.memory_space<hbm>>
      tpu.wait_dma2 semaphore(%run_scoped3A : memref<!tpu.dma_semaphore, #tpu.memory_space<semaphore_mem>>) src(%dma_wait3A_64 : memref<126x80xi32, #tpu.memory_space<hbm>>) dst(%arg7 : memref<126x80xi32, #tpu.memory_space<vmem>>)
      tpu.yield
    }) : () -> ()
    "tpu.region"() ({
      %run_scoped3A = tpu.sem_alloc : memref<!tpu.dma_semaphore, #tpu.memory_space<semaphore_mem>>
      %dma_start3A_50 = arith.constant 0 : i32
      %dma_start3A_51 = arith.constant 0 : i32
      %dma_start3A_52 = tpu.memref_slice %arg3[%add3A, %dma_start3A_50, %dma_start3A_51] : memref<32x126x80xi32, #tpu.memory_space<hbm>> -> memref<1x126x80xi32, #tpu.memory_space<hbm>>
      %dma_start3A_53 = tpu.memref_squeeze %dma_start3A_52 : memref<1x126x80xi32, #tpu.memory_space<hbm>> -> memref<126x80xi32, #tpu.memory_space<hbm>>
      %dma_start3A_54 = arith.constant 0 : i32
      %dma_start3A_55 = arith.constant 0 : i32
      %dma_start3A_56 = tpu.memref_slice %arg3[%add3A, %dma_start3A_54, %dma_start3A_55] : memref<32x126x80xi32, #tpu.memory_space<hbm>> -> memref<1x126x80xi32, #tpu.memory_space<hbm>>
      %dma_start3A_57 = tpu.memref_squeeze %dma_start3A_56 : memref<1x126x80xi32, #tpu.memory_space<hbm>> -> memref<126x80xi32, #tpu.memory_space<hbm>>
      tpu.enqueue_dma source(%dma_start3A_57 : memref<126x80xi32, #tpu.memory_space<hbm>>) target(%arg8 : memref<126x80xi32, #tpu.memory_space<vmem>>) target_semaphore(%run_scoped3A : memref<!tpu.dma_semaphore, #tpu.memory_space<semaphore_mem>>)
      %dma_wait3A = arith.constant 0 : i32
      %dma_wait3A_58 = arith.constant 0 : i32
      %dma_wait3A_59 = tpu.memref_slice %arg3[%add3A, %dma_wait3A, %dma_wait3A_58] : memref<32x126x80xi32, #tpu.memory_space<hbm>> -> memref<1x126x80xi32, #tpu.memory_space<hbm>>
      %dma_wait3A_60 = tpu.memref_squeeze %dma_wait3A_59 : memref<1x126x80xi32, #tpu.memory_space<hbm>> -> memref<126x80xi32, #tpu.memory_space<hbm>>
      %dma_wait3A_61 = arith.constant 0 : i32
      %dma_wait3A_62 = arith.constant 0 : i32
      %dma_wait3A_63 = tpu.memref_slice %arg3[%add3A, %dma_wait3A_61, %dma_wait3A_62] : memref<32x126x80xi32, #tpu.memory_space<hbm>> -> memref<1x126x80xi32, #tpu.memory_space<hbm>>
      %dma_wait3A_64 = tpu.memref_squeeze %dma_wait3A_63 : memref<1x126x80xi32, #tpu.memory_space<hbm>> -> memref<126x80xi32, #tpu.memory_space<hbm>>
      tpu.wait_dma2 semaphore(%run_scoped3A : memref<!tpu.dma_semaphore, #tpu.memory_space<semaphore_mem>>) src(%dma_wait3A_64 : memref<126x80xi32, #tpu.memory_space<hbm>>) dst(%arg8 : memref<126x80xi32, #tpu.memory_space<vmem>>)
      tpu.yield
    }) : () -> ()
    %scan3A = arith.constant 0 : i32
    %scan3A_3 = arith.constant 0 : i32
    %scan3A_4 = arith.constant 126 : i32
    %scan3A_5 = arith.addi %scan3A_3, %scan3A_4 : i32
    %scan3A_6 = arith.constant 1 : i32
    scf.for %scan3A_50 = %scan3A_3 to %scan3A_5 step %scan3A_6  : i32 {
      %get3A = arith.index_cast %scan3A_50 : i32 to index
      %get3A_51 = arith.constant 0 : index
      %get3A_52 = tpu.vector_load %arg7[%get3A, %get3A_51] {strides = array<i32>} : memref<126x80xi32, #tpu.memory_space<vmem>>, vector<1x16xi32>,
      %get3A_53 = vector.shape_cast %get3A_52 : vector<1x16xi32> to vector<16xi32>
      %get3A_54 = arith.index_cast %scan3A_50 : i32 to index
      %get3A_55 = arith.constant 0 : index
      %get3A_56 = tpu.vector_load %arg8[%get3A_54, %get3A_55] {strides = array<i32>} : memref<126x80xi32, #tpu.memory_space<vmem>>, vector<1x16xi32>,
      %get3A_57 = vector.shape_cast %get3A_56 : vector<1x16xi32> to vector<16xi32>
      %ge3A = arith.constant 8000 : i32
      %ge3A_58 = vector.broadcast %ge3A : i32 to vector<16xi32>
      %ge3A_59 = arith.cmpi sge, %get3A_57, %ge3A_58 : vector<16xi32>
      %lt3A = arith.constant 8000 : i32
      %lt3A_60 = vector.broadcast %lt3A : i32 to vector<16xi32>
      %lt3A_61 = arith.cmpi slt, %get3A_53, %lt3A_60 : vector<16xi32>
      %and3A = arith.andi %ge3A_59, %lt3A_61 : vector<16xi1>
      %and3A_62 = arith.constant 4095 : i32
      %and3A_63 = vector.broadcast %and3A_62 : i32 to vector<16xi32>
      %and3A_64 = arith.andi %get3A_53, %and3A_63 : vector<16xi32>
      %select_n3A = arith.select %and3A, %get3A_53, %and3A_64 : vector<16xi1>, vector<16xi32>
      %sub3A = arith.constant 8000 : i32
      %sub3A_65 = vector.broadcast %sub3A : i32 to vector<16xi32>
      %sub3A_66 = arith.subi %get3A_57, %sub3A_65 : vector<16xi32>
      %and3A_67 = arith.constant 31 : i32
      %and3A_68 = vector.broadcast %and3A_67 : i32 to vector<16xi32>
      %and3A_69 = arith.andi %get3A_57, %and3A_68 : vector<16xi32>
      %add3A_70 = arith.constant 2000 : i32
      %add3A_71 = vector.broadcast %add3A_70 : i32 to vector<16xi32>
      %add3A_72 = arith.addi %add3A_71, %and3A_69 : vector<16xi32>
      %select_n3A_73 = arith.select %and3A, %sub3A_66, %add3A_72 : vector<16xi1>, vector<16xi32>
      %swap3A = arith.index_cast %scan3A_50 : i32 to index
      %swap3A_74 = arith.constant 0 : index
      %swap3A_75 = tpu.vector_load %arg7[%swap3A, %swap3A_74] {strides = array<i32>} : memref<126x80xi32, #tpu.memory_space<vmem>>, vector<1x16xi32>,
      %swap3A_76 = vector.shape_cast %swap3A_75 : vector<1x16xi32> to vector<16xi32>
      %swap3A_77 = vector.shape_cast %select_n3A : vector<16xi32> to vector<1x16xi32>
      tpu.vector_store %arg7[%swap3A, %swap3A_74], %swap3A_77 {strides = array<i32>} : memref<126x80xi32, #tpu.memory_space<vmem>>, vector<1x16xi32>,
      %swap3A_78 = arith.index_cast %scan3A_50 : i32 to index
      %swap3A_79 = arith.constant 0 : index
      %swap3A_80 = tpu.vector_load %arg8[%swap3A_78, %swap3A_79] {strides = array<i32>} : memref<126x80xi32, #tpu.memory_space<vmem>>, vector<1x16xi32>,
      %swap3A_81 = vector.shape_cast %swap3A_80 : vector<1x16xi32> to vector<16xi32>
      %swap3A_82 = vector.shape_cast %select_n3A_73 : vector<16xi32> to vector<1x16xi32>
      tpu.vector_store %arg8[%swap3A_78, %swap3A_79], %swap3A_82 {strides = array<i32>} : memref<126x80xi32, #tpu.memory_space<vmem>>, vector<1x16xi32>,
      %get3A_83 = arith.index_cast %scan3A_50 : i32 to index
      %get3A_84 = arith.constant 16 : index
      %get3A_85 = tpu.vector_load %arg7[%get3A_83, %get3A_84] {strides = array<i32>} : memref<126x80xi32, #tpu.memory_space<vmem>>, vector<1x16xi32>,
      %get3A_86 = vector.shape_cast %get3A_85 : vector<1x16xi32> to vector<16xi32>
      %get3A_87 = arith.index_cast %scan3A_50 : i32 to index
      %get3A_88 = arith.constant 16 : index
      %get3A_89 = tpu.vector_load %arg8[%get3A_87, %get3A_88] {strides = array<i32>} : memref<126x80xi32, #tpu.memory_space<vmem>>, vector<1x16xi32>,
      %get3A_90 = vector.shape_cast %get3A_89 : vector<1x16xi32> to vector<16xi32>
      %ge3A_91 = arith.constant 8000 : i32
      %ge3A_92 = vector.broadcast %ge3A_91 : i32 to vector<16xi32>
      %ge3A_93 = arith.cmpi sge, %get3A_90, %ge3A_92 : vector<16xi32>
      %lt3A_94 = arith.constant 8000 : i32
      %lt3A_95 = vector.broadcast %lt3A_94 : i32 to vector<16xi32>
      %lt3A_96 = arith.cmpi slt, %get3A_86, %lt3A_95 : vector<16xi32>
      %and3A_97 = arith.andi %ge3A_93, %lt3A_96 : vector<16xi1>
      %and3A_98 = arith.constant 4095 : i32
      %and3A_99 = vector.broadcast %and3A_98 : i32 to vector<16xi32>
      %and3A_100 = arith.andi %get3A_86, %and3A_99 : vector<16xi32>
      %select_n3A_101 = arith.select %and3A_97, %get3A_86, %and3A_100 : vector<16xi1>, vector<16xi32>
      %sub3A_102 = arith.constant 8000 : i32
      %sub3A_103 = vector.broadcast %sub3A_102 : i32 to vector<16xi32>
      %sub3A_104 = arith.subi %get3A_90, %sub3A_103 : vector<16xi32>
      %and3A_105 = arith.constant 31 : i32
      %and3A_106 = vector.broadcast %and3A_105 : i32 to vector<16xi32>
      %and3A_107 = arith.andi %get3A_90, %and3A_106 : vector<16xi32>
      %add3A_108 = arith.constant 2000 : i32
      %add3A_109 = vector.broadcast %add3A_108 : i32 to vector<16xi32>
      %add3A_110 = arith.addi %add3A_109, %and3A_107 : vector<16xi32>
      %select_n3A_111 = arith.select %and3A_97, %sub3A_104, %add3A_110 : vector<16xi1>, vector<16xi32>
      %swap3A_112 = arith.index_cast %scan3A_50 : i32 to index
      %swap3A_113 = arith.constant 16 : index
      %swap3A_114 = tpu.vector_load %arg7[%swap3A_112, %swap3A_113] {strides = array<i32>} : memref<126x80xi32, #tpu.memory_space<vmem>>, vector<1x16xi32>,
      %swap3A_115 = vector.shape_cast %swap3A_114 : vector<1x16xi32> to vector<16xi32>
      %swap3A_116 = vector.shape_cast %select_n3A_101 : vector<16xi32> to vector<1x16xi32>
      tpu.vector_store %arg7[%swap3A_112, %swap3A_113], %swap3A_116 {strides = array<i32>} : memref<126x80xi32, #tpu.memory_space<vmem>>, vector<1x16xi32>,
      %swap3A_117 = arith.index_cast %scan3A_50 : i32 to index
      %swap3A_118 = arith.constant 16 : index
      %swap3A_119 = tpu.vector_load %arg8[%swap3A_117, %swap3A_118] {strides = array<i32>} : memref<126x80xi32, #tpu.memory_space<vmem>>, vector<1x16xi32>,
      %swap3A_120 = vector.shape_cast %swap3A_119 : vector<1x16xi32> to vector<16xi32>
      %swap3A_121 = vector.shape_cast %select_n3A_111 : vector<16xi32> to vector<1x16xi32>
      tpu.vector_store %arg8[%swap3A_117, %swap3A_118], %swap3A_121 {strides = array<i32>} : memref<126x80xi32, #tpu.memory_space<vmem>>, vector<1x16xi32>,
      %get3A_122 = arith.index_cast %scan3A_50 : i32 to index
      %get3A_123 = arith.constant 32 : index
      %get3A_124 = tpu.vector_load %arg7[%get3A_122, %get3A_123] {strides = array<i32>} : memref<126x80xi32, #tpu.memory_space<vmem>>, vector<1x16xi32>,
      %get3A_125 = vector.shape_cast %get3A_124 : vector<1x16xi32> to vector<16xi32>
      %get3A_126 = arith.index_cast %scan3A_50 : i32 to index
      %get3A_127 = arith.constant 32 : index
      %get3A_128 = tpu.vector_load %arg8[%get3A_126, %get3A_127] {strides = array<i32>} : memref<126x80xi32, #tpu.memory_space<vmem>>, vector<1x16xi32>,
      %get3A_129 = vector.shape_cast %get3A_128 : vector<1x16xi32> to vector<16xi32>
      %ge3A_130 = arith.constant 8000 : i32
      %ge3A_131 = vector.broadcast %ge3A_130 : i32 to vector<16xi32>
      %ge3A_132 = arith.cmpi sge, %get3A_129, %ge3A_131 : vector<16xi32>
      %lt3A_133 = arith.constant 8000 : i32
      %lt3A_134 = vector.broadcast %lt3A_133 : i32 to vector<16xi32>
      %lt3A_135 = arith.cmpi slt, %get3A_125, %lt3A_134 : vector<16xi32>
      %and3A_136 = arith.andi %ge3A_132, %lt3A_135 : vector<16xi1>
      %and3A_137 = arith.constant 4095 : i32
      %and3A_138 = vector.broadcast %and3A_137 : i32 to vector<16xi32>
      %and3A_139 = arith.andi %get3A_125, %and3A_138 : vector<16xi32>
      %select_n3A_140 = arith.select %and3A_136, %get3A_125, %and3A_139 : vector<16xi1>, vector<16xi32>
      %sub3A_141 = arith.constant 8000 : i32
      %sub3A_142 = vector.broadcast %sub3A_141 : i32 to vector<16xi32>
      %sub3A_143 = arith.subi %get3A_129, %sub3A_142 : vector<16xi32>
      %and3A_144 = arith.constant 31 : i32
      %and3A_145 = vector.broadcast %and3A_144 : i32 to vector<16xi32>
      %and3A_146 = arith.andi %get3A_129, %and3A_145 : vector<16xi32>
      %add3A_147 = arith.constant 2000 : i32
      %add3A_148 = vector.broadcast %add3A_147 : i32 to vector<16xi32>
      %add3A_149 = arith.addi %add3A_148, %and3A_146 : vector<16xi32>
      %select_n3A_150 = arith.select %and3A_136, %sub3A_143, %add3A_149 : vector<16xi1>, vector<16xi32>
      %swap3A_151 = arith.index_cast %scan3A_50 : i32 to index
      %swap3A_152 = arith.constant 32 : index
      %swap3A_153 = tpu.vector_load %arg7[%swap3A_151, %swap3A_152] {strides = array<i32>} : memref<126x80xi32, #tpu.memory_space<vmem>>, vector<1x16xi32>,
      %swap3A_154 = vector.shape_cast %swap3A_153 : vector<1x16xi32> to vector<16xi32>
      %swap3A_155 = vector.shape_cast %select_n3A_140 : vector<16xi32> to vector<1x16xi32>
      tpu.vector_store %arg7[%swap3A_151, %swap3A_152], %swap3A_155 {strides = array<i32>} : memref<126x80xi32, #tpu.memory_space<vmem>>, vector<1x16xi32>,
      %swap3A_156 = arith.index_cast %scan3A_50 : i32 to index
      %swap3A_157 = arith.constant 32 : index
      %swap3A_158 = tpu.vector_load %arg8[%swap3A_156, %swap3A_157] {strides = array<i32>} : memref<126x80xi32, #tpu.memory_space<vmem>>, vector<1x16xi32>,
      %swap3A_159 = vector.shape_cast %swap3A_158 : vector<1x16xi32> to vector<16xi32>
      %swap3A_160 = vector.shape_cast %select_n3A_150 : vector<16xi32> to vector<1x16xi32>
      tpu.vector_store %arg8[%swap3A_156, %swap3A_157], %swap3A_160 {strides = array<i32>} : memref<126x80xi32, #tpu.memory_space<vmem>>, vector<1x16xi32>,
      %get3A_161 = arith.index_cast %scan3A_50 : i32 to index
      %get3A_162 = arith.constant 48 : index
      %get3A_163 = tpu.vector_load %arg7[%get3A_161, %get3A_162] {strides = array<i32>} : memref<126x80xi32, #tpu.memory_space<vmem>>, vector<1x16xi32>,
      %get3A_164 = vector.shape_cast %get3A_163 : vector<1x16xi32> to vector<16xi32>
      %get3A_165 = arith.index_cast %scan3A_50 : i32 to index
      %get3A_166 = arith.constant 48 : index
      %get3A_167 = tpu.vector_load %arg8[%get3A_165, %get3A_166] {strides = array<i32>} : memref<126x80xi32, #tpu.memory_space<vmem>>, vector<1x16xi32>,
      %get3A_168 = vector.shape_cast %get3A_167 : vector<1x16xi32> to vector<16xi32>
      %ge3A_169 = arith.constant 8000 : i32
      %ge3A_170 = vector.broadcast %ge3A_169 : i32 to vector<16xi32>
      %ge3A_171 = arith.cmpi sge, %get3A_168, %ge3A_170 : vector<16xi32>
      %lt3A_172 = arith.constant 8000 : i32
      %lt3A_173 = vector.broadcast %lt3A_172 : i32 to vector<16xi32>
      %lt3A_174 = arith.cmpi slt, %get3A_164, %lt3A_173 : vector<16xi32>
      %and3A_175 = arith.andi %ge3A_171, %lt3A_174 : vector<16xi1>
      %and3A_176 = arith.constant 4095 : i32
      %and3A_177 = vector.broadcast %and3A_176 : i32 to vector<16xi32>
      %and3A_178 = arith.andi %get3A_164, %and3A_177 : vector<16xi32>
      %select_n3A_179 = arith.select %and3A_175, %get3A_164, %and3A_178 : vector<16xi1>, vector<16xi32>
      %sub3A_180 = arith.constant 8000 : i32
      %sub3A_181 = vector.broadcast %sub3A_180 : i32 to vector<16xi32>
      %sub3A_182 = arith.subi %get3A_168, %sub3A_181 : vector<16xi32>
      %and3A_183 = arith.constant 31 : i32
      %and3A_184 = vector.broadcast %and3A_183 : i32 to vector<16xi32>
      %and3A_185 = arith.andi %get3A_168, %and3A_184 : vector<16xi32>
      %add3A_186 = arith.constant 2000 : i32
      %add3A_187 = vector.broadcast %add3A_186 : i32 to vector<16xi32>
      %add3A_188 = arith.addi %add3A_187, %and3A_185 : vector<16xi32>
      %select_n3A_189 = arith.select %and3A_175, %sub3A_182, %add3A_188 : vector<16xi1>, vector<16xi32>
      %swap3A_190 = arith.index_cast %scan3A_50 : i32 to index
      %swap3A_191 = arith.constant 48 : index
      %swap3A_192 = tpu.vector_load %arg7[%swap3A_190, %swap3A_191] {strides = array<i32>} : memref<126x80xi32, #tpu.memory_space<vmem>>, vector<1x16xi32>,
      %swap3A_193 = vector.shape_cast %swap3A_192 : vector<1x16xi32> to vector<16xi32>
      %swap3A_194 = vector.shape_cast %select_n3A_179 : vector<16xi32> to vector<1x16xi32>
      tpu.vector_store %arg7[%swap3A_190, %swap3A_191], %swap3A_194 {strides = array<i32>} : memref<126x80xi32, #tpu.memory_space<vmem>>, vector<1x16xi32>,
      %swap3A_195 = arith.index_cast %scan3A_50 : i32 to index
      %swap3A_196 = arith.constant 48 : index
      %swap3A_197 = tpu.vector_load %arg8[%swap3A_195, %swap3A_196] {strides = array<i32>} : memref<126x80xi32, #tpu.memory_space<vmem>>, vector<1x16xi32>,
      %swap3A_198 = vector.shape_cast %swap3A_197 : vector<1x16xi32> to vector<16xi32>
      %swap3A_199 = vector.shape_cast %select_n3A_189 : vector<16xi32> to vector<1x16xi32>
      tpu.vector_store %arg8[%swap3A_195, %swap3A_196], %swap3A_199 {strides = array<i32>} : memref<126x80xi32, #tpu.memory_space<vmem>>, vector<1x16xi32>,
      %get3A_200 = arith.index_cast %scan3A_50 : i32 to index
      %get3A_201 = arith.constant 64 : index
      %get3A_202 = tpu.vector_load %arg7[%get3A_200, %get3A_201] {strides = array<i32>} : memref<126x80xi32, #tpu.memory_space<vmem>>, vector<1x16xi32>,
      %get3A_203 = vector.shape_cast %get3A_202 : vector<1x16xi32> to vector<16xi32>
      %get3A_204 = arith.index_cast %scan3A_50 : i32 to index
      %get3A_205 = arith.constant 64 : index
      %get3A_206 = tpu.vector_load %arg8[%get3A_204, %get3A_205] {strides = array<i32>} : memref<126x80xi32, #tpu.memory_space<vmem>>, vector<1x16xi32>,
      %get3A_207 = vector.shape_cast %get3A_206 : vector<1x16xi32> to vector<16xi32>
      %ge3A_208 = arith.constant 8000 : i32
      %ge3A_209 = vector.broadcast %ge3A_208 : i32 to vector<16xi32>
      %ge3A_210 = arith.cmpi sge, %get3A_207, %ge3A_209 : vector<16xi32>
      %lt3A_211 = arith.constant 8000 : i32
      %lt3A_212 = vector.broadcast %lt3A_211 : i32 to vector<16xi32>
      %lt3A_213 = arith.cmpi slt, %get3A_203, %lt3A_212 : vector<16xi32>
      %and3A_214 = arith.andi %ge3A_210, %lt3A_213 : vector<16xi1>
      %and3A_215 = arith.constant 4095 : i32
      %and3A_216 = vector.broadcast %and3A_215 : i32 to vector<16xi32>
      %and3A_217 = arith.andi %get3A_203, %and3A_216 : vector<16xi32>
      %select_n3A_218 = arith.select %and3A_214, %get3A_203, %and3A_217 : vector<16xi1>, vector<16xi32>
      %sub3A_219 = arith.constant 8000 : i32
      %sub3A_220 = vector.broadcast %sub3A_219 : i32 to vector<16xi32>
      %sub3A_221 = arith.subi %get3A_207, %sub3A_220 : vector<16xi32>
      %and3A_222 = arith.constant 31 : i32
      %and3A_223 = vector.broadcast %and3A_222 : i32 to vector<16xi32>
      %and3A_224 = arith.andi %get3A_207, %and3A_223 : vector<16xi32>
      %add3A_225 = arith.constant 2000 : i32
      %add3A_226 = vector.broadcast %add3A_225 : i32 to vector<16xi32>
      %add3A_227 = arith.addi %add3A_226, %and3A_224 : vector<16xi32>
      %select_n3A_228 = arith.select %and3A_214, %sub3A_221, %add3A_227 : vector<16xi1>, vector<16xi32>
      %swap3A_229 = arith.index_cast %scan3A_50 : i32 to index
      %swap3A_230 = arith.constant 64 : index
      %swap3A_231 = tpu.vector_load %arg7[%swap3A_229, %swap3A_230] {strides = array<i32>} : memref<126x80xi32, #tpu.memory_space<vmem>>, vector<1x16xi32>,
      %swap3A_232 = vector.shape_cast %swap3A_231 : vector<1x16xi32> to vector<16xi32>
      %swap3A_233 = vector.shape_cast %select_n3A_218 : vector<16xi32> to vector<1x16xi32>
      tpu.vector_store %arg7[%swap3A_229, %swap3A_230], %swap3A_233 {strides = array<i32>} : memref<126x80xi32, #tpu.memory_space<vmem>>, vector<1x16xi32>,
      %swap3A_234 = arith.index_cast %scan3A_50 : i32 to index
      %swap3A_235 = arith.constant 64 : index
      %swap3A_236 = tpu.vector_load %arg8[%swap3A_234, %swap3A_235] {strides = array<i32>} : memref<126x80xi32, #tpu.memory_space<vmem>>, vector<1x16xi32>,
      %swap3A_237 = vector.shape_cast %swap3A_236 : vector<1x16xi32> to vector<16xi32>
      %swap3A_238 = vector.shape_cast %select_n3A_228 : vector<16xi32> to vector<1x16xi32>
      tpu.vector_store %arg8[%swap3A_234, %swap3A_235], %swap3A_238 {strides = array<i32>} : memref<126x80xi32, #tpu.memory_space<vmem>>, vector<1x16xi32>,
    }
    %scan3A_7 = arith.constant 126 : i32
    %barrier3A = arith.constant 0 : index
    tpu.barrier barrier_id(%barrier3A)
    %dma_start3A = arith.constant 0 : i32
    %dma_start3A_8 = arith.constant 0 : i32
    %dma_start3A_9 = arith.constant 0 : i32
    %dma_start3A_10 = arith.constant 0 : i32
    %dma_start3A_11 = tpu.memref_slice %arg9[%dma_start3A_8, %dma_start3A_9, %dma_start3A_10] : memref<6x80x128xf32, #tpu.memory_space<vmem>> -> memref<1x80x128xf32, #tpu.memory_space<vmem>>
    %dma_start3A_12 = tpu.memref_squeeze %dma_start3A_11 : memref<1x80x128xf32, #tpu.memory_space<vmem>> -> memref<80x128xf32, #tpu.memory_space<vmem>>
    %dma_start3A_13 = arith.constant 0 : i32
    %dma_start3A_14 = tpu.memref_slice %arg7[%dma_start3A, %dma_start3A_13] : memref<126x80xi32, #tpu.memory_space<vmem>> -> memref<1x80xi32, #tpu.memory_space<vmem>>
    %dma_start3A_15 = tpu.memref_squeeze %dma_start3A_14 : memref<1x80xi32, #tpu.memory_space<vmem>> -> memref<80xi32, #tpu.memory_space<vmem>>
    %dma_start3A_16 = arith.constant 0 : i32
    %dma_start3A_17 = arith.constant 0 : i32
    %dma_start3A_18 = tpu.memref_slice %arg4[%dma_start3A_16, %dma_start3A_17] : memref<8000x128xf32, #tpu.memory_space<hbm>> -> memref<8000x128xf32, #tpu.memory_space<hbm>>
    tpu.enqueue_indirect_dma source(%dma_start3A_18 : memref<8000x128xf32, #tpu.memory_space<hbm>>) target(%dma_start3A_12 : memref<80x128xf32, #tpu.memory_space<vmem>>) offsets(%dma_start3A_15 : memref<80xi32, #tpu.memory_space<vmem>>) semaphore(%arg11 : memref<!tpu.dma_semaphore, #tpu.memory_space<semaphore_mem>>)
    %dma_start3A_19 = arith.constant 1 : i32
    %dma_start3A_20 = arith.constant 1 : i32
    %dma_start3A_21 = arith.constant 0 : i32
    %dma_start3A_22 = arith.constant 0 : i32
    %dma_start3A_23 = tpu.memref_slice %arg9[%dma_start3A_20, %dma_start3A_21, %dma_start3A_22] : memref<6x80x128xf32, #tpu.memory_space<vmem>> -> memref<1x80x128xf32, #tpu.memory_space<vmem>>
    %dma_start3A_24 = tpu.memref_squeeze %dma_start3A_23 : memref<1x80x128xf32, #tpu.memory_space<vmem>> -> memref<80x128xf32, #tpu.memory_space<vmem>>
    %dma_start3A_25 = arith.constant 0 : i32
    %dma_start3A_26 = tpu.memref_slice %arg7[%dma_start3A_19, %dma_start3A_25] : memref<126x80xi32, #tpu.memory_space<vmem>> -> memref<1x80xi32, #tpu.memory_space<vmem>>
    %dma_start3A_27 = tpu.memref_squeeze %dma_start3A_26 : memref<1x80xi32, #tpu.memory_space<vmem>> -> memref<80xi32, #tpu.memory_space<vmem>>
    %dma_start3A_28 = arith.constant 0 : i32
    %dma_start3A_29 = arith.constant 0 : i32
    %dma_start3A_30 = tpu.memref_slice %arg4[%dma_start3A_28, %dma_start3A_29] : memref<8000x128xf32, #tpu.memory_space<hbm>> -> memref<8000x128xf32, #tpu.memory_space<hbm>>
    tpu.enqueue_indirect_dma source(%dma_start3A_30 : memref<8000x128xf32, #tpu.memory_space<hbm>>) target(%dma_start3A_24 : memref<80x128xf32, #tpu.memory_space<vmem>>) offsets(%dma_start3A_27 : memref<80xi32, #tpu.memory_space<vmem>>) semaphore(%arg11 : memref<!tpu.dma_semaphore, #tpu.memory_space<semaphore_mem>>)
    %dma_start3A_31 = arith.constant 2 : i32
    %dma_start3A_32 = arith.constant 2 : i32
    %dma_start3A_33 = arith.constant 0 : i32
    %dma_start3A_34 = arith.constant 0 : i32
    %dma_start3A_35 = tpu.memref_slice %arg9[%dma_start3A_32, %dma_start3A_33, %dma_start3A_34] : memref<6x80x128xf32, #tpu.memory_space<vmem>> -> memref<1x80x128xf32, #tpu.memory_space<vmem>>
    %dma_start3A_36 = tpu.memref_squeeze %dma_start3A_35 : memref<1x80x128xf32, #tpu.memory_space<vmem>> -> memref<80x128xf32, #tpu.memory_space<vmem>>
    %dma_start3A_37 = arith.constant 0 : i32
    %dma_start3A_38 = tpu.memref_slice %arg7[%dma_start3A_31, %dma_start3A_37] : memref<126x80xi32, #tpu.memory_space<vmem>> -> memref<1x80xi32, #tpu.memory_space<vmem>>
    %dma_start3A_39 = tpu.memref_squeeze %dma_start3A_38 : memref<1x80xi32, #tpu.memory_space<vmem>> -> memref<80xi32, #tpu.memory_space<vmem>>
    %dma_start3A_40 = arith.constant 0 : i32
    %dma_start3A_41 = arith.constant 0 : i32
    %dma_start3A_42 = tpu.memref_slice %arg4[%dma_start3A_40, %dma_start3A_41] : memref<8000x128xf32, #tpu.memory_space<hbm>> -> memref<8000x128xf32, #tpu.memory_space<hbm>>
    tpu.enqueue_indirect_dma source(%dma_start3A_42 : memref<8000x128xf32, #tpu.memory_space<hbm>>) target(%dma_start3A_36 : memref<80x128xf32, #tpu.memory_space<vmem>>) offsets(%dma_start3A_39 : memref<80xi32, #tpu.memory_space<vmem>>) semaphore(%arg11 : memref<!tpu.dma_semaphore, #tpu.memory_space<semaphore_mem>>)
    %scan3A_43 = arith.constant 0 : i32
    %scan3A_44 = arith.constant 0 : i32
    %scan3A_45 = arith.constant 21 : i32
    %scan3A_46 = arith.addi %scan3A_44, %scan3A_45 : i32
    %scan3A_47 = arith.constant 1 : i32
    scf.for %scan3A_50 = %scan3A_44 to %scan3A_46 step %scan3A_47  : i32 {
      %mul3A_51 = arith.constant 2 : i32
      %mul3A_52 = arith.muli %mul3A_51, %scan3A_50 : i32
      %mul3A_53 = arith.constant 3 : i32
      %mul3A_54 = arith.muli %mul3A_52, %mul3A_53 : i32
      %add3A_55 = arith.constant 3 : i32
      %add3A_56 = arith.addi %mul3A_54, %add3A_55 : i32
      %add3A_57 = arith.constant 0 : i32
      %add3A_58 = arith.addi %mul3A_54, %add3A_57 : i32
      %dma_wait3A = arith.constant 0 : i32
      %dma_wait3A_59 = arith.constant 0 : i32
      %dma_wait3A_60 = arith.constant 0 : i32
      %dma_wait3A_61 = tpu.memref_slice %arg9[%dma_wait3A, %dma_wait3A_59, %dma_wait3A_60] : memref<6x80x128xf32, #tpu.memory_space<vmem>> -> memref<1x80x128xf32, #tpu.memory_space<vmem>>
      %dma_wait3A_62 = tpu.memref_squeeze %dma_wait3A_61 : memref<1x80x128xf32, #tpu.memory_space<vmem>> -> memref<80x128xf32, #tpu.memory_space<vmem>>
      %dma_wait3A_63 = arith.constant 0 : i32
      %dma_wait3A_64 = tpu.memref_slice %arg7[%add3A_58, %dma_wait3A_63] : memref<126x80xi32, #tpu.memory_space<vmem>> -> memref<1x80xi32, #tpu.memory_space<vmem>>
      %dma_wait3A_65 = tpu.memref_squeeze %dma_wait3A_64 : memref<1x80xi32, #tpu.memory_space<vmem>> -> memref<80xi32, #tpu.memory_space<vmem>>
      %dma_wait3A_66 = arith.constant 0 : i32
      %dma_wait3A_67 = arith.constant 0 : i32
      %dma_wait3A_68 = tpu.memref_slice %arg4[%dma_wait3A_66, %dma_wait3A_67] : memref<8000x128xf32, #tpu.memory_space<hbm>> -> memref<8000x128xf32, #tpu.memory_space<hbm>>
      tpu.wait_indirect_dma semaphore(%arg11 : memref<!tpu.dma_semaphore, #tpu.memory_space<semaphore_mem>>) src(%dma_wait3A_68 : memref<8000x128xf32, #tpu.memory_space<hbm>>) dst(%dma_wait3A_62 : memref<80x128xf32, #tpu.memory_space<vmem>>)
      %add3A_69 = arith.constant 1 : i32
      %add3A_70 = arith.addi %mul3A_54, %add3A_69 : i32
      %dma_wait3A_71 = arith.constant 1 : i32
      %dma_wait3A_72 = arith.constant 0 : i32
      %dma_wait3A_73 = arith.constant 0 : i32
      %dma_wait3A_74 = tpu.memref_slice %arg9[%dma_wait3A_71, %dma_wait3A_72, %dma_wait3A_73] : memref<6x80x128xf32, #tpu.memory_space<vmem>> -> memref<1x80x128xf32, #tpu.memory_space<vmem>>
      %dma_wait3A_75 = tpu.memref_squeeze %dma_wait3A_74 : memref<1x80x128xf32, #tpu.memory_space<vmem>> -> memref<80x128xf32, #tpu.memory_space<vmem>>
      %dma_wait3A_76 = arith.constant 0 : i32
      %dma_wait3A_77 = tpu.memref_slice %arg7[%add3A_70, %dma_wait3A_76] : memref<126x80xi32, #tpu.memory_space<vmem>> -> memref<1x80xi32, #tpu.memory_space<vmem>>
      %dma_wait3A_78 = tpu.memref_squeeze %dma_wait3A_77 : memref<1x80xi32, #tpu.memory_space<vmem>> -> memref<80xi32, #tpu.memory_space<vmem>>
      %dma_wait3A_79 = arith.constant 0 : i32
      %dma_wait3A_80 = arith.constant 0 : i32
      %dma_wait3A_81 = tpu.memref_slice %arg4[%dma_wait3A_79, %dma_wait3A_80] : memref<8000x128xf32, #tpu.memory_space<hbm>> -> memref<8000x128xf32, #tpu.memory_space<hbm>>
      tpu.wait_indirect_dma semaphore(%arg11 : memref<!tpu.dma_semaphore, #tpu.memory_space<semaphore_mem>>) src(%dma_wait3A_81 : memref<8000x128xf32, #tpu.memory_space<hbm>>) dst(%dma_wait3A_75 : memref<80x128xf32, #tpu.memory_space<vmem>>)
      %add3A_82 = arith.constant 2 : i32
      %add3A_83 = arith.addi %mul3A_54, %add3A_82 : i32
      %dma_wait3A_84 = arith.constant 2 : i32
      %dma_wait3A_85 = arith.constant 0 : i32
      %dma_wait3A_86 = arith.constant 0 : i32
      %dma_wait3A_87 = tpu.memref_slice %arg9[%dma_wait3A_84, %dma_wait3A_85, %dma_wait3A_86] : memref<6x80x128xf32, #tpu.memory_space<vmem>> -> memref<1x80x128xf32, #tpu.memory_space<vmem>>
      %dma_wait3A_88 = tpu.memref_squeeze %dma_wait3A_87 : memref<1x80x128xf32, #tpu.memory_space<vmem>> -> memref<80x128xf32, #tpu.memory_space<vmem>>
      %dma_wait3A_89 = arith.constant 0 : i32
      %dma_wait3A_90 = tpu.memref_slice %arg7[%add3A_83, %dma_wait3A_89] : memref<126x80xi32, #tpu.memory_space<vmem>> -> memref<1x80xi32, #tpu.memory_space<vmem>>
      %dma_wait3A_91 = tpu.memref_squeeze %dma_wait3A_90 : memref<1x80xi32, #tpu.memory_space<vmem>> -> memref<80xi32, #tpu.memory_space<vmem>>
      %dma_wait3A_92 = arith.constant 0 : i32
      %dma_wait3A_93 = arith.constant 0 : i32
      %dma_wait3A_94 = tpu.memref_slice %arg4[%dma_wait3A_92, %dma_wait3A_93] : memref<8000x128xf32, #tpu.memory_space<hbm>> -> memref<8000x128xf32, #tpu.memory_space<hbm>>
      tpu.wait_indirect_dma semaphore(%arg11 : memref<!tpu.dma_semaphore, #tpu.memory_space<semaphore_mem>>) src(%dma_wait3A_94 : memref<8000x128xf32, #tpu.memory_space<hbm>>) dst(%dma_wait3A_88 : memref<80x128xf32, #tpu.memory_space<vmem>>)
      %add3A_95 = arith.constant 0 : i32
      %add3A_96 = arith.addi %add3A_56, %add3A_95 : i32
      %dma_start3A_97 = arith.constant 3 : i32
      %dma_start3A_98 = arith.constant 0 : i32
      %dma_start3A_99 = arith.constant 0 : i32
      %dma_start3A_100 = tpu.memref_slice %arg9[%dma_start3A_97, %dma_start3A_98, %dma_start3A_99] : memref<6x80x128xf32, #tpu.memory_space<vmem>> -> memref<1x80x128xf32, #tpu.memory_space<vmem>>
      %dma_start3A_101 = tpu.memref_squeeze %dma_start3A_100 : memref<1x80x128xf32, #tpu.memory_space<vmem>> -> memref<80x128xf32, #tpu.memory_space<vmem>>
      %dma_start3A_102 = arith.constant 0 : i32
      %dma_start3A_103 = tpu.memref_slice %arg7[%add3A_96, %dma_start3A_102] : memref<126x80xi32, #tpu.memory_space<vmem>> -> memref<1x80xi32, #tpu.memory_space<vmem>>
      %dma_start3A_104 = tpu.memref_squeeze %dma_start3A_103 : memref<1x80xi32, #tpu.memory_space<vmem>> -> memref<80xi32, #tpu.memory_space<vmem>>
      %dma_start3A_105 = arith.constant 0 : i32
      %dma_start3A_106 = arith.constant 0 : i32
      %dma_start3A_107 = tpu.memref_slice %arg4[%dma_start3A_105, %dma_start3A_106] : memref<8000x128xf32, #tpu.memory_space<hbm>> -> memref<8000x128xf32, #tpu.memory_space<hbm>>
      tpu.enqueue_indirect_dma source(%dma_start3A_107 : memref<8000x128xf32, #tpu.memory_space<hbm>>) target(%dma_start3A_101 : memref<80x128xf32, #tpu.memory_space<vmem>>) offsets(%dma_start3A_104 : memref<80xi32, #tpu.memory_space<vmem>>) semaphore(%arg12 : memref<!tpu.dma_semaphore, #tpu.memory_space<semaphore_mem>>)
      %add3A_108 = arith.constant 1 : i32
      %add3A_109 = arith.addi %add3A_56, %add3A_108 : i32
      %dma_start3A_110 = arith.constant 4 : i32
      %dma_start3A_111 = arith.constant 0 : i32
      %dma_start3A_112 = arith.constant 0 : i32
      %dma_start3A_113 = tpu.memref_slice %arg9[%dma_start3A_110, %dma_start3A_111, %dma_start3A_112] : memref<6x80x128xf32, #tpu.memory_space<vmem>> -> memref<1x80x128xf32, #tpu.memory_space<vmem>>
      %dma_start3A_114 = tpu.memref_squeeze %dma_start3A_113 : memref<1x80x128xf32, #tpu.memory_space<vmem>> -> memref<80x128xf32, #tpu.memory_space<vmem>>
      %dma_start3A_115 = arith.constant 0 : i32
      %dma_start3A_116 = tpu.memref_slice %arg7[%add3A_109, %dma_start3A_115] : memref<126x80xi32, #tpu.memory_space<vmem>> -> memref<1x80xi32, #tpu.memory_space<vmem>>
      %dma_start3A_117 = tpu.memref_squeeze %dma_start3A_116 : memref<1x80xi32, #tpu.memory_space<vmem>> -> memref<80xi32, #tpu.memory_space<vmem>>
      %dma_start3A_118 = arith.constant 0 : i32
      %dma_start3A_119 = arith.constant 0 : i32
      %dma_start3A_120 = tpu.memref_slice %arg4[%dma_start3A_118, %dma_start3A_119] : memref<8000x128xf32, #tpu.memory_space<hbm>> -> memref<8000x128xf32, #tpu.memory_space<hbm>>
      tpu.enqueue_indirect_dma source(%dma_start3A_120 : memref<8000x128xf32, #tpu.memory_space<hbm>>) target(%dma_start3A_114 : memref<80x128xf32, #tpu.memory_space<vmem>>) offsets(%dma_start3A_117 : memref<80xi32, #tpu.memory_space<vmem>>) semaphore(%arg12 : memref<!tpu.dma_semaphore, #tpu.memory_space<semaphore_mem>>)
      %add3A_121 = arith.constant 2 : i32
      %add3A_122 = arith.addi %add3A_56, %add3A_121 : i32
      %dma_start3A_123 = arith.constant 5 : i32
      %dma_start3A_124 = arith.constant 0 : i32
      %dma_start3A_125 = arith.constant 0 : i32
      %dma_start3A_126 = tpu.memref_slice %arg9[%dma_start3A_123, %dma_start3A_124, %dma_start3A_125] : memref<6x80x128xf32, #tpu.memory_space<vmem>> -> memref<1x80x128xf32, #tpu.memory_space<vmem>>
      %dma_start3A_127 = tpu.memref_squeeze %dma_start3A_126 : memref<1x80x128xf32, #tpu.memory_space<vmem>> -> memref<80x128xf32, #tpu.memory_space<vmem>>
      %dma_start3A_128 = arith.constant 0 : i32
      %dma_start3A_129 = tpu.memref_slice %arg7[%add3A_122, %dma_start3A_128] : memref<126x80xi32, #tpu.memory_space<vmem>> -> memref<1x80xi32, #tpu.memory_space<vmem>>
      %dma_start3A_130 = tpu.memref_squeeze %dma_start3A_129 : memref<1x80xi32, #tpu.memory_space<vmem>> -> memref<80xi32, #tpu.memory_space<vmem>>
      %dma_start3A_131 = arith.constant 0 : i32
      %dma_start3A_132 = arith.constant 0 : i32
      %dma_start3A_133 = tpu.memref_slice %arg4[%dma_start3A_131, %dma_start3A_132] : memref<8000x128xf32, #tpu.memory_space<hbm>> -> memref<8000x128xf32, #tpu.memory_space<hbm>>
      tpu.enqueue_indirect_dma source(%dma_start3A_133 : memref<8000x128xf32, #tpu.memory_space<hbm>>) target(%dma_start3A_127 : memref<80x128xf32, #tpu.memory_space<vmem>>) offsets(%dma_start3A_130 : memref<80xi32, #tpu.memory_space<vmem>>) semaphore(%arg12 : memref<!tpu.dma_semaphore, #tpu.memory_space<semaphore_mem>>)
      %add3A_134 = arith.constant 0 : i32
      %add3A_135 = arith.addi %mul3A_54, %add3A_134 : i32
      %dma_start3A_136 = arith.constant 0 : i32
      %dma_start3A_137 = arith.constant 0 : i32
      %dma_start3A_138 = arith.constant 0 : i32
      %dma_start3A_139 = tpu.memref_slice %arg9[%dma_start3A_136, %dma_start3A_137, %dma_start3A_138] : memref<6x80x128xf32, #tpu.memory_space<vmem>> -> memref<1x80x128xf32, #tpu.memory_space<vmem>>
      %dma_start3A_140 = tpu.memref_squeeze %dma_start3A_139 : memref<1x80x128xf32, #tpu.memory_space<vmem>> -> memref<80x128xf32, #tpu.memory_space<vmem>>
      %dma_start3A_141 = arith.constant 0 : i32
      %dma_start3A_142 = tpu.memref_slice %arg8[%add3A_135, %dma_start3A_141] : memref<126x80xi32, #tpu.memory_space<vmem>> -> memref<1x80xi32, #tpu.memory_space<vmem>>
      %dma_start3A_143 = tpu.memref_squeeze %dma_start3A_142 : memref<1x80xi32, #tpu.memory_space<vmem>> -> memref<80xi32, #tpu.memory_space<vmem>>
      %dma_start3A_144 = arith.constant 0 : i32
      %dma_start3A_145 = arith.constant 0 : i32
      %dma_start3A_146 = tpu.memref_slice %arg10[%dma_start3A_144, %dma_start3A_145] : memref<2048x128xf32, #tpu.memory_space<vmem_shared>> -> memref<2048x128xf32, #tpu.memory_space<vmem_shared>>
      tpu.enqueue_indirect_dma source(%dma_start3A_140 : memref<80x128xf32, #tpu.memory_space<vmem>>) target(%dma_start3A_146 : memref<2048x128xf32, #tpu.memory_space<vmem_shared>>) offsets(%dma_start3A_143 : memref<80xi32, #tpu.memory_space<vmem>>) semaphore(%arg13 : memref<!tpu.dma_semaphore, #tpu.memory_space<semaphore_mem>>) {add = true}
      %add3A_147 = arith.constant 1 : i32
      %add3A_148 = arith.addi %mul3A_54, %add3A_147 : i32
      %dma_start3A_149 = arith.constant 1 : i32
      %dma_start3A_150 = arith.constant 0 : i32
      %dma_start3A_151 = arith.constant 0 : i32
      %dma_start3A_152 = tpu.memref_slice %arg9[%dma_start3A_149, %dma_start3A_150, %dma_start3A_151] : memref<6x80x128xf32, #tpu.memory_space<vmem>> -> memref<1x80x128xf32, #tpu.memory_space<vmem>>
      %dma_start3A_153 = tpu.memref_squeeze %dma_start3A_152 : memref<1x80x128xf32, #tpu.memory_space<vmem>> -> memref<80x128xf32, #tpu.memory_space<vmem>>
      %dma_start3A_154 = arith.constant 0 : i32
      %dma_start3A_155 = tpu.memref_slice %arg8[%add3A_148, %dma_start3A_154] : memref<126x80xi32, #tpu.memory_space<vmem>> -> memref<1x80xi32, #tpu.memory_space<vmem>>
      %dma_start3A_156 = tpu.memref_squeeze %dma_start3A_155 : memref<1x80xi32, #tpu.memory_space<vmem>> -> memref<80xi32, #tpu.memory_space<vmem>>
      %dma_start3A_157 = arith.constant 0 : i32
      %dma_start3A_158 = arith.constant 0 : i32
      %dma_start3A_159 = tpu.memref_slice %arg10[%dma_start3A_157, %dma_start3A_158] : memref<2048x128xf32, #tpu.memory_space<vmem_shared>> -> memref<2048x128xf32, #tpu.memory_space<vmem_shared>>
      tpu.enqueue_indirect_dma source(%dma_start3A_153 : memref<80x128xf32, #tpu.memory_space<vmem>>) target(%dma_start3A_159 : memref<2048x128xf32, #tpu.memory_space<vmem_shared>>) offsets(%dma_start3A_156 : memref<80xi32, #tpu.memory_space<vmem>>) semaphore(%arg13 : memref<!tpu.dma_semaphore, #tpu.memory_space<semaphore_mem>>) {add = true}
      %add3A_160 = arith.constant 2 : i32
      %add3A_161 = arith.addi %mul3A_54, %add3A_160 : i32
      %dma_start3A_162 = arith.constant 2 : i32
      %dma_start3A_163 = arith.constant 0 : i32
      %dma_start3A_164 = arith.constant 0 : i32
      %dma_start3A_165 = tpu.memref_slice %arg9[%dma_start3A_162, %dma_start3A_163, %dma_start3A_164] : memref<6x80x128xf32, #tpu.memory_space<vmem>> -> memref<1x80x128xf32, #tpu.memory_space<vmem>>
      %dma_start3A_166 = tpu.memref_squeeze %dma_start3A_165 : memref<1x80x128xf32, #tpu.memory_space<vmem>> -> memref<80x128xf32, #tpu.memory_space<vmem>>
      %dma_start3A_167 = arith.constant 0 : i32
      %dma_start3A_168 = tpu.memref_slice %arg8[%add3A_161, %dma_start3A_167] : memref<126x80xi32, #tpu.memory_space<vmem>> -> memref<1x80xi32, #tpu.memory_space<vmem>>
      %dma_start3A_169 = tpu.memref_squeeze %dma_start3A_168 : memref<1x80xi32, #tpu.memory_space<vmem>> -> memref<80xi32, #tpu.memory_space<vmem>>
      %dma_start3A_170 = arith.constant 0 : i32
      %dma_start3A_171 = arith.constant 0 : i32
      %dma_start3A_172 = tpu.memref_slice %arg10[%dma_start3A_170, %dma_start3A_171] : memref<2048x128xf32, #tpu.memory_space<vmem_shared>> -> memref<2048x128xf32, #tpu.memory_space<vmem_shared>>
      tpu.enqueue_indirect_dma source(%dma_start3A_166 : memref<80x128xf32, #tpu.memory_space<vmem>>) target(%dma_start3A_172 : memref<2048x128xf32, #tpu.memory_space<vmem_shared>>) offsets(%dma_start3A_169 : memref<80xi32, #tpu.memory_space<vmem>>) semaphore(%arg13 : memref<!tpu.dma_semaphore, #tpu.memory_space<semaphore_mem>>) {add = true}
      %dma_wait3A_173 = arith.constant 3 : i32
      %dma_wait3A_174 = arith.constant 0 : i32
      %dma_wait3A_175 = arith.constant 0 : i32
      %dma_wait3A_176 = tpu.memref_slice %arg9[%dma_wait3A_173, %dma_wait3A_174, %dma_wait3A_175] : memref<6x80x128xf32, #tpu.memory_space<vmem>> -> memref<1x80x128xf32, #tpu.memory_space<vmem>>
      %dma_wait3A_177 = tpu.memref_squeeze %dma_wait3A_176 : memref<1x80x128xf32, #tpu.memory_space<vmem>> -> memref<80x128xf32, #tpu.memory_space<vmem>>
      %dma_wait3A_178 = arith.constant 0 : i32
      %dma_wait3A_179 = tpu.memref_slice %arg7[%add3A_96, %dma_wait3A_178] : memref<126x80xi32, #tpu.memory_space<vmem>> -> memref<1x80xi32, #tpu.memory_space<vmem>>
      %dma_wait3A_180 = tpu.memref_squeeze %dma_wait3A_179 : memref<1x80xi32, #tpu.memory_space<vmem>> -> memref<80xi32, #tpu.memory_space<vmem>>
      %dma_wait3A_181 = arith.constant 0 : i32
      %dma_wait3A_182 = arith.constant 0 : i32
      %dma_wait3A_183 = tpu.memref_slice %arg4[%dma_wait3A_181, %dma_wait3A_182] : memref<8000x128xf32, #tpu.memory_space<hbm>> -> memref<8000x128xf32, #tpu.memory_space<hbm>>
      tpu.wait_indirect_dma semaphore(%arg12 : memref<!tpu.dma_semaphore, #tpu.memory_space<semaphore_mem>>) src(%dma_wait3A_183 : memref<8000x128xf32, #tpu.memory_space<hbm>>) dst(%dma_wait3A_177 : memref<80x128xf32, #tpu.memory_space<vmem>>)
      %dma_wait3A_184 = arith.constant 4 : i32
      %dma_wait3A_185 = arith.constant 0 : i32
      %dma_wait3A_186 = arith.constant 0 : i32
      %dma_wait3A_187 = tpu.memref_slice %arg9[%dma_wait3A_184, %dma_wait3A_185, %dma_wait3A_186] : memref<6x80x128xf32, #tpu.memory_space<vmem>> -> memref<1x80x128xf32, #tpu.memory_space<vmem>>
      %dma_wait3A_188 = tpu.memref_squeeze %dma_wait3A_187 : memref<1x80x128xf32, #tpu.memory_space<vmem>> -> memref<80x128xf32, #tpu.memory_space<vmem>>
      %dma_wait3A_189 = arith.constant 0 : i32
      %dma_wait3A_190 = tpu.memref_slice %arg7[%add3A_109, %dma_wait3A_189] : memref<126x80xi32, #tpu.memory_space<vmem>> -> memref<1x80xi32, #tpu.memory_space<vmem>>
      %dma_wait3A_191 = tpu.memref_squeeze %dma_wait3A_190 : memref<1x80xi32, #tpu.memory_space<vmem>> -> memref<80xi32, #tpu.memory_space<vmem>>
      %dma_wait3A_192 = arith.constant 0 : i32
      %dma_wait3A_193 = arith.constant 0 : i32
      %dma_wait3A_194 = tpu.memref_slice %arg4[%dma_wait3A_192, %dma_wait3A_193] : memref<8000x128xf32, #tpu.memory_space<hbm>> -> memref<8000x128xf32, #tpu.memory_space<hbm>>
      tpu.wait_indirect_dma semaphore(%arg12 : memref<!tpu.dma_semaphore, #tpu.memory_space<semaphore_mem>>) src(%dma_wait3A_194 : memref<8000x128xf32, #tpu.memory_space<hbm>>) dst(%dma_wait3A_188 : memref<80x128xf32, #tpu.memory_space<vmem>>)
      %dma_wait3A_195 = arith.constant 5 : i32
      %dma_wait3A_196 = arith.constant 0 : i32
      %dma_wait3A_197 = arith.constant 0 : i32
      %dma_wait3A_198 = tpu.memref_slice %arg9[%dma_wait3A_195, %dma_wait3A_196, %dma_wait3A_197] : memref<6x80x128xf32, #tpu.memory_space<vmem>> -> memref<1x80x128xf32, #tpu.memory_space<vmem>>
      %dma_wait3A_199 = tpu.memref_squeeze %dma_wait3A_198 : memref<1x80x128xf32, #tpu.memory_space<vmem>> -> memref<80x128xf32, #tpu.memory_space<vmem>>
      %dma_wait3A_200 = arith.constant 0 : i32
      %dma_wait3A_201 = tpu.memref_slice %arg7[%add3A_122, %dma_wait3A_200] : memref<126x80xi32, #tpu.memory_space<vmem>> -> memref<1x80xi32, #tpu.memory_space<vmem>>
      %dma_wait3A_202 = tpu.memref_squeeze %dma_wait3A_201 : memref<1x80xi32, #tpu.memory_space<vmem>> -> memref<80xi32, #tpu.memory_space<vmem>>
      %dma_wait3A_203 = arith.constant 0 : i32
      %dma_wait3A_204 = arith.constant 0 : i32
      %dma_wait3A_205 = tpu.memref_slice %arg4[%dma_wait3A_203, %dma_wait3A_204] : memref<8000x128xf32, #tpu.memory_space<hbm>> -> memref<8000x128xf32, #tpu.memory_space<hbm>>
      tpu.wait_indirect_dma semaphore(%arg12 : memref<!tpu.dma_semaphore, #tpu.memory_space<semaphore_mem>>) src(%dma_wait3A_205 : memref<8000x128xf32, #tpu.memory_space<hbm>>) dst(%dma_wait3A_199 : memref<80x128xf32, #tpu.memory_space<vmem>>)
      %add3A_206 = arith.constant 0 : i32
      %add3A_207 = arith.addi %add3A_56, %add3A_206 : i32
      %dma_start3A_208 = arith.constant 3 : i32
      %dma_start3A_209 = arith.constant 0 : i32
      %dma_start3A_210 = arith.constant 0 : i32
      %dma_start3A_211 = tpu.memref_slice %arg9[%dma_start3A_208, %dma_start3A_209, %dma_start3A_210] : memref<6x80x128xf32, #tpu.memory_space<vmem>> -> memref<1x80x128xf32, #tpu.memory_space<vmem>>
      %dma_start3A_212 = tpu.memref_squeeze %dma_start3A_211 : memref<1x80x128xf32, #tpu.memory_space<vmem>> -> memref<80x128xf32, #tpu.memory_space<vmem>>
      %dma_start3A_213 = arith.constant 0 : i32
      %dma_start3A_214 = tpu.memref_slice %arg8[%add3A_207, %dma_start3A_213] : memref<126x80xi32, #tpu.memory_space<vmem>> -> memref<1x80xi32, #tpu.memory_space<vmem>>
      %dma_start3A_215 = tpu.memref_squeeze %dma_start3A_214 : memref<1x80xi32, #tpu.memory_space<vmem>> -> memref<80xi32, #tpu.memory_space<vmem>>
      %dma_start3A_216 = arith.constant 0 : i32
      %dma_start3A_217 = arith.constant 0 : i32
      %dma_start3A_218 = tpu.memref_slice %arg10[%dma_start3A_216, %dma_start3A_217] : memref<2048x128xf32, #tpu.memory_space<vmem_shared>> -> memref<2048x128xf32, #tpu.memory_space<vmem_shared>>
      tpu.enqueue_indirect_dma source(%dma_start3A_212 : memref<80x128xf32, #tpu.memory_space<vmem>>) target(%dma_start3A_218 : memref<2048x128xf32, #tpu.memory_space<vmem_shared>>) offsets(%dma_start3A_215 : memref<80xi32, #tpu.memory_space<vmem>>) semaphore(%arg14 : memref<!tpu.dma_semaphore, #tpu.memory_space<semaphore_mem>>) {add = true}
      %add3A_219 = arith.constant 1 : i32
      %add3A_220 = arith.addi %add3A_56, %add3A_219 : i32
      %dma_start3A_221 = arith.constant 4 : i32
      %dma_start3A_222 = arith.constant 0 : i32
      %dma_start3A_223 = arith.constant 0 : i32
      %dma_start3A_224 = tpu.memref_slice %arg9[%dma_start3A_221, %dma_start3A_222, %dma_start3A_223] : memref<6x80x128xf32, #tpu.memory_space<vmem>> -> memref<1x80x128xf32, #tpu.memory_space<vmem>>
      %dma_start3A_225 = tpu.memref_squeeze %dma_start3A_224 : memref<1x80x128xf32, #tpu.memory_space<vmem>> -> memref<80x128xf32, #tpu.memory_space<vmem>>
      %dma_start3A_226 = arith.constant 0 : i32
      %dma_start3A_227 = tpu.memref_slice %arg8[%add3A_220, %dma_start3A_226] : memref<126x80xi32, #tpu.memory_space<vmem>> -> memref<1x80xi32, #tpu.memory_space<vmem>>
      %dma_start3A_228 = tpu.memref_squeeze %dma_start3A_227 : memref<1x80xi32, #tpu.memory_space<vmem>> -> memref<80xi32, #tpu.memory_space<vmem>>
      %dma_start3A_229 = arith.constant 0 : i32
      %dma_start3A_230 = arith.constant 0 : i32
      %dma_start3A_231 = tpu.memref_slice %arg10[%dma_start3A_229, %dma_start3A_230] : memref<2048x128xf32, #tpu.memory_space<vmem_shared>> -> memref<2048x128xf32, #tpu.memory_space<vmem_shared>>
      tpu.enqueue_indirect_dma source(%dma_start3A_225 : memref<80x128xf32, #tpu.memory_space<vmem>>) target(%dma_start3A_231 : memref<2048x128xf32, #tpu.memory_space<vmem_shared>>) offsets(%dma_start3A_228 : memref<80xi32, #tpu.memory_space<vmem>>) semaphore(%arg14 : memref<!tpu.dma_semaphore, #tpu.memory_space<semaphore_mem>>) {add = true}
      %add3A_232 = arith.constant 2 : i32
      %add3A_233 = arith.addi %add3A_56, %add3A_232 : i32
      %dma_start3A_234 = arith.constant 5 : i32
      %dma_start3A_235 = arith.constant 0 : i32
      %dma_start3A_236 = arith.constant 0 : i32
      %dma_start3A_237 = tpu.memref_slice %arg9[%dma_start3A_234, %dma_start3A_235, %dma_start3A_236] : memref<6x80x128xf32, #tpu.memory_space<vmem>> -> memref<1x80x128xf32, #tpu.memory_space<vmem>>
      %dma_start3A_238 = tpu.memref_squeeze %dma_start3A_237 : memref<1x80x128xf32, #tpu.memory_space<vmem>> -> memref<80x128xf32, #tpu.memory_space<vmem>>
      %dma_start3A_239 = arith.constant 0 : i32
      %dma_start3A_240 = tpu.memref_slice %arg8[%add3A_233, %dma_start3A_239] : memref<126x80xi32, #tpu.memory_space<vmem>> -> memref<1x80xi32, #tpu.memory_space<vmem>>
      %dma_start3A_241 = tpu.memref_squeeze %dma_start3A_240 : memref<1x80xi32, #tpu.memory_space<vmem>> -> memref<80xi32, #tpu.memory_space<vmem>>
      %dma_start3A_242 = arith.constant 0 : i32
      %dma_start3A_243 = arith.constant 0 : i32
      %dma_start3A_244 = tpu.memref_slice %arg10[%dma_start3A_242, %dma_start3A_243] : memref<2048x128xf32, #tpu.memory_space<vmem_shared>> -> memref<2048x128xf32, #tpu.memory_space<vmem_shared>>
      tpu.enqueue_indirect_dma source(%dma_start3A_238 : memref<80x128xf32, #tpu.memory_space<vmem>>) target(%dma_start3A_244 : memref<2048x128xf32, #tpu.memory_space<vmem_shared>>) offsets(%dma_start3A_241 : memref<80xi32, #tpu.memory_space<vmem>>) semaphore(%arg14 : memref<!tpu.dma_semaphore, #tpu.memory_space<semaphore_mem>>) {add = true}
      %dma_wait3A_245 = arith.constant 0 : i32
      %dma_wait3A_246 = arith.constant 0 : i32
      %dma_wait3A_247 = arith.constant 0 : i32
      %dma_wait3A_248 = tpu.memref_slice %arg9[%dma_wait3A_245, %dma_wait3A_246, %dma_wait3A_247] : memref<6x80x128xf32, #tpu.memory_space<vmem>> -> memref<1x80x128xf32, #tpu.memory_space<vmem>>
      %dma_wait3A_249 = tpu.memref_squeeze %dma_wait3A_248 : memref<1x80x128xf32, #tpu.memory_space<vmem>> -> memref<80x128xf32, #tpu.memory_space<vmem>>
      %dma_wait3A_250 = arith.constant 0 : i32
      %dma_wait3A_251 = tpu.memref_slice %arg8[%add3A_135, %dma_wait3A_250] : memref<126x80xi32, #tpu.memory_space<vmem>> -> memref<1x80xi32, #tpu.memory_space<vmem>>
      %dma_wait3A_252 = tpu.memref_squeeze %dma_wait3A_251 : memref<1x80xi32, #tpu.memory_space<vmem>> -> memref<80xi32, #tpu.memory_space<vmem>>
      %dma_wait3A_253 = arith.constant 0 : i32
      %dma_wait3A_254 = arith.constant 0 : i32
      %dma_wait3A_255 = tpu.memref_slice %arg10[%dma_wait3A_253, %dma_wait3A_254] : memref<2048x128xf32, #tpu.memory_space<vmem_shared>> -> memref<2048x128xf32, #tpu.memory_space<vmem_shared>>
      tpu.wait_indirect_dma semaphore(%arg13 : memref<!tpu.dma_semaphore, #tpu.memory_space<semaphore_mem>>) src(%dma_wait3A_249 : memref<80x128xf32, #tpu.memory_space<vmem>>) dst(%dma_wait3A_255 : memref<2048x128xf32, #tpu.memory_space<vmem_shared>>)
      %dma_wait3A_256 = arith.constant 1 : i32
      %dma_wait3A_257 = arith.constant 0 : i32
      %dma_wait3A_258 = arith.constant 0 : i32
      %dma_wait3A_259 = tpu.memref_slice %arg9[%dma_wait3A_256, %dma_wait3A_257, %dma_wait3A_258] : memref<6x80x128xf32, #tpu.memory_space<vmem>> -> memref<1x80x128xf32, #tpu.memory_space<vmem>>
      %dma_wait3A_260 = tpu.memref_squeeze %dma_wait3A_259 : memref<1x80x128xf32, #tpu.memory_space<vmem>> -> memref<80x128xf32, #tpu.memory_space<vmem>>
      %dma_wait3A_261 = arith.constant 0 : i32
      %dma_wait3A_262 = tpu.memref_slice %arg8[%add3A_148, %dma_wait3A_261] : memref<126x80xi32, #tpu.memory_space<vmem>> -> memref<1x80xi32, #tpu.memory_space<vmem>>
      %dma_wait3A_263 = tpu.memref_squeeze %dma_wait3A_262 : memref<1x80xi32, #tpu.memory_space<vmem>> -> memref<80xi32, #tpu.memory_space<vmem>>
      %dma_wait3A_264 = arith.constant 0 : i32
      %dma_wait3A_265 = arith.constant 0 : i32
      %dma_wait3A_266 = tpu.memref_slice %arg10[%dma_wait3A_264, %dma_wait3A_265] : memref<2048x128xf32, #tpu.memory_space<vmem_shared>> -> memref<2048x128xf32, #tpu.memory_space<vmem_shared>>
      tpu.wait_indirect_dma semaphore(%arg13 : memref<!tpu.dma_semaphore, #tpu.memory_space<semaphore_mem>>) src(%dma_wait3A_260 : memref<80x128xf32, #tpu.memory_space<vmem>>) dst(%dma_wait3A_266 : memref<2048x128xf32, #tpu.memory_space<vmem_shared>>)
      %dma_wait3A_267 = arith.constant 2 : i32
      %dma_wait3A_268 = arith.constant 0 : i32
      %dma_wait3A_269 = arith.constant 0 : i32
      %dma_wait3A_270 = tpu.memref_slice %arg9[%dma_wait3A_267, %dma_wait3A_268, %dma_wait3A_269] : memref<6x80x128xf32, #tpu.memory_space<vmem>> -> memref<1x80x128xf32, #tpu.memory_space<vmem>>
      %dma_wait3A_271 = tpu.memref_squeeze %dma_wait3A_270 : memref<1x80x128xf32, #tpu.memory_space<vmem>> -> memref<80x128xf32, #tpu.memory_space<vmem>>
      %dma_wait3A_272 = arith.constant 0 : i32
      %dma_wait3A_273 = tpu.memref_slice %arg8[%add3A_161, %dma_wait3A_272] : memref<126x80xi32, #tpu.memory_space<vmem>> -> memref<1x80xi32, #tpu.memory_space<vmem>>
      %dma_wait3A_274 = tpu.memref_squeeze %dma_wait3A_273 : memref<1x80xi32, #tpu.memory_space<vmem>> -> memref<80xi32, #tpu.memory_space<vmem>>
      %dma_wait3A_275 = arith.constant 0 : i32
      %dma_wait3A_276 = arith.constant 0 : i32
      %dma_wait3A_277 = tpu.memref_slice %arg10[%dma_wait3A_275, %dma_wait3A_276] : memref<2048x128xf32, #tpu.memory_space<vmem_shared>> -> memref<2048x128xf32, #tpu.memory_space<vmem_shared>>
      tpu.wait_indirect_dma semaphore(%arg13 : memref<!tpu.dma_semaphore, #tpu.memory_space<semaphore_mem>>) src(%dma_wait3A_271 : memref<80x128xf32, #tpu.memory_space<vmem>>) dst(%dma_wait3A_277 : memref<2048x128xf32, #tpu.memory_space<vmem_shared>>)
      %lt3A = arith.constant 20 : i32
      %lt3A_278 = arith.cmpi slt, %scan3A_50, %lt3A : i32
      %convert_element_type3A = arith.extui %lt3A_278 : i1 to i32
      %cond3A = arith.constant 0 : i32
      %cond3A_279 = arith.cmpi ne, %convert_element_type3A, %cond3A : i32
      scf.if %cond3A_279 {
        %add3A_313 = arith.constant 6 : i32
        %add3A_314 = arith.addi %mul3A_54, %add3A_313 : i32
        %add3A_315 = arith.constant 0 : i32
        %add3A_316 = arith.addi %add3A_314, %add3A_315 : i32
        %dma_start3A_317 = arith.constant 0 : i32
        %dma_start3A_318 = arith.constant 0 : i32
        %dma_start3A_319 = arith.constant 0 : i32
        %dma_start3A_320 = tpu.memref_slice %arg9[%dma_start3A_317, %dma_start3A_318, %dma_start3A_319] : memref<6x80x128xf32, #tpu.memory_space<vmem>> -> memref<1x80x128xf32, #tpu.memory_space<vmem>>
        %dma_start3A_321 = tpu.memref_squeeze %dma_start3A_320 : memref<1x80x128xf32, #tpu.memory_space<vmem>> -> memref<80x128xf32, #tpu.memory_space<vmem>>
        %dma_start3A_322 = arith.constant 0 : i32
        %dma_start3A_323 = tpu.memref_slice %arg7[%add3A_316, %dma_start3A_322] : memref<126x80xi32, #tpu.memory_space<vmem>> -> memref<1x80xi32, #tpu.memory_space<vmem>>
        %dma_start3A_324 = tpu.memref_squeeze %dma_start3A_323 : memref<1x80xi32, #tpu.memory_space<vmem>> -> memref<80xi32, #tpu.memory_space<vmem>>
        %dma_start3A_325 = arith.constant 0 : i32
        %dma_start3A_326 = arith.constant 0 : i32
        %dma_start3A_327 = tpu.memref_slice %arg4[%dma_start3A_325, %dma_start3A_326] : memref<8000x128xf32, #tpu.memory_space<hbm>> -> memref<8000x128xf32, #tpu.memory_space<hbm>>
        tpu.enqueue_indirect_dma source(%dma_start3A_327 : memref<8000x128xf32, #tpu.memory_space<hbm>>) target(%dma_start3A_321 : memref<80x128xf32, #tpu.memory_space<vmem>>) offsets(%dma_start3A_324 : memref<80xi32, #tpu.memory_space<vmem>>) semaphore(%arg11 : memref<!tpu.dma_semaphore, #tpu.memory_space<semaphore_mem>>)
        %add3A_328 = arith.constant 1 : i32
        %add3A_329 = arith.addi %add3A_314, %add3A_328 : i32
        %dma_start3A_330 = arith.constant 1 : i32
        %dma_start3A_331 = arith.constant 0 : i32
        %dma_start3A_332 = arith.constant 0 : i32
        %dma_start3A_333 = tpu.memref_slice %arg9[%dma_start3A_330, %dma_start3A_331, %dma_start3A_332] : memref<6x80x128xf32, #tpu.memory_space<vmem>> -> memref<1x80x128xf32, #tpu.memory_space<vmem>>
        %dma_start3A_334 = tpu.memref_squeeze %dma_start3A_333 : memref<1x80x128xf32, #tpu.memory_space<vmem>> -> memref<80x128xf32, #tpu.memory_space<vmem>>
        %dma_start3A_335 = arith.constant 0 : i32
        %dma_start3A_336 = tpu.memref_slice %arg7[%add3A_329, %dma_start3A_335] : memref<126x80xi32, #tpu.memory_space<vmem>> -> memref<1x80xi32, #tpu.memory_space<vmem>>
        %dma_start3A_337 = tpu.memref_squeeze %dma_start3A_336 : memref<1x80xi32, #tpu.memory_space<vmem>> -> memref<80xi32, #tpu.memory_space<vmem>>
        %dma_start3A_338 = arith.constant 0 : i32
        %dma_start3A_339 = arith.constant 0 : i32
        %dma_start3A_340 = tpu.memref_slice %arg4[%dma_start3A_338, %dma_start3A_339] : memref<8000x128xf32, #tpu.memory_space<hbm>> -> memref<8000x128xf32, #tpu.memory_space<hbm>>
        tpu.enqueue_indirect_dma source(%dma_start3A_340 : memref<8000x128xf32, #tpu.memory_space<hbm>>) target(%dma_start3A_334 : memref<80x128xf32, #tpu.memory_space<vmem>>) offsets(%dma_start3A_337 : memref<80xi32, #tpu.memory_space<vmem>>) semaphore(%arg11 : memref<!tpu.dma_semaphore, #tpu.memory_space<semaphore_mem>>)
        %add3A_341 = arith.constant 2 : i32
        %add3A_342 = arith.addi %add3A_314, %add3A_341 : i32
        %dma_start3A_343 = arith.constant 2 : i32
        %dma_start3A_344 = arith.constant 0 : i32
        %dma_start3A_345 = arith.constant 0 : i32
        %dma_start3A_346 = tpu.memref_slice %arg9[%dma_start3A_343, %dma_start3A_344, %dma_start3A_345] : memref<6x80x128xf32, #tpu.memory_space<vmem>> -> memref<1x80x128xf32, #tpu.memory_space<vmem>>
        %dma_start3A_347 = tpu.memref_squeeze %dma_start3A_346 : memref<1x80x128xf32, #tpu.memory_space<vmem>> -> memref<80x128xf32, #tpu.memory_space<vmem>>
        %dma_start3A_348 = arith.constant 0 : i32
        %dma_start3A_349 = tpu.memref_slice %arg7[%add3A_342, %dma_start3A_348] : memref<126x80xi32, #tpu.memory_space<vmem>> -> memref<1x80xi32, #tpu.memory_space<vmem>>
        %dma_start3A_350 = tpu.memref_squeeze %dma_start3A_349 : memref<1x80xi32, #tpu.memory_space<vmem>> -> memref<80xi32, #tpu.memory_space<vmem>>
        %dma_start3A_351 = arith.constant 0 : i32
        %dma_start3A_352 = arith.constant 0 : i32
        %dma_start3A_353 = tpu.memref_slice %arg4[%dma_start3A_351, %dma_start3A_352] : memref<8000x128xf32, #tpu.memory_space<hbm>> -> memref<8000x128xf32, #tpu.memory_space<hbm>>
        tpu.enqueue_indirect_dma source(%dma_start3A_353 : memref<8000x128xf32, #tpu.memory_space<hbm>>) target(%dma_start3A_347 : memref<80x128xf32, #tpu.memory_space<vmem>>) offsets(%dma_start3A_350 : memref<80xi32, #tpu.memory_space<vmem>>) semaphore(%arg11 : memref<!tpu.dma_semaphore, #tpu.memory_space<semaphore_mem>>)
      } else {
      }
      %dma_wait3A_280 = arith.constant 3 : i32
      %dma_wait3A_281 = arith.constant 0 : i32
      %dma_wait3A_282 = arith.constant 0 : i32
      %dma_wait3A_283 = tpu.memref_slice %arg9[%dma_wait3A_280, %dma_wait3A_281, %dma_wait3A_282] : memref<6x80x128xf32, #tpu.memory_space<vmem>> -> memref<1x80x128xf32, #tpu.memory_space<vmem>>
      %dma_wait3A_284 = tpu.memref_squeeze %dma_wait3A_283 : memref<1x80x128xf32, #tpu.memory_space<vmem>> -> memref<80x128xf32, #tpu.memory_space<vmem>>
      %dma_wait3A_285 = arith.constant 0 : i32
      %dma_wait3A_286 = tpu.memref_slice %arg8[%add3A_207, %dma_wait3A_285] : memref<126x80xi32, #tpu.memory_space<vmem>> -> memref<1x80xi32, #tpu.memory_space<vmem>>
      %dma_wait3A_287 = tpu.memref_squeeze %dma_wait3A_286 : memref<1x80xi32, #tpu.memory_space<vmem>> -> memref<80xi32, #tpu.memory_space<vmem>>
      %dma_wait3A_288 = arith.constant 0 : i32
      %dma_wait3A_289 = arith.constant 0 : i32
      %dma_wait3A_290 = tpu.memref_slice %arg10[%dma_wait3A_288, %dma_wait3A_289] : memref<2048x128xf32, #tpu.memory_space<vmem_shared>> -> memref<2048x128xf32, #tpu.memory_space<vmem_shared>>
      tpu.wait_indirect_dma semaphore(%arg14 : memref<!tpu.dma_semaphore, #tpu.memory_space<semaphore_mem>>) src(%dma_wait3A_284 : memref<80x128xf32, #tpu.memory_space<vmem>>) dst(%dma_wait3A_290 : memref<2048x128xf32, #tpu.memory_space<vmem_shared>>)
      %dma_wait3A_291 = arith.constant 4 : i32
      %dma_wait3A_292 = arith.constant 0 : i32
      %dma_wait3A_293 = arith.constant 0 : i32
      %dma_wait3A_294 = tpu.memref_slice %arg9[%dma_wait3A_291, %dma_wait3A_292, %dma_wait3A_293] : memref<6x80x128xf32, #tpu.memory_space<vmem>> -> memref<1x80x128xf32, #tpu.memory_space<vmem>>
      %dma_wait3A_295 = tpu.memref_squeeze %dma_wait3A_294 : memref<1x80x128xf32, #tpu.memory_space<vmem>> -> memref<80x128xf32, #tpu.memory_space<vmem>>
      %dma_wait3A_296 = arith.constant 0 : i32
      %dma_wait3A_297 = tpu.memref_slice %arg8[%add3A_220, %dma_wait3A_296] : memref<126x80xi32, #tpu.memory_space<vmem>> -> memref<1x80xi32, #tpu.memory_space<vmem>>
      %dma_wait3A_298 = tpu.memref_squeeze %dma_wait3A_297 : memref<1x80xi32, #tpu.memory_space<vmem>> -> memref<80xi32, #tpu.memory_space<vmem>>
      %dma_wait3A_299 = arith.constant 0 : i32
      %dma_wait3A_300 = arith.constant 0 : i32
      %dma_wait3A_301 = tpu.memref_slice %arg10[%dma_wait3A_299, %dma_wait3A_300] : memref<2048x128xf32, #tpu.memory_space<vmem_shared>> -> memref<2048x128xf32, #tpu.memory_space<vmem_shared>>
      tpu.wait_indirect_dma semaphore(%arg14 : memref<!tpu.dma_semaphore, #tpu.memory_space<semaphore_mem>>) src(%dma_wait3A_295 : memref<80x128xf32, #tpu.memory_space<vmem>>) dst(%dma_wait3A_301 : memref<2048x128xf32, #tpu.memory_space<vmem_shared>>)
      %dma_wait3A_302 = arith.constant 5 : i32
      %dma_wait3A_303 = arith.constant 0 : i32
      %dma_wait3A_304 = arith.constant 0 : i32
      %dma_wait3A_305 = tpu.memref_slice %arg9[%dma_wait3A_302, %dma_wait3A_303, %dma_wait3A_304] : memref<6x80x128xf32, #tpu.memory_space<vmem>> -> memref<1x80x128xf32, #tpu.memory_space<vmem>>
      %dma_wait3A_306 = tpu.memref_squeeze %dma_wait3A_305 : memref<1x80x128xf32, #tpu.memory_space<vmem>> -> memref<80x128xf32, #tpu.memory_space<vmem>>
      %dma_wait3A_307 = arith.constant 0 : i32
      %dma_wait3A_308 = tpu.memref_slice %arg8[%add3A_233, %dma_wait3A_307] : memref<126x80xi32, #tpu.memory_space<vmem>> -> memref<1x80xi32, #tpu.memory_space<vmem>>
      %dma_wait3A_309 = tpu.memref_squeeze %dma_wait3A_308 : memref<1x80xi32, #tpu.memory_space<vmem>> -> memref<80xi32, #tpu.memory_space<vmem>>
      %dma_wait3A_310 = arith.constant 0 : i32
      %dma_wait3A_311 = arith.constant 0 : i32
      %dma_wait3A_312 = tpu.memref_slice %arg10[%dma_wait3A_310, %dma_wait3A_311] : memref<2048x128xf32, #tpu.memory_space<vmem_shared>> -> memref<2048x128xf32, #tpu.memory_space<vmem_shared>>
      tpu.wait_indirect_dma semaphore(%arg14 : memref<!tpu.dma_semaphore, #tpu.memory_space<semaphore_mem>>) src(%dma_wait3A_306 : memref<80x128xf32, #tpu.memory_space<vmem>>) dst(%dma_wait3A_312 : memref<2048x128xf32, #tpu.memory_space<vmem_shared>>)
    }
    %scan3A_48 = arith.constant 21 : i32
    %barrier3A_49 = arith.constant 0 : index
    tpu.barrier barrier_id(%barrier3A_49)
    "tpu.region"() ({
      %run_scoped3A = tpu.sem_alloc : memref<!tpu.dma_semaphore, #tpu.memory_space<semaphore_mem>>
      %dma_start3A_50 = arith.constant 0 : i32
      %dma_start3A_51 = tpu.memref_slice %arg6[%arg0, %mul3A_2, %dma_start3A_50] : memref<2x2048x128xf32, #tpu.memory_space<hbm>> -> memref<1x128x128xf32, #tpu.memory_space<hbm>>
      %dma_start3A_52 = tpu.memref_squeeze %dma_start3A_51 : memref<1x128x128xf32, #tpu.memory_space<hbm>> -> memref<128x128xf32, #tpu.memory_space<hbm>>
      %dma_start3A_53 = arith.constant 0 : i32
      %dma_start3A_54 = tpu.memref_slice %arg10[%mul3A_2, %dma_start3A_53] : memref<2048x128xf32, #tpu.memory_space<vmem_shared>> -> memref<128x128xf32, #tpu.memory_space<vmem_shared>>
      tpu.enqueue_dma source(%dma_start3A_54 : memref<128x128xf32, #tpu.memory_space<vmem_shared>>) target(%dma_start3A_52 : memref<128x128xf32, #tpu.memory_space<hbm>>) target_semaphore(%run_scoped3A : memref<!tpu.dma_semaphore, #tpu.memory_space<semaphore_mem>>)
      %dma_wait3A = arith.constant 0 : i32
      %dma_wait3A_55 = tpu.memref_slice %arg6[%arg0, %mul3A_2, %dma_wait3A] : memref<2x2048x128xf32, #tpu.memory_space<hbm>> -> memref<1x128x128xf32, #tpu.memory_space<hbm>>
      %dma_wait3A_56 = tpu.memref_squeeze %dma_wait3A_55 : memref<1x128x128xf32, #tpu.memory_space<hbm>> -> memref<128x128xf32, #tpu.memory_space<hbm>>
      %dma_wait3A_57 = arith.constant 0 : i32
      %dma_wait3A_58 = tpu.memref_slice %arg10[%mul3A_2, %dma_wait3A_57] : memref<2048x128xf32, #tpu.memory_space<vmem_shared>> -> memref<128x128xf32, #tpu.memory_space<vmem_shared>>
      tpu.wait_dma2 semaphore(%run_scoped3A : memref<!tpu.dma_semaphore, #tpu.memory_space<semaphore_mem>>) src(%dma_wait3A_58 : memref<128x128xf32, #tpu.memory_space<vmem_shared>>) dst(%dma_wait3A_56 : memref<128x128xf32, #tpu.memory_space<hbm>>)
      tpu.yield
    }) : () -> ()
    return
  }
}

module attributes {stable_mosaic.version = 14 : i64} {
  func.func @_lit_mlp_body(%arg0: i32, %arg1: memref<4000x128xf32, #tpu.memory_space<vmem>>, %arg2: memref<1x128x128xf32, #tpu.memory_space<vmem>>, %arg3: memref<1x1x128xf32, #tpu.memory_space<vmem>>, %arg4: memref<1x128x128xf32, #tpu.memory_space<vmem>>, %arg5: memref<1x1x128xf32, #tpu.memory_space<vmem>>, %arg6: memref<4000x128xf32, #tpu.memory_space<vmem>>) attributes {dimension_semantics = [#tpu.dimension_semantics<arbitrary>], iteration_bounds = array<i64: 2>, scalar_prefetch = 0 : i64, scratch_operands = 0 : i64, tpu.core_type = #tpu.core_type<tc>, window_params = [{transform_indices = @transform_0, window_bounds = array<i64: 4000, 128>}, {transform_indices = @transform_1, window_bounds = array<i64: 1, 128, 128>}, {transform_indices = @transform_2, window_bounds = array<i64: 1, 1, 128>}, {transform_indices = @transform_3, window_bounds = array<i64: 1, 128, 128>}, {transform_indices = @transform_4, window_bounds = array<i64: 1, 1, 128>}, {transform_indices = @transform_5, window_bounds = array<i64: 4000, 128>}]} {
    %get3A = arith.constant 0 : index
    %get3A_0 = arith.constant 0 : index
    %get3A_1 = vector.load %arg1[%get3A, %get3A_0] : memref<4000x128xf32, #tpu.memory_space<vmem>>, vector<4000x128xf32>
    %get3A_2 = arith.constant 0 : index
    %get3A_3 = arith.constant 0 : index
    %get3A_4 = arith.constant 0 : index
    %get3A_5 = vector.load %arg2[%get3A_2, %get3A_3, %get3A_4] : memref<1x128x128xf32, #tpu.memory_space<vmem>>, vector<1x128x128xf32>
    %get3A_6 = vector.shape_cast %get3A_5 : vector<1x128x128xf32> to vector<128x128xf32>
    %dot_general3A = arith.constant dense<0.000000e+00> : vector<4000x128xf32>
    %dot_general3A_7 = tpu.matmul %get3A_1, %get3A_6, %dot_general3A {dimension_numbers = #tpu.dot_dimension_numbers<[1], [1], [0], [0], [0, 0, 1, 0], [], []>, transpose_lhs_hint = false} : vector<4000x128xf32>, vector<128x128xf32>, vector<4000x128xf32> -> vector<4000x128xf32>
    %get3A_8 = arith.constant 0 : index
    %get3A_9 = arith.constant 0 : index
    %get3A_10 = arith.constant 0 : index
    %get3A_11 = vector.load %arg3[%get3A_8, %get3A_9, %get3A_10] : memref<1x1x128xf32, #tpu.memory_space<vmem>>, vector<1x1x128xf32>
    %get3A_12 = vector.shape_cast %get3A_11 : vector<1x1x128xf32> to vector<1x128xf32>
    %add3A = vector.broadcast %get3A_12 : vector<1x128xf32> to vector<4000x128xf32>
    %add3A_13 = arith.addf %dot_general3A_7, %add3A : vector<4000x128xf32>
    %max3A = arith.constant 0.000000e+00 : f32
    %max3A_14 = vector.broadcast %max3A : f32 to vector<4000x128xf32>
    %max3A_15 = arith.maximumf %add3A_13, %max3A_14 : vector<4000x128xf32>
    %get3A_16 = arith.constant 0 : index
    %get3A_17 = arith.constant 0 : index
    %get3A_18 = arith.constant 0 : index
    %get3A_19 = vector.load %arg4[%get3A_16, %get3A_17, %get3A_18] : memref<1x128x128xf32, #tpu.memory_space<vmem>>, vector<1x128x128xf32>
    %get3A_20 = vector.shape_cast %get3A_19 : vector<1x128x128xf32> to vector<128x128xf32>
    %dot_general3A_21 = arith.constant dense<0.000000e+00> : vector<4000x128xf32>
    %dot_general3A_22 = tpu.matmul %max3A_15, %get3A_20, %dot_general3A_21 {dimension_numbers = #tpu.dot_dimension_numbers<[1], [1], [0], [0], [0, 0, 1, 0], [], []>, transpose_lhs_hint = false} : vector<4000x128xf32>, vector<128x128xf32>, vector<4000x128xf32> -> vector<4000x128xf32>
    %get3A_23 = arith.constant 0 : index
    %get3A_24 = arith.constant 0 : index
    %get3A_25 = arith.constant 0 : index
    %get3A_26 = vector.load %arg5[%get3A_23, %get3A_24, %get3A_25] : memref<1x1x128xf32, #tpu.memory_space<vmem>>, vector<1x1x128xf32>
    %get3A_27 = vector.shape_cast %get3A_26 : vector<1x1x128xf32> to vector<1x128xf32>
    %add3A_28 = vector.broadcast %get3A_27 : vector<1x128xf32> to vector<4000x128xf32>
    %add3A_29 = arith.addf %dot_general3A_22, %add3A_28 : vector<4000x128xf32>
    %swap3A = arith.constant 0 : index
    %swap3A_30 = arith.constant 0 : index
    %swap3A_31 = vector.load %arg6[%swap3A, %swap3A_30] : memref<4000x128xf32, #tpu.memory_space<vmem>>, vector<4000x128xf32>
    tpu.vector_store %arg6[%swap3A, %swap3A_30], %add3A_29 {strides = array<i32>} : memref<4000x128xf32, #tpu.memory_space<vmem>>, vector<4000x128xf32>,
    return
  }
  func.func @transform_0(%arg0: i32) -> (i32, i32) {
    %c0_i32 = arith.constant 0 : i32
    %c0_i32_0 = arith.constant 0 : i32
    return %arg0, %c0_i32 : i32, i32
  }
  func.func @transform_1(%arg0: i32) -> (i32, i32, i32) {
    %c0_i32 = arith.constant 0 : i32
    %c0_i32_0 = arith.constant 0 : i32
    %c0_i32_1 = arith.constant 0 : i32
    return %arg0, %c0_i32, %c0_i32_0 : i32, i32, i32
  }
  func.func @transform_2(%arg0: i32) -> (i32, i32, i32) {
    %c0_i32 = arith.constant 0 : i32
    %c0_i32_0 = arith.constant 0 : i32
    %c0_i32_1 = arith.constant 0 : i32
    return %arg0, %c0_i32, %c0_i32_0 : i32, i32, i32
  }
  func.func @transform_3(%arg0: i32) -> (i32, i32, i32) {
    %c0_i32 = arith.constant 0 : i32
    %c0_i32_0 = arith.constant 0 : i32
    %c0_i32_1 = arith.constant 0 : i32
    return %arg0, %c0_i32, %c0_i32_0 : i32, i32, i32
  }
  func.func @transform_4(%arg0: i32) -> (i32, i32, i32) {
    %c0_i32 = arith.constant 0 : i32
    %c0_i32_0 = arith.constant 0 : i32
    %c0_i32_1 = arith.constant 0 : i32
    return %arg0, %c0_i32, %c0_i32_0 : i32, i32, i32
  }
  func.func @transform_5(%arg0: i32) -> (i32, i32) {
    %c0_i32 = arith.constant 0 : i32
    %c0_i32_0 = arith.constant 0 : i32
    return %arg0, %c0_i32 : i32, i32
  }
}

module attributes {stable_mosaic.version = 14 : i64} {
  func.func @_clause_body(%arg0: memref<2000x128xf32, #tpu.memory_space<vmem>>, %arg1: memref<2000x128xf32, #tpu.memory_space<vmem>>, %arg2: memref<2000x128xf32, #tpu.memory_space<vmem>>, %arg3: memref<2000x128xf32, #tpu.memory_space<vmem>>, %arg4: memref<512x128xf32, #tpu.memory_space<vmem>>, %arg5: memref<512x128xf32, #tpu.memory_space<vmem>>, %arg6: memref<1x512xf32, #tpu.memory_space<vmem>>, %arg7: memref<128x128xf32, #tpu.memory_space<vmem>>, %arg8: memref<1x128xf32, #tpu.memory_space<vmem>>, %arg9: memref<128x128xf32, #tpu.memory_space<vmem>>, %arg10: memref<1x128xf32, #tpu.memory_space<vmem>>, %arg11: memref<128x128xf32, #tpu.memory_space<vmem>>, %arg12: memref<1x128xf32, #tpu.memory_space<vmem>>, %arg13: memref<128x128xf32, #tpu.memory_space<vmem>>, %arg14: memref<1x128xf32, #tpu.memory_space<vmem>>, %arg15: memref<2000x128xf32, #tpu.memory_space<vmem>>, %arg16: memref<2000x128xf32, #tpu.memory_space<vmem>>, %arg17: memref<2000x128xf32, #tpu.memory_space<vmem>>, %arg18: memref<2000x128xf32, #tpu.memory_space<vmem>>) attributes {dimension_semantics = [], scalar_prefetch = 0 : i64, scratch_operands = 0 : i64, tpu.core_type = #tpu.core_type<tc>} {
    %get3A = arith.constant 0 : index
    %get3A_0 = arith.constant 0 : index
    %get3A_1 = vector.load %arg0[%get3A, %get3A_0] : memref<2000x128xf32, #tpu.memory_space<vmem>>, vector<2000x128xf32>
    %get3A_2 = arith.constant 0 : index
    %get3A_3 = arith.constant 0 : index
    %get3A_4 = vector.load %arg1[%get3A_2, %get3A_3] : memref<2000x128xf32, #tpu.memory_space<vmem>>, vector<2000x128xf32>
    %add3A = arith.addf %get3A_1, %get3A_4 : vector<2000x128xf32>
    %get3A_5 = arith.constant 0 : index
    %get3A_6 = arith.constant 0 : index
    %get3A_7 = vector.load %arg2[%get3A_5, %get3A_6] : memref<2000x128xf32, #tpu.memory_space<vmem>>, vector<2000x128xf32>
    %get3A_8 = arith.constant 0 : index
    %get3A_9 = arith.constant 0 : index
    %get3A_10 = vector.load %arg4[%get3A_8, %get3A_9] : memref<512x128xf32, #tpu.memory_space<vmem>>, vector<512x128xf32>
    %dot_general3A = arith.constant dense<0.000000e+00> : vector<2000x512xf32>
    %dot_general3A_11 = tpu.matmul %add3A, %get3A_10, %dot_general3A {dimension_numbers = #tpu.dot_dimension_numbers<[1], [1], [0], [0], [0, 0, 1, 0], [], []>, transpose_lhs_hint = false} : vector<2000x128xf32>, vector<512x128xf32>, vector<2000x512xf32> -> vector<2000x512xf32>
    %get3A_12 = arith.constant 0 : index
    %get3A_13 = arith.constant 0 : index
    %get3A_14 = vector.load %arg5[%get3A_12, %get3A_13] : memref<512x128xf32, #tpu.memory_space<vmem>>, vector<512x128xf32>
    %dot_general3A_15 = arith.constant dense<0.000000e+00> : vector<2000x512xf32>
    %dot_general3A_16 = tpu.matmul %get3A_7, %get3A_14, %dot_general3A_15 {dimension_numbers = #tpu.dot_dimension_numbers<[1], [1], [0], [0], [0, 0, 1, 0], [], []>, transpose_lhs_hint = false} : vector<2000x128xf32>, vector<512x128xf32>, vector<2000x512xf32> -> vector<2000x512xf32>
    %add3A_17 = arith.addf %dot_general3A_11, %dot_general3A_16 : vector<2000x512xf32>
    %get3A_18 = arith.constant 0 : index
    %get3A_19 = arith.constant 0 : index
    %get3A_20 = vector.load %arg6[%get3A_18, %get3A_19] : memref<1x512xf32, #tpu.memory_space<vmem>>, vector<1x512xf32>
    %add3A_21 = vector.broadcast %get3A_20 : vector<1x512xf32> to vector<2000x512xf32>
    %add3A_22 = arith.addf %add3A_17, %add3A_21 : vector<2000x512xf32>
    %slice3A = vector.extract_strided_slice %add3A_22 {offsets = [0, 0], sizes = [2000, 128], strides = [1, 1]} : vector<2000x512xf32> to vector<2000x128xf32>
    %slice3A_23 = vector.extract_strided_slice %add3A_22 {offsets = [0, 128], sizes = [2000, 128], strides = [1, 1]} : vector<2000x512xf32> to vector<2000x128xf32>
    %slice3A_24 = vector.extract_strided_slice %add3A_22 {offsets = [0, 256], sizes = [2000, 128], strides = [1, 1]} : vector<2000x512xf32> to vector<2000x128xf32>
    %slice3A_25 = vector.extract_strided_slice %add3A_22 {offsets = [0, 384], sizes = [2000, 128], strides = [1, 1]} : vector<2000x512xf32> to vector<2000x128xf32>
    %logistic3A = arith.negf %slice3A_23 : vector<2000x128xf32>
    %logistic3A_26 = math.exp %logistic3A : vector<2000x128xf32>
    %logistic3A_27 = arith.constant 1.000000e+00 : f32
    %logistic3A_28 = vector.broadcast %logistic3A_27 : f32 to vector<2000x128xf32>
    %logistic3A_29 = arith.addf %logistic3A_28, %logistic3A_26 : vector<2000x128xf32>
    %logistic3A_30 = arith.divf %logistic3A_28, %logistic3A_29 : vector<2000x128xf32>
    %get3A_31 = arith.constant 0 : index
    %get3A_32 = arith.constant 0 : index
    %get3A_33 = vector.load %arg3[%get3A_31, %get3A_32] : memref<2000x128xf32, #tpu.memory_space<vmem>>, vector<2000x128xf32>
    %mul3A = arith.mulf %logistic3A_30, %get3A_33 : vector<2000x128xf32>
    %logistic3A_34 = arith.negf %slice3A : vector<2000x128xf32>
    %logistic3A_35 = math.exp %logistic3A_34 : vector<2000x128xf32>
    %logistic3A_36 = arith.constant 1.000000e+00 : f32
    %logistic3A_37 = vector.broadcast %logistic3A_36 : f32 to vector<2000x128xf32>
    %logistic3A_38 = arith.addf %logistic3A_37, %logistic3A_35 : vector<2000x128xf32>
    %logistic3A_39 = arith.divf %logistic3A_37, %logistic3A_38 : vector<2000x128xf32>
    %tanh3A = math.tanh %slice3A_24 : vector<2000x128xf32>
    %mul3A_40 = arith.mulf %logistic3A_39, %tanh3A : vector<2000x128xf32>
    %add3A_41 = arith.addf %mul3A, %mul3A_40 : vector<2000x128xf32>
    %logistic3A_42 = arith.negf %slice3A_25 : vector<2000x128xf32>
    %logistic3A_43 = math.exp %logistic3A_42 : vector<2000x128xf32>
    %logistic3A_44 = arith.constant 1.000000e+00 : f32
    %logistic3A_45 = vector.broadcast %logistic3A_44 : f32 to vector<2000x128xf32>
    %logistic3A_46 = arith.addf %logistic3A_45, %logistic3A_43 : vector<2000x128xf32>
    %logistic3A_47 = arith.divf %logistic3A_45, %logistic3A_46 : vector<2000x128xf32>
    %tanh3A_48 = math.tanh %add3A_41 : vector<2000x128xf32>
    %mul3A_49 = arith.mulf %logistic3A_47, %tanh3A_48 : vector<2000x128xf32>
    %swap3A = arith.constant 0 : index
    %swap3A_50 = arith.constant 0 : index
    %swap3A_51 = vector.load %arg15[%swap3A, %swap3A_50] : memref<2000x128xf32, #tpu.memory_space<vmem>>, vector<2000x128xf32>
    tpu.vector_store %arg15[%swap3A, %swap3A_50], %mul3A_49 {strides = array<i32>} : memref<2000x128xf32, #tpu.memory_space<vmem>>, vector<2000x128xf32>,
    %swap3A_52 = arith.constant 0 : index
    %swap3A_53 = arith.constant 0 : index
    %swap3A_54 = vector.load %arg16[%swap3A_52, %swap3A_53] : memref<2000x128xf32, #tpu.memory_space<vmem>>, vector<2000x128xf32>
    tpu.vector_store %arg16[%swap3A_52, %swap3A_53], %add3A_41 {strides = array<i32>} : memref<2000x128xf32, #tpu.memory_space<vmem>>, vector<2000x128xf32>,
    %get3A_55 = arith.constant 0 : index
    %get3A_56 = arith.constant 0 : index
    %get3A_57 = vector.load %arg7[%get3A_55, %get3A_56] : memref<128x128xf32, #tpu.memory_space<vmem>>, vector<128x128xf32>
    %dot_general3A_58 = arith.constant dense<0.000000e+00> : vector<2000x128xf32>
    %dot_general3A_59 = tpu.matmul %mul3A_49, %get3A_57, %dot_general3A_58 {dimension_numbers = #tpu.dot_dimension_numbers<[1], [1], [0], [0], [0, 0, 1, 0], [], []>, transpose_lhs_hint = false} : vector<2000x128xf32>, vector<128x128xf32>, vector<2000x128xf32> -> vector<2000x128xf32>
    %get3A_60 = arith.constant 0 : index
    %get3A_61 = arith.constant 0 : index
    %get3A_62 = vector.load %arg8[%get3A_60, %get3A_61] : memref<1x128xf32, #tpu.memory_space<vmem>>, vector<1x128xf32>
    %add3A_63 = vector.broadcast %get3A_62 : vector<1x128xf32> to vector<2000x128xf32>
    %add3A_64 = arith.addf %dot_general3A_59, %add3A_63 : vector<2000x128xf32>
    %max3A = arith.constant 0.000000e+00 : f32
    %max3A_65 = vector.broadcast %max3A : f32 to vector<2000x128xf32>
    %max3A_66 = arith.maximumf %add3A_64, %max3A_65 : vector<2000x128xf32>
    %get3A_67 = arith.constant 0 : index
    %get3A_68 = arith.constant 0 : index
    %get3A_69 = vector.load %arg9[%get3A_67, %get3A_68] : memref<128x128xf32, #tpu.memory_space<vmem>>, vector<128x128xf32>
    %dot_general3A_70 = arith.constant dense<0.000000e+00> : vector<2000x128xf32>
    %dot_general3A_71 = tpu.matmul %max3A_66, %get3A_69, %dot_general3A_70 {dimension_numbers = #tpu.dot_dimension_numbers<[1], [1], [0], [0], [0, 0, 1, 0], [], []>, transpose_lhs_hint = false} : vector<2000x128xf32>, vector<128x128xf32>, vector<2000x128xf32> -> vector<2000x128xf32>
    %get3A_72 = arith.constant 0 : index
    %get3A_73 = arith.constant 0 : index
    %get3A_74 = vector.load %arg10[%get3A_72, %get3A_73] : memref<1x128xf32, #tpu.memory_space<vmem>>, vector<1x128xf32>
    %add3A_75 = vector.broadcast %get3A_74 : vector<1x128xf32> to vector<2000x128xf32>
    %add3A_76 = arith.addf %dot_general3A_71, %add3A_75 : vector<2000x128xf32>
    %swap3A_77 = arith.constant 0 : index
    %swap3A_78 = arith.constant 0 : index
    %swap3A_79 = vector.load %arg17[%swap3A_77, %swap3A_78] : memref<2000x128xf32, #tpu.memory_space<vmem>>, vector<2000x128xf32>
    tpu.vector_store %arg17[%swap3A_77, %swap3A_78], %add3A_76 {strides = array<i32>} : memref<2000x128xf32, #tpu.memory_space<vmem>>, vector<2000x128xf32>,
    %get3A_80 = arith.constant 0 : index
    %get3A_81 = arith.constant 0 : index
    %get3A_82 = vector.load %arg11[%get3A_80, %get3A_81] : memref<128x128xf32, #tpu.memory_space<vmem>>, vector<128x128xf32>
    %dot_general3A_83 = arith.constant dense<0.000000e+00> : vector<2000x128xf32>
    %dot_general3A_84 = tpu.matmul %mul3A_49, %get3A_82, %dot_general3A_83 {dimension_numbers = #tpu.dot_dimension_numbers<[1], [1], [0], [0], [0, 0, 1, 0], [], []>, transpose_lhs_hint = false} : vector<2000x128xf32>, vector<128x128xf32>, vector<2000x128xf32> -> vector<2000x128xf32>
    %get3A_85 = arith.constant 0 : index
    %get3A_86 = arith.constant 0 : index
    %get3A_87 = vector.load %arg12[%get3A_85, %get3A_86] : memref<1x128xf32, #tpu.memory_space<vmem>>, vector<1x128xf32>
    %add3A_88 = vector.broadcast %get3A_87 : vector<1x128xf32> to vector<2000x128xf32>
    %add3A_89 = arith.addf %dot_general3A_84, %add3A_88 : vector<2000x128xf32>
    %max3A_90 = arith.constant 0.000000e+00 : f32
    %max3A_91 = vector.broadcast %max3A_90 : f32 to vector<2000x128xf32>
    %max3A_92 = arith.maximumf %add3A_89, %max3A_91 : vector<2000x128xf32>
    %get3A_93 = arith.constant 0 : index
    %get3A_94 = arith.constant 0 : index
    %get3A_95 = vector.load %arg13[%get3A_93, %get3A_94] : memref<128x128xf32, #tpu.memory_space<vmem>>, vector<128x128xf32>
    %dot_general3A_96 = arith.constant dense<0.000000e+00> : vector<2000x128xf32>
    %dot_general3A_97 = tpu.matmul %max3A_92, %get3A_95, %dot_general3A_96 {dimension_numbers = #tpu.dot_dimension_numbers<[1], [1], [0], [0], [0, 0, 1, 0], [], []>, transpose_lhs_hint = false} : vector<2000x128xf32>, vector<128x128xf32>, vector<2000x128xf32> -> vector<2000x128xf32>
    %get3A_98 = arith.constant 0 : index
    %get3A_99 = arith.constant 0 : index
    %get3A_100 = vector.load %arg14[%get3A_98, %get3A_99] : memref<1x128xf32, #tpu.memory_space<vmem>>, vector<1x128xf32>
    %add3A_101 = vector.broadcast %get3A_100 : vector<1x128xf32> to vector<2000x128xf32>
    %add3A_102 = arith.addf %dot_general3A_97, %add3A_101 : vector<2000x128xf32>
    %swap3A_103 = arith.constant 0 : index
    %swap3A_104 = arith.constant 0 : index
    %swap3A_105 = vector.load %arg18[%swap3A_103, %swap3A_104] : memref<2000x128xf32, #tpu.memory_space<vmem>>, vector<2000x128xf32>
    tpu.vector_store %arg18[%swap3A_103, %swap3A_104], %add3A_102 {strides = array<i32>} : memref<2000x128xf32, #tpu.memory_space<vmem>>, vector<2000x128xf32>,
    return
  }
}

module attributes {stable_mosaic.version = 14 : i64} {
  func.func @_lit_lstm_body(%arg0: i32, %arg1: memref<4000x128xf32, #tpu.memory_space<vmem>>, %arg2: memref<4000x128xf32, #tpu.memory_space<vmem>>, %arg3: memref<4000x128xf32, #tpu.memory_space<vmem>>, %arg4: memref<4000x128xf32, #tpu.memory_space<vmem>>, %arg5: memref<512x128xf32, #tpu.memory_space<vmem>>, %arg6: memref<512x128xf32, #tpu.memory_space<vmem>>, %arg7: memref<1x512xf32, #tpu.memory_space<vmem>>, %arg8: memref<4000x128xf32, #tpu.memory_space<vmem>>, %arg9: memref<4000x128xf32, #tpu.memory_space<vmem>>) attributes {dimension_semantics = [#tpu.dimension_semantics<arbitrary>], iteration_bounds = array<i64: 2>, scalar_prefetch = 0 : i64, scratch_operands = 0 : i64, tpu.core_type = #tpu.core_type<tc>, window_params = [{pipeline_mode = #tpu.pipeline_mode<synchronous>, transform_indices = @transform_0, window_bounds = array<i64: 4000, 128>}, {pipeline_mode = #tpu.pipeline_mode<synchronous>, transform_indices = @transform_1, window_bounds = array<i64: 4000, 128>}, {transform_indices = @transform_2, window_bounds = array<i64: 4000, 128>}, {transform_indices = @transform_3, window_bounds = array<i64: 4000, 128>}, {pipeline_mode = #tpu.pipeline_mode<synchronous>, transform_indices = @transform_4, window_bounds = array<i64: 512, 128>}, {pipeline_mode = #tpu.pipeline_mode<synchronous>, transform_indices = @transform_5, window_bounds = array<i64: 512, 128>}, {pipeline_mode = #tpu.pipeline_mode<synchronous>, transform_indices = @transform_6, window_bounds = array<i64: 1, 512>}, {transform_indices = @transform_7, window_bounds = array<i64: 4000, 128>}, {transform_indices = @transform_8, window_bounds = array<i64: 4000, 128>}]} {
    %get3A = arith.constant 0 : index
    %get3A_0 = arith.constant 0 : index
    %get3A_1 = vector.load %arg1[%get3A, %get3A_0] : memref<4000x128xf32, #tpu.memory_space<vmem>>, vector<4000x128xf32>
    %get3A_2 = arith.constant 0 : index
    %get3A_3 = arith.constant 0 : index
    %get3A_4 = vector.load %arg2[%get3A_2, %get3A_3] : memref<4000x128xf32, #tpu.memory_space<vmem>>, vector<4000x128xf32>
    %add3A = arith.addf %get3A_1, %get3A_4 : vector<4000x128xf32>
    %get3A_5 = arith.constant 0 : index
    %get3A_6 = arith.constant 0 : index
    %get3A_7 = vector.load %arg3[%get3A_5, %get3A_6] : memref<4000x128xf32, #tpu.memory_space<vmem>>, vector<4000x128xf32>
    %get3A_8 = arith.constant 0 : index
    %get3A_9 = arith.constant 0 : index
    %get3A_10 = vector.load %arg5[%get3A_8, %get3A_9] : memref<512x128xf32, #tpu.memory_space<vmem>>, vector<512x128xf32>
    %dot_general3A = arith.constant dense<0.000000e+00> : vector<4000x512xf32>
    %dot_general3A_11 = tpu.matmul %add3A, %get3A_10, %dot_general3A {dimension_numbers = #tpu.dot_dimension_numbers<[1], [1], [0], [0], [0, 0, 1, 0], [], []>, transpose_lhs_hint = false} : vector<4000x128xf32>, vector<512x128xf32>, vector<4000x512xf32> -> vector<4000x512xf32>
    %get3A_12 = arith.constant 0 : index
    %get3A_13 = arith.constant 0 : index
    %get3A_14 = vector.load %arg6[%get3A_12, %get3A_13] : memref<512x128xf32, #tpu.memory_space<vmem>>, vector<512x128xf32>
    %dot_general3A_15 = arith.constant dense<0.000000e+00> : vector<4000x512xf32>
    %dot_general3A_16 = tpu.matmul %get3A_7, %get3A_14, %dot_general3A_15 {dimension_numbers = #tpu.dot_dimension_numbers<[1], [1], [0], [0], [0, 0, 1, 0], [], []>, transpose_lhs_hint = false} : vector<4000x128xf32>, vector<512x128xf32>, vector<4000x512xf32> -> vector<4000x512xf32>
    %add3A_17 = arith.addf %dot_general3A_11, %dot_general3A_16 : vector<4000x512xf32>
    %get3A_18 = arith.constant 0 : index
    %get3A_19 = arith.constant 0 : index
    %get3A_20 = vector.load %arg7[%get3A_18, %get3A_19] : memref<1x512xf32, #tpu.memory_space<vmem>>, vector<1x512xf32>
    %add3A_21 = vector.broadcast %get3A_20 : vector<1x512xf32> to vector<4000x512xf32>
    %add3A_22 = arith.addf %add3A_17, %add3A_21 : vector<4000x512xf32>
    %slice3A = vector.extract_strided_slice %add3A_22 {offsets = [0, 0], sizes = [4000, 128], strides = [1, 1]} : vector<4000x512xf32> to vector<4000x128xf32>
    %slice3A_23 = vector.extract_strided_slice %add3A_22 {offsets = [0, 128], sizes = [4000, 128], strides = [1, 1]} : vector<4000x512xf32> to vector<4000x128xf32>
    %slice3A_24 = vector.extract_strided_slice %add3A_22 {offsets = [0, 256], sizes = [4000, 128], strides = [1, 1]} : vector<4000x512xf32> to vector<4000x128xf32>
    %slice3A_25 = vector.extract_strided_slice %add3A_22 {offsets = [0, 384], sizes = [4000, 128], strides = [1, 1]} : vector<4000x512xf32> to vector<4000x128xf32>
    %logistic3A = arith.negf %slice3A_23 : vector<4000x128xf32>
    %logistic3A_26 = math.exp %logistic3A : vector<4000x128xf32>
    %logistic3A_27 = arith.constant 1.000000e+00 : f32
    %logistic3A_28 = vector.broadcast %logistic3A_27 : f32 to vector<4000x128xf32>
    %logistic3A_29 = arith.addf %logistic3A_28, %logistic3A_26 : vector<4000x128xf32>
    %logistic3A_30 = arith.divf %logistic3A_28, %logistic3A_29 : vector<4000x128xf32>
    %get3A_31 = arith.constant 0 : index
    %get3A_32 = arith.constant 0 : index
    %get3A_33 = vector.load %arg4[%get3A_31, %get3A_32] : memref<4000x128xf32, #tpu.memory_space<vmem>>, vector<4000x128xf32>
    %mul3A = arith.mulf %logistic3A_30, %get3A_33 : vector<4000x128xf32>
    %logistic3A_34 = arith.negf %slice3A : vector<4000x128xf32>
    %logistic3A_35 = math.exp %logistic3A_34 : vector<4000x128xf32>
    %logistic3A_36 = arith.constant 1.000000e+00 : f32
    %logistic3A_37 = vector.broadcast %logistic3A_36 : f32 to vector<4000x128xf32>
    %logistic3A_38 = arith.addf %logistic3A_37, %logistic3A_35 : vector<4000x128xf32>
    %logistic3A_39 = arith.divf %logistic3A_37, %logistic3A_38 : vector<4000x128xf32>
    %tanh3A = math.tanh %slice3A_24 : vector<4000x128xf32>
    %mul3A_40 = arith.mulf %logistic3A_39, %tanh3A : vector<4000x128xf32>
    %add3A_41 = arith.addf %mul3A, %mul3A_40 : vector<4000x128xf32>
    %logistic3A_42 = arith.negf %slice3A_25 : vector<4000x128xf32>
    %logistic3A_43 = math.exp %logistic3A_42 : vector<4000x128xf32>
    %logistic3A_44 = arith.constant 1.000000e+00 : f32
    %logistic3A_45 = vector.broadcast %logistic3A_44 : f32 to vector<4000x128xf32>
    %logistic3A_46 = arith.addf %logistic3A_45, %logistic3A_43 : vector<4000x128xf32>
    %logistic3A_47 = arith.divf %logistic3A_45, %logistic3A_46 : vector<4000x128xf32>
    %tanh3A_48 = math.tanh %add3A_41 : vector<4000x128xf32>
    %mul3A_49 = arith.mulf %logistic3A_47, %tanh3A_48 : vector<4000x128xf32>
    %swap3A = arith.constant 0 : index
    %swap3A_50 = arith.constant 0 : index
    %swap3A_51 = vector.load %arg8[%swap3A, %swap3A_50] : memref<4000x128xf32, #tpu.memory_space<vmem>>, vector<4000x128xf32>
    tpu.vector_store %arg8[%swap3A, %swap3A_50], %mul3A_49 {strides = array<i32>} : memref<4000x128xf32, #tpu.memory_space<vmem>>, vector<4000x128xf32>,
    %swap3A_52 = arith.constant 0 : index
    %swap3A_53 = arith.constant 0 : index
    %swap3A_54 = vector.load %arg9[%swap3A_52, %swap3A_53] : memref<4000x128xf32, #tpu.memory_space<vmem>>, vector<4000x128xf32>
    tpu.vector_store %arg9[%swap3A_52, %swap3A_53], %add3A_41 {strides = array<i32>} : memref<4000x128xf32, #tpu.memory_space<vmem>>, vector<4000x128xf32>,
    return
  }
  func.func @transform_0(%arg0: i32) -> (i32, i32) {
    %c0_i32 = arith.constant 0 : i32
    %c0_i32_0 = arith.constant 0 : i32
    %c0_i32_1 = arith.constant 0 : i32
    return %c0_i32, %c0_i32_0 : i32, i32
  }
  func.func @transform_1(%arg0: i32) -> (i32, i32) {
    %c0_i32 = arith.constant 0 : i32
    %c0_i32_0 = arith.constant 0 : i32
    %c0_i32_1 = arith.constant 0 : i32
    return %c0_i32, %c0_i32_0 : i32, i32
  }
  func.func @transform_2(%arg0: i32) -> (i32, i32) {
    %c0_i32 = arith.constant 0 : i32
    %c0_i32_0 = arith.constant 0 : i32
    return %arg0, %c0_i32 : i32, i32
  }
  func.func @transform_3(%arg0: i32) -> (i32, i32) {
    %c0_i32 = arith.constant 0 : i32
    %c0_i32_0 = arith.constant 0 : i32
    return %arg0, %c0_i32 : i32, i32
  }
  func.func @transform_4(%arg0: i32) -> (i32, i32) {
    %c0_i32 = arith.constant 0 : i32
    %c0_i32_0 = arith.constant 0 : i32
    %c0_i32_1 = arith.constant 0 : i32
    return %c0_i32, %c0_i32_0 : i32, i32
  }
  func.func @transform_5(%arg0: i32) -> (i32, i32) {
    %c0_i32 = arith.constant 0 : i32
    %c0_i32_0 = arith.constant 0 : i32
    %c0_i32_1 = arith.constant 0 : i32
    return %c0_i32, %c0_i32_0 : i32, i32
  }
  func.func @transform_6(%arg0: i32) -> (i32, i32) {
    %c0_i32 = arith.constant 0 : i32
    %c0_i32_0 = arith.constant 0 : i32
    %c0_i32_1 = arith.constant 0 : i32
    return %c0_i32, %c0_i32_0 : i32, i32
  }
  func.func @transform_7(%arg0: i32) -> (i32, i32) {
    %c0_i32 = arith.constant 0 : i32
    %c0_i32_0 = arith.constant 0 : i32
    return %arg0, %c0_i32 : i32, i32
  }
  func.func @transform_8(%arg0: i32) -> (i32, i32) {
    %c0_i32 = arith.constant 0 : i32
    %c0_i32_0 = arith.constant 0 : i32
    return %arg0, %c0_i32 : i32, i32
  }
}

</mosaic_0001>

<sc_bundles>
// kernel: kernel.10.cloned.1.call-start
scs
__scs_entry_jumppad:
0x0: {  	(pc) =	sbr.rel $0x88, $3  }
0x1: {  	(tag) =	ssettag $0x0;
	lr =	simm.s32 $0x1  }
0x2: {  	[smem:$0x3F84] =	sst lr;
	_ =	strace $0xD0000000  }
0x3: {  	_ = 	snop  }
0x4: {  	_ = 	snop  }
0x5: {  	_ = 	snop  }
0x6: {  	_ = 	snop  }
0x7: {  	_ = 	snop  }
__scs_overlays_trampoline_lowered:
0x8: {  	[smem:$0x3F93] =	sst s0  }
0x9: {  	[smem:$0x3F94] =	sst s1  }
0xa: {  	[smem:$0x3F95] =	sst s2  }
0xb: {  	[smem:$0x3F96] =	sst s3  }
0xc: {  	[smem:$0x3F97] =	sst s4  }
0xd: {  	[smem:$0x3F98] =	sst s5  }
0xe: {  	[smem:$0x3F99] =	sst s6  }
0xf: {  	[smem:$0x3F9A] =	sst s7  }
0x10: {  	[smem:$0x3F9B] =	sst s8  }
0x11: {  	[smem:$0x3F9C] =	sst s9;
	s0 =	simm.s32 @!p0 $0x0  }
0x12: {  	s1 =	sld [smem:$0x3F82];
	s0 =	simm.s32 @p0 $0x1  }
0x13: {  	[smem:$0x3F9D] =	sst s0;
	s0 =	simm.s32 @!p1 $0x0  }
0x14: {  	s2 =	sld [smem:$0x3F81];
	s0 =	simm.s32 @p1 $0x1  }
0x15: {  	[smem:$0x3F9E] =	sst s0;
	s0 =	simm.s32 @!p2 $0x0  }
0x16: {  	s3 =	sld [smem:$0x3FDB];
	s0 =	simm.s32 @p2 $0x1  }
0x17: {  	s4 =	simm.s32 $0x1BF5;
	[smem:$0x3FA0] =	sst s0  }
0x18: {  	s0 =	sld [smem:$0x3F83];
	_ =	swait.ge [sflag:s4], $0x0  }
0x19: {  	s7 =	sld [smem:$0x3F84]  }
0x1a: {  	s8 =	sadd.s32 $0xFFFFE003, lr  }
0x1b: {  	s9 =	sadd.s32 $0xFFFFFEF7, lr;
	s5 =	simm.s32 $0xFFFFFFFF;
	p2 =	slt.u32 s8, $0xFFFFF086  }
0x1c: {  	p1 =	slt.u32 s9, $0xF7A;
	s5 =	simm.s32 @!p2 $0x0  }
0x1d: {  	s5 =	simm.s32 @p1 $0x1;
	p0 =	seq.s32 s7, s2  }
0x1e: {  	s7 =	smul.u32 @!p0 $0xF7A, s2;
	p2 =	seq.s32 @!p0 s5, $0x0  }
0x1f: {  	s9 =	smul.u32 $0xF7A, s1;
	s8 =	simm.s32 @!p0 $0x1BF5;
	p2 =	por !p2, p0  }
0x20: {  	[sflag:s8] =	ssyncset.s32 @!p0 $0xFFFFF086;
	s6 =	sadd.s32 @!p0 s3, s7;
	s7 =	simm.s32 @!p0 $0x108  }
0x21: {  	s3 =	sadd.s32 s3, s9;
	s6 =	sadd.s32 @!p0 $0x88, s6;
	s7 =	simm.s32 @p2 $0x1082  }
0x22: {  	[simem:s7], [sflag:s8] =	dma.local @!p0 [hbm:s6], $0xF7A  }
0x23: {  	s9 =	sor.u32 $0xD0000000, s2;
	s6 =	simm.s32 $0x108;
	_ =	swait.ge @!p0 [sflag:s8], $0x0  }
0x24: {  	s3 =	sadd.s32 $0x88, s3;
	s6 =	simm.s32 @!p1 $0x1082;
	[sflag:s4] =	ssyncset.s32 $0xFFFFF086  }
0x25: {  	[simem:s6], [sflag:s4] =	dma.local [hbm:s3], $0xF7A  }
0x26: {  	[smem:$0x3F84] =	sst s1;
	(tag) =	ssettag s2;
	_ =	strace s9  }
0x27: {  	s1 =	sld [smem:$0x3F94]  }
0x28: {  	s2 =	sld [smem:$0x3F95]  }
0x29: {  	s4 =	sld [smem:$0x3F97]  }
0x2a: {  	p0 =	seq.s32 s5, $0x0;
	s5 =	sld [smem:$0x3F98]  }
0x2b: {  	s6 =	sld [smem:$0x3F99]  }
0x2c: {  	s7 =	sld [smem:$0x3F9A]  }
0x2d: {  	s3 =	simm.s32 $0x108;
	s8 =	sld [smem:$0x3F9B]  }
0x2e: {  	s3 =	simm.s32 @!p0 $0x1082;
	s9 =	sld [smem:$0x3F9C]  }
0x2f: {  	lr =	sadd.s32 s0, s3;
	s0 =	sld [smem:$0x3F93]  }
0x30: {  	s3 =	sld [smem:$0x3F96]  }
0x31: {  	[smem:$0x3F9F] =	sst s10  }
0x32: {  	s10 =	sld [smem:$0x3F9D];
	_ =	sdelay $0x3  }
0x33: {  	p0 =	seq.s32 s10, $0x1;
	s10 =	sld [smem:$0x3F9F];
	_ =	sdelay $0x3  }
0x34: {  	[smem:$0x3F9F] =	sst s10  }
0x35: {  	s10 =	sld [smem:$0x3F9E];
	_ =	sdelay $0x3  }
0x36: {  	p1 =	seq.s32 s10, $0x1;
	s10 =	sld [smem:$0x3F9F];
	_ =	sdelay $0x3  }
0x37: {  	[smem:$0x3F9F] =	sst s10  }
0x38: {  	s10 =	sld [smem:$0x3FA0]  }
0x39: {  	_ = 	snop;
	(pc) =	sbr.ind lr, $3  }
0x3a: {  	_ = 	snop  }
0x3b: {  	_ = 	snop  }
0x3c: {  	p2 =	seq.s32 s10, $0x1;
	s10 =	sld [smem:$0x3F9F]  }
0x3d: {  	_ =	shalt  }
0x3e: {  	_ =	shalt  }
0x3f: {  	_ =	shalt  }
0x40: {  	_ =	shalt  }
0x41: {  	_ =	shalt  }
0x42: {  	_ =	shalt  }
0x43: {  	_ =	shalt  }
0x44: {  	_ =	shalt  }
0x45: {  	_ =	shalt  }
0x46: {  	_ =	shalt  }
0x47: {  	_ =	shalt  }
0x48: {  	_ =	shalt  }
0x49: {  	_ =	shalt  }
0x4a: {  	_ =	shalt  }
0x4b: {  	_ =	shalt  }
0x4c: {  	_ =	shalt  }
0x4d: {  	_ =	shalt  }
0x4e: {  	_ =	shalt  }
0x4f: {  	_ =	shalt  }
0x50: {  	_ =	shalt  }
0x51: {  	_ =	shalt  }
0x52: {  	_ =	shalt  }
0x53: {  	_ =	shalt  }
0x54: {  	_ =	shalt  }
0x55: {  	_ =	shalt  }
0x56: {  	_ =	shalt  }
0x57: {  	_ =	shalt  }
0x58: {  	_ =	shalt  }
0x59: {  	_ =	shalt  }
0x5a: {  	_ =	shalt  }
0x5b: {  	_ =	shalt  }
0x5c: {  	_ =	shalt  }
0x5d: {  	_ =	shalt  }
0x5e: {  	_ =	shalt  }
0x5f: {  	_ =	shalt  }
0x60: {  	_ =	shalt  }
0x61: {  	_ =	shalt  }
0x62: {  	_ =	shalt  }
0x63: {  	_ =	shalt  }
0x64: {  	_ =	shalt  }
0x65: {  	_ =	shalt  }
0x66: {  	_ =	shalt  }
0x67: {  	_ =	shalt  }
0x68: {  	_ =	shalt  }
0x69: {  	_ =	shalt  }
0x6a: {  	_ =	shalt  }
0x6b: {  	_ =	shalt  }
0x6c: {  	_ =	shalt  }
0x6d: {  	_ =	shalt  }
0x6e: {  	_ =	shalt  }
0x6f: {  	_ =	shalt  }
0x70: {  	_ =	shalt  }
0x71: {  	_ =	shalt  }
0x72: {  	_ =	shalt  }
0x73: {  	_ =	shalt  }
0x74: {  	_ =	shalt  }
0x75: {  	_ =	shalt  }
0x76: {  	_ =	shalt  }
0x77: {  	_ =	shalt  }
0x78: {  	_ =	shalt  }
0x79: {  	_ =	shalt  }
0x7a: {  	_ =	shalt  }
0x7b: {  	_ =	shalt  }
0x7c: {  	_ =	shalt  }
0x7d: {  	_ =	shalt  }
0x7e: {  	_ =	shalt  }
0x7f: {  	_ =	shalt  }
0x80: {  	_ =	shalt  }
0x81: {  	_ =	shalt  }
0x82: {  	_ =	shalt  }
0x83: {  	_ =	shalt  }
0x84: {  	_ =	shalt  }
0x85: {  	_ =	shalt  }
0x86: {  	_ =	shalt  }
0x87: {  	_ =	shalt  }
.Lfunc_end0:
.L_simem_size_0:
called_computation.1_lowered:
.L_overlay_start_0:
0x88: {  	s2 =	sld [smem:$0x3FD9]  }
0x89: {  	s3 =	sld [smem:$0x3FFE];
	_ =	sdelay $0x1  }
0x8a: {  	s1 =	srdreg.scid  }
0x8b: {  	s0 =	sand.u32 $0x1, s1  }
0x8c: {  	s14 =	sshll.u32 s0, $0xA;
	s2 =	sadd.s32 s3, s2  }
0x8d: {  	s2 =	sadd.s32 s2, s14  }
0x8e: {  	[smem:$0x3FAB] =	sst s2  }
0x8f: {  	_ = 	snop  }
0x90: {  	s2 =	sld [smem:$0x3FD0];
	_ =	sdelay $0x2  }
0x91: {  	s15 =	simm.s32 $0xA;
	s4 =	simm.s32 $0x10  }
0x92: {  	[smem:s4], [sflag:s15] =	dma.local [hbm:s2], $0x1  }
0x93: {  	_ =	swait.eq [sflag:s15], $0x1  }
0x94: {  	[sflag:s15] =	ssyncset.done $0x0  }
0x95: {  	s16 =	sld [smem:$0x10];
	[sflag:s15] =	ssyncadd.s32 $0xFFFFFFFF  }
0x96: {  	s17 =	sld [smem:$0x11];
	(tm) =	ssettm $0x1  }
0x97: {  	s18 =	sld [smem:$0x3FFB];
	_ =	sdelay $0x3  }
0x98: {  	_ =	strace s18  }
0x99: {  	s4 =	sld [smem:$0x3FFC];
	_ =	sdelay $0x3  }
0x9a: {  	_ =	strace s4  }
0x9b: {  	s4 =	sld [smem:$0x3FFD];
	_ =	sdelay $0x3  }
0x9c: {  	_ =	strace s4  }
0x9d: {  	_ =	strace $0x8FFFFFFF  }
0x9e: {  	s19 =	sld [smem:$0x3FDB];
	_ =	sdelay $0x1  }
0x9f: {  	s5 =	simm.s32 $_scs_section_size  }
0xa0: {  	s6 =	simm.s32 $_size__tile_overlayer_lowered;
	s7 =	simm.s32 $_tile_overlayer_lowered  }
0xa1: {  	s22 =	simm.s32 $0x1BFF;
	s21 =	sshll.u32 s7, $0x1;
	s4 =	sadd.s32 s5, s19  }
0xa2: {  	s8 =	simm.s32 $0x0;
	s20 =	sshll.u32 s6, $0x1;
	s6 =	sadd.s32 s21, s4  }
0xa3: {  	[timem:s8], [sflag:s22] =	dma.local [hbm:s6], s20  }
0xa4: {  	_ =	swait.ge [sflag:s22], s20  }
0xa5: {  	s5 =	ssub.s32 $0x0, s20;
	[sflag:s22] =	ssyncset.done $0x0  }
0xa6: {  	[sflag:s22] =	ssyncadd.s32 s5;
	_ =	sdelay $0x1  }
0xa7: {  	s23 =	simm.s32 $0x1B8B  }
0xa8: {  	_ =	swait.ge [sflag:s23], $0x1  }
0xa9: {  	[sflag:s23] =	ssyncset.done $0x0  }
0xaa: {  	s25 =	simm.s32 $0x1B8E;
	s24 =	sld [smem:$0x3FFE];
	[sflag:s23] =	ssyncadd.s32 $0xFFFFFFFF  }
0xab: {  	s26 =	simm.s32 $execute0_lowered;
	[smem:$0x3FD2] =	sst s25  }
0xac: {  	s6 =	sshll.u32 s26, $0x1;
	_ =	strace $0x80000049;
	[dreg:$0x1] =	wrdreg $0xFFFFFFFF  }
0xad: {  	s28 =	simm.s32 $_size_execute0_lowered;
	s4 =	sadd.s32 s4, s6;
	[dreg:$0x0] =	wrdreg $0x0  }
0xae: {  	s6 =	sshll.u32 s28, $0x1;
	[dreg:$0x2] =	wrdreg s4  }
0xaf: {  	[dreg:$0x3] =	wrdreg s6  }
0xb0: {  	[dreg:$0x4] =	wrdreg $0xC0  }
0xb1: {  	_ =	task [dreg:s8], $0x5FFFF  }
0xb2: {  	[dreg:$0x1] =	wrdreg $0xFFFFFFFF  }
0xb3: {  	[dreg:$0x0] =	wrdreg $0x60  }
0xb4: {  	[dreg:$0x2] =	wrdreg s16  }
0xb5: {  	[dreg:$0x3] =	wrdreg s24  }
0xb6: {  	[dreg:$0x4] =	wrdreg s17  }
0xb7: {  	[dreg:$0x5] =	wrdreg $0x170000  }
0xb8: {  	[dreg:$0x6] =	wrdreg $0x9  }
0xb9: {  	_ =	task.clear_ibuf [dreg:s8], $0x7FFFF;
	_ =	strace $0x90000049  }
0xba: {  	s29 =	simm.s32 $0x9;
	_ =	strace $0x8000004B  }
0xbb: {  	_ =	swait.ge [sflag:s29], $0x1  }
0xbc: {  	[sflag:s29] =	ssyncadd.s32 $0xFFFFFFFF  }
0xbd: {  	_ =	strace $0x9000004B  }
0xbe: {  	_ =	sfence  }
0xbf: {  	s30 =	sld [smem:$0x0];
	_ =	sdelay $0x2  }
0xc0: {  	s31 =	sshll.u32 s1, $0xD;
	s1 =	sshrl.u32 s1, $0x2  }
0xc1: {  	s3 =	sand.u32 $0x4000, s31;
	s1 =	sadd.s32 s1, s30  }
0xc2: {  	s0 =	sor.u32 s3, s0;
	s1 =	sshll.u32 s1, $0x11  }
0xc3: {  	s0 =	sor.u32 s1, s0  }
0xc4: {  	s0 =	sadd.s32 $0x8F2B, s0  }
0xc5: {  	[sflag:s0] =	ssyncadd.remote.s32 $0x1  }
0xc6: {  	_ =	sfence.sel $0xFFFF  }
0xc7: {  	[dreg:$0x0] =	wrdreg $0xFFFFFFFF;
	(pc) =	sbr.abs _section_cstart, $3  }
0xc8: {  	[dreg:$0x1] =	wrdreg $0xFFFFFFFF  }
0xc9: {  	_ =	task.clear_ibuf [dreg:s8], $0x2FFFF;
	_ =	strace $0x9FFFFFFF  }
0xca: {  	(tm) =	ssettm $0x7FFFFFFF  }
0xcb: {  	_ =	shalt  }
tec
execute0_lowered:
.L_overlay_start_1:
0x0: {  	(tag) =	ssettag $0x1  }
0x1: {  	s0 =	rddreg [dreg:$0x0]  }
0x2: {  	s1 =	rddreg [dreg:$0x1]  }
0x3: {  	s3 =	srdreg.scid;
	s2 =	rddreg [dreg:$0x2]  }
0x4: {  	s11 =	stileid.u32;
	s4 =	simm.s32 $0x0;
	s14 =	simm.s32 $0x50  }
0x5: {  	s15 =	simm.s32 $0x8000;
	s17 =	simm.s32 $0xA800;
	s19 =	simm.s32 $0xD000  }
0x6: {  	s20 =	simm.s32 $0x1;
	s21 =	simm.s32 $0xF800;
	s22 =	simm.s32 $0x12000  }
0x7: {  	s23 =	simm.s32 $0x14800;
	s24 =	simm.s32 $0x2;
	s25 =	simm.s32 $0x3  }
0x8: {  	s26 =	simm.s32 $0x4;
	s13 =	simm.s32 $0x7D80;
	s16 =	simm.s32 $0x7E00  }
0x9: {  	s18 =	simm.s32 $0x7E80;
	s6 =	sand.u32 $0x1, s3;
	s3 =	rddreg [dreg:$0x3]  }
0xa: {  	s28 =	simm.s32 $0x0;
	s7 =	sshll.u32 s11, $0xF;
	[smem:$0x7FF] =	sst s4  }
0xb: {  	s11 =	sshll.u32 s11, $0x6;
	s5 =	sshll.u32 s6, $0xE;
	s30 =	sshll.u32 s6, $0x13  }
0xc: {  	_ =	strace $0x8000004A;
	s6 =	ssub.s32 $0x2, s6;
	s12 =	sadd.s32 s7, s3  }
0xd: {  	s5 =	sor.u32 s5, s7;
	s10 =	sor.u32 s7, s30;
	s31 =	sshrl.u32 s6, $0x1  }
0xe: {  	s8 =	sshrl.u32 s5, $0x3;
	s5 =	sadd.s32 $0x14400, s1;
	s10 =	sshrl.u32 s10, $0x3  }
0xf: {  	s9 =	sadd.s32 s8, s1;
	s1 =	sadd.s32 s10, s1;
	s10 =	ssub.s32 s6, s31  }
0x10: {  	s6 =	sor.u32 $0x1C05, s11;
	s7 =	sadd.s32 s0, s8;
	s11 =	sshrl.u32 s12, $0x3  }
0x11: {  	s12 =	simm.s32 $0x5;
	s0 =	simm.s32 $0x7D00;
	s8 =	sadd.s32 $0x4400, s9  }
0x12: {  	v0 =	vimm.s32 $0xFFFFE0C0;
	s9 =	sadd.s32 $0x15400, s1;
	s10 =	smax.u32 s10, $0x1;
	s1 =	simm.s32 $0x7C80  }
.LBB2_1:
0x13: {  	[spmem:s11], [sflag:s6] =	dma.local [hbm:s5], $0x1000  }
0x14: {  	_ =	swait.ge [sflag:s12], $0x1000  }
0x15: {  	[sflag:s12] =	ssyncset.done $0x0  }
0x16: {  	[sflag:s12] =	ssyncadd.s32 $0xFFFFF000  }
0x17: {  	[tilespmem:s4], [sflag:$0x5] =	stream.linear.gather [hbm4b:s7+s4], $0x3F00, $0x38;
	[tilespmem:$0x1F000] =	vst v63  }
0x18: {  	_ =	swait.ge [sflag:s12], $0x3F00  }
0x19: {  	[sflag:s12] =	ssyncset.done $0x0  }
0x1a: {  	s29 =	simm.s32 $0x4000;
	[sflag:s12] =	ssyncadd.s32 $0xFFFFC100  }
0x1b: {  	[tilespmem:s29], [sflag:$0x5] =	stream.linear.gather [hbm4b:s8+s4], $0x3F00, $0x38;
	[tilespmem:$0x1F000] =	vst v63  }
0x1c: {  	_ =	swait.ge [sflag:s12], $0x3F00  }
0x1d: {  	[sflag:s12] =	ssyncset.done $0x0  }
0x1e: {  	s29 =	simm.s32 $0x0;
	[sflag:s12] =	ssyncadd.s32 $0xFFFFC100  }
0x1f: {  	v5 =	vld [tilespmem:s29+$0x20]  }
0x20: {  	v3 =	vld [tilespmem:s29+$0x4020]  }
0x21: {  	v4 =	vld [tilespmem:s29+$0x30]  }
0x22: {  	v2 =	vld [tilespmem:s29+$0x4040]  }
0x23: {  	v19 =	vld [tilespmem:s29+$0x4030]  }
0x24: {  	v1 =	vld [tilespmem:s29+$0x4000];
	_ =	sdelay $0x1  }
0x25: {  	vm0 =	vgt.s32 v5, $0x1F3F  }
0x26: {  	v7 =	vld [tilespmem:s29+$0x4010];
	v8 =	vand.u32 $0x7FF, v5;
	vm1 =	vlt.s32 v3, $0x1F40;
	v6 =	vadd.s32 $0xFFFFF060, v3  }
0x27: {  	v9 =	vand.u32 $0x3F, v3;
	vm2 =	vlt.s32 v2, $0x1F40;
	vm8 =	vgt.s32 v4, $0x1F3F  }
0x28: {  	v14 =	vadd.s32 $0xFFFFF060, v2;
	vm4 =	vlt.s32 v1, $0x1F40;
	vm10 =	vgt.s32 v19, $0xF9F  }
0x29: {  	v20 =	vadd.s32 $0xFFFFF060, v19;
	vm1 =	vmand vm0, vm1;
	vm0 =	vgt.s32 v3, $0xF9F  }
0x2a: {  	v16 =	vand.u32 $0x7FF, v4;
	v18 =	vand.u32 $0x3F, v19;
	v11 =	vsel vm0, v6, v3;
	v3 =	vld [tilespmem:s29+$0x40]  }
0x2b: {  	vm3 =	vlt.s32 v7, $0x1F40;
	vm6 =	vgt.s32 v7, $0xF9F;
	v13 =	vadd.s32 $0xFFFFF060, v1;
	v6 =	vld [tilespmem:s29+$0x10]  }
0x2c: {  	vm9 =	vlt.s32 v19, $0x1F40;
	v9 =	vadd.s32 $0xFA0, v9;
	v17 =	vsel vm10, $0xFFFFE890, v0  }
0x2d: {  	vm9 =	vmand vm8, vm9;
	v19 =	vsel vm10, v20, v19;
	v10 =	vsel vm0, $0xFFFFE890, v0  }
0x2e: {  	vm0 =	vgt.s32 v2, $0xF9F;
	v15 =	vadd.s32 v5, v10;
	v5 =	vand.u32 $0x3F, v2  }
0x2f: {  	v10 =	vsel vm1, v11, v9;
	v11 =	vand.u32 $0x3F, v1;
	v9 =	vadd.s32 $0xFA0, v5;
	v5 =	vld [tilespmem:s29+$0x0]  }
0x30: {  	s30 =	simm.s32 $0x200;
	vm7 =	vgt.s32 v3, $0x1F3F;
	v12 =	vand.u32 $0x7FF, v6;
	vm5 =	vgt.s32 v6, $0x1F3F  }
.LBB2_2:
0x31: {  	s31 =	sshra.s32 s30, $0x2;
	p0 =	sne.s32 s30, $0xFA00;
	s30 =	sadd.s32 $0x200, s30;
	vm8 =	vgt.s32 v1, $0xF9F;
	v8 =	vsel vm1, v15, v8;
	v15 =	vadd.s32 $0xFA0, v18  }
0x32: {  	v20 =	vsel vm6, $0xFFFFE890, v0;
	v18 =	vsel vm8, $0xFFFFE890, v0;
	[tilespmem:s29+$0x20] =	vst v8;
	v8 =	vsel vm9, v19, v15  }
0x33: {  	v21 =	vand.u32 $0x3F, v7;
	v4 =	vadd.s32 v4, v17;
	v19 =	vadd.s32 $0xFFFFF060, v7;
	v15 =	vld [tilespmem:s31+$0x20];
	[tilespmem:s29+$0x4030] =	vst v8  }
0x34: {  	vm10 =	vgt.s32 v5, $0x1F3F;
	vm1 =	vmand vm7, vm2;
	v4 =	vsel vm9, v4, v16  }
0x35: {  	v2 =	vsel vm0, v14, v2;
	vm2 =	vmand vm10, vm4;
	v7 =	vsel vm6, v19, v7;
	[tilespmem:s29+$0x4020] =	vst v10  }
0x36: {  	v11 =	vadd.s32 $0xFA0, v11;
	v14 =	vadd.s32 $0xFA0, v21;
	v2 =	vsel vm1, v2, v9;
	v10 =	vld [tilespmem:s31+$0x4020];
	[tilespmem:s29+$0x30] =	vst v4  }
0x37: {  	vm3 =	vmand vm5, vm3;
	v6 =	vadd.s32 v6, v20;
	v9 =	vsel vm0, $0xFFFFE890, v0;
	[tilespmem:s29+$0x4040] =	vst v2  }
0x38: {  	v16 =	vand.u32 $0x7FF, v5;
	vm0 =	vgt.s32 v15, $0x1F3F;
	v8 =	vand.u32 $0x7FF, v15  }
0x39: {  	v1 =	vsel vm8, v13, v1;
	v6 =	vsel vm3, v6, v12;
	v7 =	vsel vm3, v7, v14;
	v4 =	vld [tilespmem:s31+$0x30]  }
0x3a: {  	v1 =	vsel vm2, v1, v11;
	v2 =	vld [tilespmem:s31+$0x4040];
	[tilespmem:s29+$0x4010] =	vst v7;
	v7 =	vadd.s32 v3, v9;
	v3 =	vand.u32 $0x7FF, v3  }
0x3b: {  	vm3 =	vlt.s32 v10, $0x1F40;
	v9 =	vadd.s32 $0xFFFFF060, v10;
	v19 =	vld [tilespmem:s31+$0x4030];
	[tilespmem:s29+$0x4000] =	vst v1;
	v3 =	vsel vm1, v7, v3  }
0x3c: {  	v5 =	vadd.s32 v5, v18;
	v1 =	vld [tilespmem:s31+$0x4000];
	vm1 =	vmand vm0, vm3;
	vm0 =	vgt.s32 v10, $0xF9F;
	[tilespmem:s29+$0x10] =	vst v6  }
0x3d: {  	v5 =	vsel vm2, v5, v16;
	v11 =	vand.u32 $0x3F, v10;
	v7 =	vld [tilespmem:s31+$0x4010];
	v6 =	vsel vm0, $0xFFFFE890, v0;
	[tilespmem:s29+$0x40] =	vst v3  }
0x3e: {  	v9 =	vsel vm0, v9, v10;
	v10 =	vadd.s32 $0xFA0, v11;
	v15 =	vadd.s32 v15, v6;
	v3 =	vld [tilespmem:s31+$0x40];
	[tilespmem:s29+$0x0] =	vst v5;
	s29 =	smov.u32 s31  }
0x3f: {  	v10 =	vsel vm1, v9, v10;
	v6 =	vld [tilespmem:s29+$0x10];
	v5 =	vand.u32 $0x3F, v2  }
0x40: {  	vm2 =	vlt.s32 v2, $0x1F40;
	vm0 =	vgt.s32 v2, $0xF9F;
	v9 =	vadd.s32 $0xFA0, v5  }
0x41: {  	vm8 =	vgt.s32 v4, $0x1F3F;
	v14 =	vadd.s32 $0xFFFFF060, v2;
	v5 =	vld [tilespmem:s29+$0x0];
	v11 =	vand.u32 $0x3F, v1  }
.Ltmp0:
0x42: {  	vm10 =	vgt.s32 v19, $0xF9F;
	v20 =	vadd.s32 $0xFFFFF060, v19;
	vm4 =	vlt.s32 v1, $0x1F40;
	(pc) =	sbr.rel @p0 .LBB2_2-.Ltmp0, $4  }
0x43: {  	v16 =	vand.u32 $0x7FF, v4;
	v18 =	vand.u32 $0x3F, v19;
	vm7 =	vgt.s32 v3, $0x1F3F  }
0x44: {  	vm3 =	vlt.s32 v7, $0x1F40;
	vm6 =	vgt.s32 v7, $0xF9F;
	v12 =	vand.u32 $0x7FF, v6  }
0x45: {  	vm9 =	vlt.s32 v19, $0x1F40;
	v13 =	vadd.s32 $0xFFFFF060, v1;
	v17 =	vsel vm10, $0xFFFFE890, v0  }
0x46: {  	vm9 =	vmand vm8, vm9;
	v19 =	vsel vm10, v20, v19;
	vm5 =	vgt.s32 v6, $0x1F3F  }
0x47: {  	vm8 =	vgt.s32 v1, $0xF9F;
	v8 =	vsel vm1, v15, v8;
	v54 =	vadd.s32 $0xFA0, v18  }
0x48: {  	v20 =	vsel vm6, $0xFFFFE890, v0;
	v56 =	vadd.s32 $0xFFFFF060, v7;
	v57 =	vand.u32 $0x3F, v7  }
0x49: {  	v4 =	vadd.s32 v4, v17;
	vm15 =	vgt.s32 v5, $0x1F3F;
	vm2 =	vmand vm7, vm2;
	[tilespmem:s29+$0x4020] =	vst v10  }
0x4a: {  	v2 =	vsel vm0, v14, v2;
	vm3 =	vmand vm5, vm3;
	v15 =	vsel vm9, v19, v54;
	[tilespmem:s29+$0x20] =	vst v8  }
0x4b: {  	v60 =	vadd.s32 $0xFA0, v11;
	v61 =	vsel vm0, $0xFFFFE890, v0;
	v4 =	vsel vm9, v4, v16;
	[tilespmem:s29+$0x4030] =	vst v15  }
0x4c: {  	v58 =	vsel vm6, v56, v7;
	v59 =	vadd.s32 $0xFA0, v57;
	v2 =	vsel vm2, v2, v9;
	[tilespmem:s29+$0x30] =	vst v4  }
0x4d: {  	vm1 =	vmand vm15, vm4;
	v1 =	vsel vm8, v13, v1;
	[tilespmem:s29+$0x4040] =	vst v2;
	v2 =	vsel vm3, v58, v59  }
0x4e: {  	v62 =	vadd.s32 v3, v61;
	v3 =	vand.u32 $0x7FF, v3;
	v1 =	vsel vm1, v1, v60;
	[tilespmem:s29+$0x4010] =	vst v2  }
0x4f: {  	v55 =	vsel vm8, $0xFFFFE890, v0;
	v6 =	vadd.s32 v6, v20;
	v3 =	vsel vm2, v62, v3;
	[tilespmem:s29+$0x4000] =	vst v1  }
0x50: {  	v63 =	vadd.s32 v5, v55;
	v2 =	vsel vm3, v6, v12;
	v1 =	vand.u32 $0x7FF, v5;
	[tilespmem:s29+$0x40] =	vst v3  }
0x51: {  	[tilespmem:s29+$0x10] =	vst v2;
	v1 =	vsel vm1, v63, v1  }
0x52: {  	[tilespmem:s29+$0x0] =	vst v1  }
0x53: {  	s29 =	simm.s32 $0x0;
	[bflag:$0x0] =	sbarrier.arrive $0xFFFF  }
0x54: {  	[tilespmem:s15], [sflag:$0x1] =	stream.indirect.gather [hbm4b:s2+s14], $0x80, s29, s14, $0xb8;
	[tilespmem:$0x1F000] =	vst v63  }
0x55: {  	s29 =	simm.s32 $0x80  }
0x56: {  	[tilespmem:s17], [sflag:$0x1] =	stream.indirect.gather [hbm4b:s2+s14], $0x80, s29, s14, $0xb8;
	[tilespmem:$0x1F000] =	vst v63  }
0x57: {  	s29 =	simm.s32 $0x100  }
0x58: {  	[tilespmem:s19], [sflag:$0x1] =	stream.indirect.gather [hbm4b:s2+s14], $0x80, s29, s14, $0xb8;
	[tilespmem:$0x1F000] =	vst v63  }
0x59: {  	_ =	swait.ge [sflag:s20], $0x2800  }
0x5a: {  	[sflag:s20] =	ssyncset.done $0x0  }
0x5b: {  	[sflag:s20] =	ssyncadd.s32 $0xFFFFD800  }
0x5c: {  	_ =	swait.ge [sflag:s20], $0x2800  }
0x5d: {  	[sflag:s20] =	ssyncset.done $0x0  }
0x5e: {  	[sflag:s20] =	ssyncadd.s32 $0xFFFFD800  }
0x5f: {  	_ =	swait.ge [sflag:s20], $0x2800  }
0x60: {  	[sflag:s20] =	ssyncset.done $0x0  }
0x61: {  	s29 =	simm.s32 $0x180;
	[sflag:s20] =	ssyncadd.s32 $0xFFFFD800  }
0x62: {  	[tilespmem:s21], [sflag:$0x2] =	stream.indirect.gather [hbm4b:s2+s14], $0x80, s29, s14, $0xb8;
	[tilespmem:$0x1F000] =	vst v63  }
0x63: {  	s29 =	simm.s32 $0x200  }
0x64: {  	[tilespmem:s22], [sflag:$0x2] =	stream.indirect.gather [hbm4b:s2+s14], $0x80, s29, s14, $0xb8;
	[tilespmem:$0x1F000] =	vst v63  }
0x65: {  	s29 =	simm.s32 $0x280  }
0x66: {  	[tilespmem:s23], [sflag:$0x2] =	stream.indirect.gather [hbm4b:s2+s14], $0x80, s29, s14, $0xb8;
	[tilespmem:$0x1F000] =	vst v63  }
0x67: {  	s29 =	simm.s32 $0x4000  }
0x68: {  	[spmem:s3] =	stream.indirect.scatter.add.f32 [tilespmem:s15], [sflag:$0x3], $0x80, s29, s14, $0xb8;
	[tilespmem:$0x1F000] =	vst v63  }
0x69: {  	s29 =	simm.s32 $0x4080  }
0x6a: {  	[spmem:s3] =	stream.indirect.scatter.add.f32 [tilespmem:s17], [sflag:$0x3], $0x80, s29, s14, $0xb8;
	[tilespmem:$0x1F000] =	vst v63  }
0x6b: {  	s29 =	simm.s32 $0x4100  }
0x6c: {  	[spmem:s3] =	stream.indirect.scatter.add.f32 [tilespmem:s19], [sflag:$0x3], $0x80, s29, s14, $0xb8;
	[tilespmem:$0x1F000] =	vst v63  }
0x6d: {  	_ =	swait.ge [sflag:s24], $0x2800  }
0x6e: {  	[sflag:s24] =	ssyncset.done $0x0  }
0x6f: {  	[sflag:s24] =	ssyncadd.s32 $0xFFFFD800  }
0x70: {  	_ =	swait.ge [sflag:s24], $0x2800  }
0x71: {  	[sflag:s24] =	ssyncset.done $0x0  }
0x72: {  	[sflag:s24] =	ssyncadd.s32 $0xFFFFD800  }
0x73: {  	_ =	swait.ge [sflag:s24], $0x2800  }
0x74: {  	[sflag:s24] =	ssyncset.done $0x0  }
0x75: {  	s29 =	simm.s32 $0x4180;
	[sflag:s24] =	ssyncadd.s32 $0xFFFFD800  }
0x76: {  	[spmem:s3] =	stream.indirect.scatter.add.f32 [tilespmem:s21], [sflag:$0x4], $0x80, s29, s14, $0xb8;
	[tilespmem:$0x1F000] =	vst v63  }
0x77: {  	s29 =	simm.s32 $0x4200  }
0x78: {  	[spmem:s3] =	stream.indirect.scatter.add.f32 [tilespmem:s22], [sflag:$0x4], $0x80, s29, s14, $0xb8;
	[tilespmem:$0x1F000] =	vst v63  }
0x79: {  	s29 =	simm.s32 $0x4280  }
0x7a: {  	[spmem:s3] =	stream.indirect.scatter.add.f32 [tilespmem:s23], [sflag:$0x4], $0x80, s29, s14, $0xb8;
	[tilespmem:$0x1F000] =	vst v63  }
0x7b: {  	_ =	swait.ge [sflag:s25], $0x2800  }
0x7c: {  	[sflag:s25] =	ssyncset.done $0x0  }
0x7d: {  	[sflag:s25] =	ssyncadd.s32 $0xFFFFD800  }
0x7e: {  	_ =	swait.ge [sflag:s25], $0x2800  }
0x7f: {  	[sflag:s25] =	ssyncset.done $0x0  }
0x80: {  	[sflag:s25] =	ssyncadd.s32 $0xFFFFD800  }
0x81: {  	_ =	swait.ge [sflag:s25], $0x2800  }
0x82: {  	[sflag:s25] =	ssyncset.done $0x0  }
0x83: {  	s29 =	simm.s32 $0x300;
	[sflag:s25] =	ssyncadd.s32 $0xFFFFD800  }
0x84: {  	[tilespmem:s15], [sflag:$0x1] =	stream.indirect.gather [hbm4b:s2+s14], $0x80, s29, s14, $0xb8;
	[tilespmem:$0x1F000] =	vst v63  }
0x85: {  	s29 =	simm.s32 $0x380  }
0x86: {  	[tilespmem:s17], [sflag:$0x1] =	stream.indirect.gather [hbm4b:s2+s14], $0x80, s29, s14, $0xb8;
	[tilespmem:$0x1F000] =	vst v63  }
0x87: {  	s29 =	simm.s32 $0x400  }
0x88: {  	[tilespmem:s19], [sflag:$0x1] =	stream.indirect.gather [hbm4b:s2+s14], $0x80, s29, s14, $0xb8;
	[tilespmem:$0x1F000] =	vst v63  }
0x89: {  	_ =	swait.ge [sflag:s26], $0x2800  }
0x8a: {  	[sflag:s26] =	ssyncset.done $0x0  }
0x8b: {  	[sflag:s26] =	ssyncadd.s32 $0xFFFFD800  }
0x8c: {  	_ =	swait.ge [sflag:s26], $0x2800  }
0x8d: {  	[sflag:s26] =	ssyncset.done $0x0  }
0x8e: {  	[sflag:s26] =	ssyncadd.s32 $0xFFFFD800  }
0x8f: {  	_ =	swait.ge [sflag:s26], $0x2800  }
0x90: {  	s29 =	simm.s32 $0xC00;
	[sflag:s26] =	ssyncset.done $0x0  }
.LBB2_4:
0x91: {  	p0 =	sne.s32 s29, $0xE400  }
0x92: {  	[sflag:s26] =	ssyncadd.s32 $0xFFFFD800;
	s30 =	smov.u32 s29;
	s29 =	sadd.s32 $0xC00, s29  }
0x93: {  	_ =	swait.ge [sflag:s20], $0x2800  }
0x94: {  	[sflag:s20] =	ssyncset.done $0x0  }
0x95: {  	[sflag:s20] =	ssyncadd.s32 $0xFFFFD800  }
0x96: {  	_ =	swait.ge [sflag:s20], $0x2800  }
0x97: {  	[sflag:s20] =	ssyncset.done $0x0  }
0x98: {  	[sflag:s20] =	ssyncadd.s32 $0xFFFFD800  }
0x99: {  	_ =	swait.ge [sflag:s20], $0x2800  }
0x9a: {  	s30 =	sshra.s32 s30, $0x2;
	[sflag:s20] =	ssyncset.done $0x0  }
0x9b: {  	s31 =	sadd.s32 $0x180, s30;
	[sflag:s20] =	ssyncadd.s32 $0xFFFFD800  }
0x9c: {  	[tilespmem:s21], [sflag:$0x2] =	stream.indirect.gather [hbm4b:s2+s14], $0x80, s31, s14, $0xb8;
	[tilespmem:$0x1F000] =	vst v63  }
0x9d: {  	s31 =	sadd.s32 $0x200, s30  }
0x9e: {  	[tilespmem:s22], [sflag:$0x2] =	stream.indirect.gather [hbm4b:s2+s14], $0x80, s31, s14, $0xb8;
	[tilespmem:$0x1F000] =	vst v63  }
0x9f: {  	s31 =	sadd.s32 $0x280, s30  }
0xa0: {  	[tilespmem:s23], [sflag:$0x2] =	stream.indirect.gather [hbm4b:s2+s14], $0x80, s31, s14, $0xb8;
	[tilespmem:$0x1F000] =	vst v63  }
0xa1: {  	s31 =	sadd.s32 $0x4000, s30  }
0xa2: {  	[spmem:s3] =	stream.indirect.scatter.add.f32 [tilespmem:s15], [sflag:$0x3], $0x80, s31, s14, $0xb8;
	[tilespmem:$0x1F000] =	vst v63  }
0xa3: {  	s31 =	sadd.s32 $0x4080, s30  }
0xa4: {  	[spmem:s3] =	stream.indirect.scatter.add.f32 [tilespmem:s17], [sflag:$0x3], $0x80, s31, s14, $0xb8;
	[tilespmem:$0x1F000] =	vst v63  }
0xa5: {  	s31 =	sadd.s32 $0x4100, s30  }
0xa6: {  	[spmem:s3] =	stream.indirect.scatter.add.f32 [tilespmem:s19], [sflag:$0x3], $0x80, s31, s14, $0xb8;
	[tilespmem:$0x1F000] =	vst v63  }
0xa7: {  	_ =	swait.ge [sflag:s24], $0x2800  }
0xa8: {  	[sflag:s24] =	ssyncset.done $0x0  }
0xa9: {  	[sflag:s24] =	ssyncadd.s32 $0xFFFFD800  }
0xaa: {  	_ =	swait.ge [sflag:s24], $0x2800  }
0xab: {  	[sflag:s24] =	ssyncset.done $0x0  }
0xac: {  	[sflag:s24] =	ssyncadd.s32 $0xFFFFD800  }
0xad: {  	_ =	swait.ge [sflag:s24], $0x2800  }
0xae: {  	[sflag:s24] =	ssyncset.done $0x0  }
0xaf: {  	s31 =	sadd.s32 $0x4180, s30;
	[sflag:s24] =	ssyncadd.s32 $0xFFFFD800  }
0xb0: {  	[spmem:s3] =	stream.indirect.scatter.add.f32 [tilespmem:s21], [sflag:$0x4], $0x80, s31, s14, $0xb8;
	[tilespmem:$0x1F000] =	vst v63  }
0xb1: {  	s31 =	sadd.s32 $0x4200, s30  }
0xb2: {  	[spmem:s3] =	stream.indirect.scatter.add.f32 [tilespmem:s22], [sflag:$0x4], $0x80, s31, s14, $0xb8;
	[tilespmem:$0x1F000] =	vst v63  }
0xb3: {  	s31 =	sadd.s32 $0x4280, s30  }
0xb4: {  	[spmem:s3] =	stream.indirect.scatter.add.f32 [tilespmem:s23], [sflag:$0x4], $0x80, s31, s14, $0xb8;
	[tilespmem:$0x1F000] =	vst v63  }
0xb5: {  	_ =	swait.ge [sflag:s25], $0x2800  }
0xb6: {  	[sflag:s25] =	ssyncset.done $0x0  }
0xb7: {  	[sflag:s25] =	ssyncadd.s32 $0xFFFFD800  }
0xb8: {  	_ =	swait.ge [sflag:s25], $0x2800  }
0xb9: {  	[sflag:s25] =	ssyncset.done $0x0  }
0xba: {  	[sflag:s25] =	ssyncadd.s32 $0xFFFFD800  }
0xbb: {  	_ =	swait.ge [sflag:s25], $0x2800  }
0xbc: {  	[sflag:s25] =	ssyncset.done $0x0  }
0xbd: {  	s31 =	sadd.s32 $0x300, s30;
	[sflag:s25] =	ssyncadd.s32 $0xFFFFD800  }
0xbe: {  	[tilespmem:s15], [sflag:$0x1] =	stream.indirect.gather [hbm4b:s2+s14], $0x80, s31, s14, $0xb8;
	[tilespmem:$0x1F000] =	vst v63  }
0xbf: {  	s31 =	sadd.s32 $0x380, s30  }
0xc0: {  	[tilespmem:s17], [sflag:$0x1] =	stream.indirect.gather [hbm4b:s2+s14], $0x80, s31, s14, $0xb8;
	[tilespmem:$0x1F000] =	vst v63  }
0xc1: {  	s30 =	sadd.s32 $0x400, s30  }
0xc2: {  	[tilespmem:s19], [sflag:$0x1] =	stream.indirect.gather [hbm4b:s2+s14], $0x80, s30, s14, $0xb8;
	[tilespmem:$0x1F000] =	vst v63  }
0xc3: {  	_ =	swait.ge [sflag:s26], $0x2800  }
0xc4: {  	[sflag:s26] =	ssyncset.done $0x0  }
0xc5: {  	[sflag:s26] =	ssyncadd.s32 $0xFFFFD800  }
.Ltmp1:
0xc6: {  	_ =	swait.ge [sflag:s26], $0x2800;
	(pc) =	sbr.rel @p0 .LBB2_4-.Ltmp1, $4  }
0xc7: {  	[sflag:s26] =	ssyncset.done $0x0  }
0xc8: {  	[sflag:s26] =	ssyncadd.s32 $0xFFFFD800  }
0xc9: {  	_ =	swait.ge [sflag:s26], $0x2800  }
0xca: {  	[sflag:s26] =	ssyncset.done $0x0  }
0xcb: {  	[sflag:s26] =	ssyncadd.s32 $0xFFFFD800  }
0xcc: {  	_ =	swait.ge [sflag:s20], $0x2800  }
0xcd: {  	[sflag:s20] =	ssyncset.done $0x0  }
0xce: {  	[sflag:s20] =	ssyncadd.s32 $0xFFFFD800  }
0xcf: {  	_ =	swait.ge [sflag:s20], $0x2800  }
0xd0: {  	[sflag:s20] =	ssyncset.done $0x0  }
0xd1: {  	[sflag:s20] =	ssyncadd.s32 $0xFFFFD800  }
0xd2: {  	_ =	swait.ge [sflag:s20], $0x2800  }
0xd3: {  	[sflag:s20] =	ssyncset.done $0x0  }
0xd4: {  	s29 =	simm.s32 $0x3D80;
	[sflag:s20] =	ssyncadd.s32 $0xFFFFD800  }
0xd5: {  	[tilespmem:s21], [sflag:$0x2] =	stream.indirect.gather [hbm4b:s2+s14], $0x80, s29, s14, $0xb8;
	[tilespmem:$0x1F000] =	vst v63  }
0xd6: {  	s31 =	simm.s32 $0x3E00  }
0xd7: {  	[tilespmem:s22], [sflag:$0x2] =	stream.indirect.gather [hbm4b:s2+s14], $0x80, s31, s14, $0xb8;
	[tilespmem:$0x1F000] =	vst v63  }
0xd8: {  	s30 =	simm.s32 $0x3E80  }
0xd9: {  	[tilespmem:s23], [sflag:$0x2] =	stream.indirect.gather [hbm4b:s2+s14], $0x80, s30, s14, $0xb8;
	[tilespmem:$0x1F000] =	vst v63  }
0xda: {  	s31 =	simm.s32 $0x7C00  }
0xdb: {  	[spmem:s3] =	stream.indirect.scatter.add.f32 [tilespmem:s15], [sflag:$0x3], $0x80, s31, s14, $0xb8;
	[tilespmem:$0x1F000] =	vst v63  }
0xdc: {  	_ = 	snop  }
0xdd: {  	[spmem:s3] =	stream.indirect.scatter.add.f32 [tilespmem:s17], [sflag:$0x3], $0x80, s1, s14, $0xb8;
	[tilespmem:$0x1F000] =	vst v63  }
0xde: {  	_ = 	snop  }
0xdf: {  	[spmem:s3] =	stream.indirect.scatter.add.f32 [tilespmem:s19], [sflag:$0x3], $0x80, s0, s14, $0xb8;
	[tilespmem:$0x1F000] =	vst v63  }
0xe0: {  	_ =	swait.ge [sflag:s24], $0x2800  }
0xe1: {  	[sflag:s24] =	ssyncset.done $0x0  }
0xe2: {  	[sflag:s24] =	ssyncadd.s32 $0xFFFFD800  }
0xe3: {  	_ =	swait.ge [sflag:s24], $0x2800  }
0xe4: {  	[sflag:s24] =	ssyncset.done $0x0  }
0xe5: {  	[sflag:s24] =	ssyncadd.s32 $0xFFFFD800  }
0xe6: {  	_ =	swait.ge [sflag:s24], $0x2800  }
0xe7: {  	[sflag:s24] =	ssyncset.done $0x0  }
0xe8: {  	[sflag:s24] =	ssyncadd.s32 $0xFFFFD800  }
0xe9: {  	[spmem:s3] =	stream.indirect.scatter.add.f32 [tilespmem:s21], [sflag:$0x4], $0x80, s13, s14, $0xb8;
	[tilespmem:$0x1F000] =	vst v63  }
0xea: {  	_ = 	snop  }
0xeb: {  	[spmem:s3] =	stream.indirect.scatter.add.f32 [tilespmem:s22], [sflag:$0x4], $0x80, s16, s14, $0xb8;
	[tilespmem:$0x1F000] =	vst v63  }
0xec: {  	_ = 	snop  }
0xed: {  	[spmem:s3] =	stream.indirect.scatter.add.f32 [tilespmem:s23], [sflag:$0x4], $0x80, s18, s14, $0xb8;
	[tilespmem:$0x1F000] =	vst v63  }
0xee: {  	_ =	swait.ge [sflag:s25], $0x2800  }
0xef: {  	[sflag:s25] =	ssyncset.done $0x0  }
0xf0: {  	[sflag:s25] =	ssyncadd.s32 $0xFFFFD800  }
0xf1: {  	_ =	swait.ge [sflag:s25], $0x2800  }
0xf2: {  	[sflag:s25] =	ssyncset.done $0x0  }
0xf3: {  	[sflag:s25] =	ssyncadd.s32 $0xFFFFD800  }
0xf4: {  	_ =	swait.ge [sflag:s25], $0x2800  }
0xf5: {  	[sflag:s25] =	ssyncset.done $0x0  }
0xf6: {  	[sflag:s25] =	ssyncadd.s32 $0xFFFFD800  }
0xf7: {  	_ =	swait.ge [sflag:s26], $0x2800  }
0xf8: {  	[sflag:s26] =	ssyncset.done $0x0  }
0xf9: {  	[sflag:s26] =	ssyncadd.s32 $0xFFFFD800  }
0xfa: {  	_ =	swait.ge [sflag:s26], $0x2800  }
0xfb: {  	[sflag:s26] =	ssyncset.done $0x0  }
0xfc: {  	[sflag:s26] =	ssyncadd.s32 $0xFFFFD800  }
0xfd: {  	_ =	swait.ge [sflag:s26], $0x2800  }
0xfe: {  	s28 =	sadd.s32 $0x1, s28;
	[sflag:s26] =	ssyncset.done $0x0  }
0xff: {  	p0 =	sne.s32 s28, s10;
	[sflag:s26] =	ssyncadd.s32 $0xFFFFD800  }
.Ltmp2:
0x100: {  	[bflag:$0x0] =	sbarrier.arrive $0xFFFF;
	(pc) =	sbr.rel @p0 .LBB2_1-.Ltmp2, $4  }
0x101: {  	[hbm:s9], [sflag:s6] =	dma.local [spmem:s11], $0x1000  }
0x102: {  	_ =	swait.ge [sflag:s12], $0x1000  }
0x103: {  	[sflag:s12] =	ssyncset.done $0x0  }
0x104: {  	[sflag:s12] =	ssyncadd.s32 $0xFFFFF000  }
0x105: {  	_ =	sfence.sel $0x180000  }
0x106: {  	[bflag:$0x0] =	sbarrier.arrive $0xFFFF  }
0x107: {  	_ =	strace $0x9000004A  }
0x108: {  	s0 =	stileid.u32;
	[bflag:$0x2] =	sbarrier.arrive $0xFFFF  }
0x109: {  	p0 =	sne.s32 s0, $0x0;
	s0 =	rddreg [dreg:$0x4]  }
0x10a: {  	s0 =	sadd.s32 @!p0 $0x100000, s0  }
0x10b: {  	[sflag:s0] =	ssyncadd.tile.s32 @!p0 $0x1;
	_ =	shalt  }
.Lfunc_end2:
_tile_overlayer_lowered:
.L_overlay_start_2:
0x10c: {  	(tag) =	ssettag $0x2  }
0x10d: {  	s0 =	rddreg [dreg:$0x0];
	s2 =	stileid.u32  }
0x10e: {  	s1 =	rddreg [dreg:$0x1];
	p0 =	sne.s32 s2, $0x0  }
0x10f: {  	s3 =	rddreg [dreg:$0x2];
	[bflag:$0x3] =	sbarrier.arrive $0xFFFF;
	s2 =	simm.s32 @!p0 $0x1C05  }
0x110: {  	[timem:s3], [sflag:s2] =	dma.local @!p0 [hbm:s0], s1  }
0x111: {  	s0 =	simm.s32 @!p0 $0x5  }
0x112: {  	_ =	swait.ge @!p0 [sflag:s0], s1  }
0x113: {  	s1 =	ssub.s32 @!p0 $0x0, s1;
	[sflag:s0] =	ssyncset.done @!p0 $0x0  }
0x114: {  	[sflag:s0] =	ssyncadd.s32 @!p0 s1  }
0x115: {  	[bflag:$0x3] =	sbarrier.arrive $0xFFFF  }
0x116: {  	_ =	shalt  }

// kernel: kernel.7.cloned.1.call-start
scs
__scs_entry_jumppad:
0x0: {  	(pc) =	sbr.rel $0x88, $3  }
0x1: {  	(tag) =	ssettag $0x0;
	lr =	simm.s32 $0x1  }
0x2: {  	[smem:$0x3F84] =	sst lr;
	_ =	strace $0xD0000000  }
0x3: {  	_ = 	snop  }
0x4: {  	_ = 	snop  }
0x5: {  	_ = 	snop  }
0x6: {  	_ = 	snop  }
0x7: {  	_ = 	snop  }
__scs_overlays_trampoline_lowered:
0x8: {  	[smem:$0x3F93] =	sst s0  }
0x9: {  	[smem:$0x3F94] =	sst s1  }
0xa: {  	[smem:$0x3F95] =	sst s2  }
0xb: {  	[smem:$0x3F96] =	sst s3  }
0xc: {  	[smem:$0x3F97] =	sst s4  }
0xd: {  	[smem:$0x3F98] =	sst s5  }
0xe: {  	[smem:$0x3F99] =	sst s6  }
0xf: {  	[smem:$0x3F9A] =	sst s7  }
0x10: {  	[smem:$0x3F9B] =	sst s8  }
0x11: {  	[smem:$0x3F9C] =	sst s9;
	s0 =	simm.s32 @!p0 $0x0  }
0x12: {  	s1 =	sld [smem:$0x3F82];
	s0 =	simm.s32 @p0 $0x1  }
0x13: {  	[smem:$0x3F9D] =	sst s0;
	s0 =	simm.s32 @!p1 $0x0  }
0x14: {  	s2 =	sld [smem:$0x3F81];
	s0 =	simm.s32 @p1 $0x1  }
0x15: {  	[smem:$0x3F9E] =	sst s0;
	s0 =	simm.s32 @!p2 $0x0  }
0x16: {  	s3 =	sld [smem:$0x3FDB];
	s0 =	simm.s32 @p2 $0x1  }
0x17: {  	s4 =	simm.s32 $0x1BF5;
	[smem:$0x3FA0] =	sst s0  }
0x18: {  	s0 =	sld [smem:$0x3F83];
	_ =	swait.ge [sflag:s4], $0x0  }
0x19: {  	s7 =	sld [smem:$0x3F84]  }
0x1a: {  	s8 =	sadd.s32 $0xFFFFE003, lr  }
0x1b: {  	s9 =	sadd.s32 $0xFFFFFEF7, lr;
	s5 =	simm.s32 $0xFFFFFFFF;
	p2 =	slt.u32 s8, $0xFFFFF086  }
0x1c: {  	p1 =	slt.u32 s9, $0xF7A;
	s5 =	simm.s32 @!p2 $0x0  }
0x1d: {  	s5 =	simm.s32 @p1 $0x1;
	p0 =	seq.s32 s7, s2  }
0x1e: {  	s7 =	smul.u32 @!p0 $0xF7A, s2;
	p2 =	seq.s32 @!p0 s5, $0x0  }
0x1f: {  	s9 =	smul.u32 $0xF7A, s1;
	s8 =	simm.s32 @!p0 $0x1BF5;
	p2 =	por !p2, p0  }
0x20: {  	[sflag:s8] =	ssyncset.s32 @!p0 $0xFFFFF086;
	s6 =	sadd.s32 @!p0 s3, s7;
	s7 =	simm.s32 @!p0 $0x108  }
0x21: {  	s3 =	sadd.s32 s3, s9;
	s6 =	sadd.s32 @!p0 $0x88, s6;
	s7 =	simm.s32 @p2 $0x1082  }
0x22: {  	[simem:s7], [sflag:s8] =	dma.local @!p0 [hbm:s6], $0xF7A  }
0x23: {  	s9 =	sor.u32 $0xD0000000, s2;
	s6 =	simm.s32 $0x108;
	_ =	swait.ge @!p0 [sflag:s8], $0x0  }
0x24: {  	s3 =	sadd.s32 $0x88, s3;
	s6 =	simm.s32 @!p1 $0x1082;
	[sflag:s4] =	ssyncset.s32 $0xFFFFF086  }
0x25: {  	[simem:s6], [sflag:s4] =	dma.local [hbm:s3], $0xF7A  }
0x26: {  	[smem:$0x3F84] =	sst s1;
	(tag) =	ssettag s2;
	_ =	strace s9  }
0x27: {  	s1 =	sld [smem:$0x3F94]  }
0x28: {  	s2 =	sld [smem:$0x3F95]  }
0x29: {  	s4 =	sld [smem:$0x3F97]  }
0x2a: {  	p0 =	seq.s32 s5, $0x0;
	s5 =	sld [smem:$0x3F98]  }
0x2b: {  	s6 =	sld [smem:$0x3F99]  }
0x2c: {  	s7 =	sld [smem:$0x3F9A]  }
0x2d: {  	s3 =	simm.s32 $0x108;
	s8 =	sld [smem:$0x3F9B]  }
0x2e: {  	s3 =	simm.s32 @!p0 $0x1082;
	s9 =	sld [smem:$0x3F9C]  }
0x2f: {  	lr =	sadd.s32 s0, s3;
	s0 =	sld [smem:$0x3F93]  }
0x30: {  	s3 =	sld [smem:$0x3F96]  }
0x31: {  	[smem:$0x3F9F] =	sst s10  }
0x32: {  	s10 =	sld [smem:$0x3F9D];
	_ =	sdelay $0x3  }
0x33: {  	p0 =	seq.s32 s10, $0x1;
	s10 =	sld [smem:$0x3F9F];
	_ =	sdelay $0x3  }
0x34: {  	[smem:$0x3F9F] =	sst s10  }
0x35: {  	s10 =	sld [smem:$0x3F9E];
	_ =	sdelay $0x3  }
0x36: {  	p1 =	seq.s32 s10, $0x1;
	s10 =	sld [smem:$0x3F9F];
	_ =	sdelay $0x3  }
0x37: {  	[smem:$0x3F9F] =	sst s10  }
0x38: {  	s10 =	sld [smem:$0x3FA0]  }
0x39: {  	_ = 	snop;
	(pc) =	sbr.ind lr, $3  }
0x3a: {  	_ = 	snop  }
0x3b: {  	_ = 	snop  }
0x3c: {  	p2 =	seq.s32 s10, $0x1;
	s10 =	sld [smem:$0x3F9F]  }
0x3d: {  	_ =	shalt  }
0x3e: {  	_ =	shalt  }
0x3f: {  	_ =	shalt  }
0x40: {  	_ =	shalt  }
0x41: {  	_ =	shalt  }
0x42: {  	_ =	shalt  }
0x43: {  	_ =	shalt  }
0x44: {  	_ =	shalt  }
0x45: {  	_ =	shalt  }
0x46: {  	_ =	shalt  }
0x47: {  	_ =	shalt  }
0x48: {  	_ =	shalt  }
0x49: {  	_ =	shalt  }
0x4a: {  	_ =	shalt  }
0x4b: {  	_ =	shalt  }
0x4c: {  	_ =	shalt  }
0x4d: {  	_ =	shalt  }
0x4e: {  	_ =	shalt  }
0x4f: {  	_ =	shalt  }
0x50: {  	_ =	shalt  }
0x51: {  	_ =	shalt  }
0x52: {  	_ =	shalt  }
0x53: {  	_ =	shalt  }
0x54: {  	_ =	shalt  }
0x55: {  	_ =	shalt  }
0x56: {  	_ =	shalt  }
0x57: {  	_ =	shalt  }
0x58: {  	_ =	shalt  }
0x59: {  	_ =	shalt  }
0x5a: {  	_ =	shalt  }
0x5b: {  	_ =	shalt  }
0x5c: {  	_ =	shalt  }
0x5d: {  	_ =	shalt  }
0x5e: {  	_ =	shalt  }
0x5f: {  	_ =	shalt  }
0x60: {  	_ =	shalt  }
0x61: {  	_ =	shalt  }
0x62: {  	_ =	shalt  }
0x63: {  	_ =	shalt  }
0x64: {  	_ =	shalt  }
0x65: {  	_ =	shalt  }
0x66: {  	_ =	shalt  }
0x67: {  	_ =	shalt  }
0x68: {  	_ =	shalt  }
0x69: {  	_ =	shalt  }
0x6a: {  	_ =	shalt  }
0x6b: {  	_ =	shalt  }
0x6c: {  	_ =	shalt  }
0x6d: {  	_ =	shalt  }
0x6e: {  	_ =	shalt  }
0x6f: {  	_ =	shalt  }
0x70: {  	_ =	shalt  }
0x71: {  	_ =	shalt  }
0x72: {  	_ =	shalt  }
0x73: {  	_ =	shalt  }
0x74: {  	_ =	shalt  }
0x75: {  	_ =	shalt  }
0x76: {  	_ =	shalt  }
0x77: {  	_ =	shalt  }
0x78: {  	_ =	shalt  }
0x79: {  	_ =	shalt  }
0x7a: {  	_ =	shalt  }
0x7b: {  	_ =	shalt  }
0x7c: {  	_ =	shalt  }
0x7d: {  	_ =	shalt  }
0x7e: {  	_ =	shalt  }
0x7f: {  	_ =	shalt  }
0x80: {  	_ =	shalt  }
0x81: {  	_ =	shalt  }
0x82: {  	_ =	shalt  }
0x83: {  	_ =	shalt  }
0x84: {  	_ =	shalt  }
0x85: {  	_ =	shalt  }
0x86: {  	_ =	shalt  }
0x87: {  	_ =	shalt  }
.Lfunc_end0:
.L_simem_size_0:
called_computation_lowered:
.L_overlay_start_0:
0x88: {  	s2 =	sld [smem:$0x3FD9]  }
0x89: {  	s3 =	sld [smem:$0x3FFE];
	_ =	sdelay $0x1  }
0x8a: {  	s1 =	srdreg.scid  }
0x8b: {  	s0 =	sand.u32 $0x1, s1  }
0x8c: {  	s14 =	sshll.u32 s0, $0xA;
	s2 =	sadd.s32 s3, s2  }
0x8d: {  	s2 =	sadd.s32 s2, s14  }
0x8e: {  	[smem:$0x3FAB] =	sst s2  }
0x8f: {  	_ = 	snop  }
0x90: {  	s2 =	sld [smem:$0x3FD0];
	_ =	sdelay $0x2  }
0x91: {  	s15 =	simm.s32 $0xA;
	s4 =	simm.s32 $0x10  }
0x92: {  	[smem:s4], [sflag:s15] =	dma.local [hbm:s2], $0x1  }
0x93: {  	_ =	swait.eq [sflag:s15], $0x1  }
0x94: {  	[sflag:s15] =	ssyncset.done $0x0  }
0x95: {  	s16 =	sld [smem:$0x10];
	[sflag:s15] =	ssyncadd.s32 $0xFFFFFFFF  }
0x96: {  	s17 =	sld [smem:$0x11];
	(tm) =	ssettm $0x1  }
0x97: {  	s18 =	sld [smem:$0x3FFB];
	_ =	sdelay $0x3  }
0x98: {  	_ =	strace s18  }
0x99: {  	s4 =	sld [smem:$0x3FFC];
	_ =	sdelay $0x3  }
0x9a: {  	_ =	strace s4  }
0x9b: {  	s4 =	sld [smem:$0x3FFD];
	_ =	sdelay $0x3  }
0x9c: {  	_ =	strace s4  }
0x9d: {  	_ =	strace $0x8FFFFFFF  }
0x9e: {  	s19 =	sld [smem:$0x3FDB];
	_ =	sdelay $0x1  }
0x9f: {  	s5 =	simm.s32 $_scs_section_size  }
0xa0: {  	s6 =	simm.s32 $_size__tile_overlayer_lowered;
	s7 =	simm.s32 $_tile_overlayer_lowered  }
0xa1: {  	s22 =	simm.s32 $0x1BFF;
	s21 =	sshll.u32 s7, $0x1;
	s4 =	sadd.s32 s5, s19  }
0xa2: {  	s8 =	simm.s32 $0x0;
	s20 =	sshll.u32 s6, $0x1;
	s6 =	sadd.s32 s21, s4  }
0xa3: {  	[timem:s8], [sflag:s22] =	dma.local [hbm:s6], s20  }
0xa4: {  	_ =	swait.ge [sflag:s22], s20  }
0xa5: {  	s5 =	ssub.s32 $0x0, s20;
	[sflag:s22] =	ssyncset.done $0x0  }
0xa6: {  	[sflag:s22] =	ssyncadd.s32 s5;
	_ =	sdelay $0x1  }
0xa7: {  	s23 =	simm.s32 $0x1B8B  }
0xa8: {  	_ =	swait.ge [sflag:s23], $0x1  }
0xa9: {  	[sflag:s23] =	ssyncset.done $0x0  }
0xaa: {  	s25 =	simm.s32 $0x1B8E;
	s24 =	sld [smem:$0x3FFE];
	[sflag:s23] =	ssyncadd.s32 $0xFFFFFFFF  }
0xab: {  	s26 =	simm.s32 $execute0_lowered;
	[smem:$0x3FD2] =	sst s25  }
0xac: {  	s6 =	sshll.u32 s26, $0x1;
	_ =	strace $0x80000046;
	[dreg:$0x1] =	wrdreg $0xFFFFFFFF  }
0xad: {  	s28 =	simm.s32 $_size_execute0_lowered;
	s4 =	sadd.s32 s4, s6;
	[dreg:$0x0] =	wrdreg $0x0  }
0xae: {  	s6 =	sshll.u32 s28, $0x1;
	[dreg:$0x2] =	wrdreg s4  }
0xaf: {  	[dreg:$0x3] =	wrdreg s6  }
0xb0: {  	[dreg:$0x4] =	wrdreg $0xC0  }
0xb1: {  	_ =	task [dreg:s8], $0x5FFFF  }
0xb2: {  	[dreg:$0x1] =	wrdreg $0xFFFFFFFF  }
0xb3: {  	[dreg:$0x0] =	wrdreg $0x60  }
0xb4: {  	[dreg:$0x2] =	wrdreg s16  }
0xb5: {  	[dreg:$0x3] =	wrdreg s24  }
0xb6: {  	[dreg:$0x4] =	wrdreg s17  }
0xb7: {  	[dreg:$0x5] =	wrdreg $0x170000  }
0xb8: {  	[dreg:$0x6] =	wrdreg $0x9  }
0xb9: {  	_ =	task.clear_ibuf [dreg:s8], $0x7FFFF;
	_ =	strace $0x90000046  }
0xba: {  	s29 =	simm.s32 $0x9;
	_ =	strace $0x80000048  }
0xbb: {  	_ =	swait.ge [sflag:s29], $0x1  }
0xbc: {  	[sflag:s29] =	ssyncadd.s32 $0xFFFFFFFF  }
0xbd: {  	_ =	strace $0x90000048  }
0xbe: {  	_ =	sfence  }
0xbf: {  	s30 =	sld [smem:$0x0];
	_ =	sdelay $0x2  }
0xc0: {  	s31 =	sshll.u32 s1, $0xD;
	s1 =	sshrl.u32 s1, $0x2  }
0xc1: {  	s3 =	sand.u32 $0x4000, s31;
	s1 =	sadd.s32 s1, s30  }
0xc2: {  	s0 =	sor.u32 s3, s0;
	s1 =	sshll.u32 s1, $0x11  }
0xc3: {  	s0 =	sor.u32 s1, s0  }
0xc4: {  	s0 =	sadd.s32 $0x8F2B, s0  }
0xc5: {  	[sflag:s0] =	ssyncadd.remote.s32 $0x1  }
0xc6: {  	_ =	sfence.sel $0xFFFF  }
0xc7: {  	[dreg:$0x0] =	wrdreg $0xFFFFFFFF;
	(pc) =	sbr.abs _section_cstart, $3  }
0xc8: {  	[dreg:$0x1] =	wrdreg $0xFFFFFFFF  }
0xc9: {  	_ =	task.clear_ibuf [dreg:s8], $0x2FFFF;
	_ =	strace $0x9FFFFFFF  }
0xca: {  	(tm) =	ssettm $0x7FFFFFFF  }
0xcb: {  	_ =	shalt  }
tec
execute0_lowered:
.L_overlay_start_1:
0x0: {  	(tag) =	ssettag $0x1  }
0x1: {  	s0 =	rddreg [dreg:$0x0]  }
0x2: {  	s2 =	rddreg [dreg:$0x1]  }
0x3: {  	s1 =	rddreg [dreg:$0x2]  }
0x4: {  	s3 =	rddreg [dreg:$0x3]  }
0x5: {  	s5 =	srdreg.scid;
	s4 =	simm.s32 $0x0;
	s12 =	stileid.u32  }
0x6: {  	s14 =	simm.s32 $0x50;
	s15 =	simm.s32 $0x8000;
	s17 =	simm.s32 $0xA800  }
0x7: {  	s19 =	simm.s32 $0xD000;
	s20 =	simm.s32 $0x1;
	s21 =	simm.s32 $0xF800  }
0x8: {  	s22 =	simm.s32 $0x12000;
	s23 =	simm.s32 $0x14800;
	s24 =	simm.s32 $0x2  }
0x9: {  	s16 =	simm.s32 $0x7E00;
	s18 =	simm.s32 $0x7E80;
	s28 =	simm.s32 $0x0  }
0xa: {  	s6 =	sand.u32 $0x1, s5;
	[smem:$0x7FF] =	sst s4;
	s25 =	sshll.u32 s12, $0xC  }
0xb: {  	s10 =	sshll.u32 s12, $0xB;
	s5 =	sadd.s32 $0x14400, s2;
	s29 =	sshll.u32 s12, $0xE  }
0xc: {  	s30 =	sshll.u32 s12, $0x6;
	s12 =	simm.s32 $0x5;
	s7 =	sshll.u32 s6, $0xB  }
0xd: {  	_ =	strace $0x80000047;
	s8 =	ssub.s32 $0x2, s6;
	s31 =	sshll.u32 s6, $0xF  }
0xe: {  	s13 =	sadd.s32 s29, s3;
	s6 =	sor.u32 $0x1C05, s30;
	s7 =	sor.u32 s7, s25  }
0xf: {  	s11 =	sshrl.u32 s8, $0x1;
	s25 =	simm.s32 $0x3;
	s9 =	sadd.s32 s7, s2  }
0x10: {  	s2 =	sadd.s32 s10, s2;
	s26 =	ssub.s32 s8, s11;
	s7 =	sadd.s32 s0, s7  }
0x11: {  	s11 =	sshrl.u32 s13, $0x3;
	s0 =	simm.s32 $0x7C80;
	s13 =	simm.s32 $0x7D80  }
0x12: {  	s2 =	sadd.s32 s31, s2;
	s8 =	sadd.s32 $0x4400, s9;
	s10 =	smax.u32 s26, $0x1  }
0x13: {  	s26 =	simm.s32 $0x4;
	s9 =	sadd.s32 $0x15400, s2;
	s2 =	simm.s32 $0x7D00  }
.LBB2_1:
0x14: {  	[spmem:s11], [sflag:s6] =	dma.local [hbm:s5], $0x800  }
0x15: {  	_ =	swait.ge [sflag:s12], $0x800  }
0x16: {  	[sflag:s12] =	ssyncset.done $0x0  }
0x17: {  	[sflag:s12] =	ssyncadd.s32 $0xFFFFF800  }
0x18: {  	[tilespmem:s4], [sflag:$0x5] =	stream.linear.gather [hbm4b:s7+s4], $0x3F00, $0x38;
	[tilespmem:$0x1B000] =	vst v63  }
0x19: {  	_ =	swait.ge [sflag:s12], $0x3F00  }
0x1a: {  	[sflag:s12] =	ssyncset.done $0x0  }
0x1b: {  	s29 =	simm.s32 $0x4000;
	[sflag:s12] =	ssyncadd.s32 $0xFFFFC100  }
0x1c: {  	[tilespmem:s29], [sflag:$0x5] =	stream.linear.gather [hbm4b:s8+s4], $0x3F00, $0x38;
	[tilespmem:$0x1B000] =	vst v63  }
0x1d: {  	_ =	swait.ge [sflag:s12], $0x3F00  }
0x1e: {  	[sflag:s12] =	ssyncset.done $0x0  }
0x1f: {  	s29 =	simm.s32 $0x0;
	[sflag:s12] =	ssyncadd.s32 $0xFFFFC100  }
0x20: {  	v5 =	vld [tilespmem:s29+$0x30]  }
0x21: {  	v0 =	vld [tilespmem:s29+$0x4040]  }
0x22: {  	v2 =	vld [tilespmem:s29+$0x40]  }
0x23: {  	v1 =	vld [tilespmem:s29+$0x4030]  }
0x24: {  	v3 =	vld [tilespmem:s29+$0x20];
	_ =	sdelay $0x1  }
0x25: {  	v6 =	vld [tilespmem:s29+$0x4020];
	v8 =	vand.u32 $0xFFF, v5;
	v10 =	vand.u32 $0x1F, v0  }
0x26: {  	v4 =	vld [tilespmem:s29+$0x4000];
	vm0 =	vlt.s32 v2, $0x1F40;
	v7 =	vand.u32 $0xFFF, v2;
	vm1 =	vlt.s32 v5, $0x1F40  }
0x27: {  	v9 =	vadd.s32 $0xFFFFE0C0, v0;
	vm2 =	vgt.s32 v0, $0x1F3F;
	vm3 =	vgt.s32 v1, $0x1F3F  }
0x28: {  	v12 =	vand.u32 $0x1F, v1;
	v11 =	vadd.s32 $0xFFFFE0C0, v1;
	v13 =	vand.u32 $0xFFF, v3  }
0x29: {  	v0 =	vld [tilespmem:s29+$0x0];
	v10 =	vadd.s32 $0x7D0, v10;
	vm0 =	vmand vm0, vm2;
	vm1 =	vmand vm1, vm3  }
0x2a: {  	v1 =	vld [tilespmem:s29+$0x10];
	v12 =	vadd.s32 $0x7D0, v12;
	vm2 =	vgt.s32 v6, $0x1F3F;
	vm3 =	vlt.s32 v3, $0x1F40  }
0x2b: {  	s30 =	simm.s32 $0x200;
	v14 =	vsel vm1, v5, v8;
	v5 =	vadd.s32 $0xFFFFE0C0, v4;
	v8 =	vld [tilespmem:s29+$0x4010];
	vm2 =	vmand vm3, vm2  }
.LBB2_2:
0x2c: {  	s31 =	sshra.s32 s30, $0x2;
	p0 =	sne.s32 s30, $0xFA00;
	s30 =	sadd.s32 $0x200, s30;
	v15 =	vand.u32 $0x1F, v6;
	v11 =	vsel vm1, v11, v12;
	[tilespmem:s29+$0x30] =	vst v14;
	v9 =	vsel vm0, v9, v10  }
0x2d: {  	v6 =	vadd.s32 $0xFFFFE0C0, v6;
	v2 =	vsel vm0, v2, v7;
	v14 =	vld [tilespmem:s31+$0x30];
	v10 =	vadd.s32 $0x7D0, v15;
	[tilespmem:s29+$0x4040] =	vst v9  }
0x2e: {  	v3 =	vsel vm2, v3, v13;
	v12 =	vld [tilespmem:s31+$0x4040];
	vm0 =	vlt.s32 v0, $0x1F40;
	v6 =	vsel vm2, v6, v10;
	[tilespmem:s29+$0x40] =	vst v2  }
0x2f: {  	vm1 =	vgt.s32 v4, $0x1F3F;
	v2 =	vld [tilespmem:s31+$0x40];
	vm2 =	vlt.s32 v1, $0x1F40;
	v13 =	vand.u32 $0xFFF, v1;
	[tilespmem:s29+$0x20] =	vst v3  }
0x30: {  	v3 =	vand.u32 $0x1F, v4;
	v4 =	vadd.s32 $0xFFFFE0C0, v8;
	v7 =	vand.u32 $0x1F, v8;
	[tilespmem:s29+$0x4030] =	vst v11  }
0x31: {  	v9 =	vadd.s32 $0x7D0, v3;
	vm3 =	vgt.s32 v8, $0x1F3F;
	v11 =	vld [tilespmem:s31+$0x4030];
	v8 =	vadd.s32 $0x7D0, v7;
	[tilespmem:s29+$0x4020] =	vst v6  }
0x32: {  	v15 =	vand.u32 $0xFFF, v0;
	vm0 =	vmand vm0, vm1;
	vm1 =	vmand vm2, vm3  }
0x33: {  	v5 =	vsel vm0, v5, v9;
	v16 =	vand.u32 $0xFFF, v14;
	v3 =	vld [tilespmem:s31+$0x20];
	v10 =	vand.u32 $0x1F, v12  }
0x34: {  	v6 =	vld [tilespmem:s31+$0x4020];
	vm2 =	vlt.s32 v2, $0x1F40;
	v7 =	vand.u32 $0xFFF, v2;
	[tilespmem:s29+$0x4000] =	vst v5;
	v5 =	vsel vm1, v4, v8  }
0x35: {  	vm3 =	vlt.s32 v14, $0x1F40;
	v9 =	vadd.s32 $0xFFFFE0C0, v12;
	v10 =	vadd.s32 $0x7D0, v10;
	v4 =	vld [tilespmem:s31+$0x4000];
	[tilespmem:s29+$0x4010] =	vst v5  }
.Ltmp0:
0x36: {  	v0 =	vsel vm0, v0, v15;
	vm5 =	vgt.s32 v12, $0x1F3F;
	vm4 =	vgt.s32 v11, $0x1F3F;
	(pc) =	sbr.rel @p0 .LBB2_2-.Ltmp0, $4  }
0x37: {  	v1 =	vsel vm1, v1, v13;
	vm0 =	vmand vm2, vm5;
	v5 =	vand.u32 $0x1F, v11;
	[tilespmem:s29+$0x0] =	vst v0  }
0x38: {  	v11 =	vadd.s32 $0xFFFFE0C0, v11;
	vm1 =	vmand vm3, vm4;
	v12 =	vadd.s32 $0x7D0, v5;
	v0 =	vld [tilespmem:s31+$0x0];
	[tilespmem:s29+$0x10] =	vst v1;
	s29 =	smov.u32 s31  }
0x39: {  	vm3 =	vlt.s32 v3, $0x1F40;
	v14 =	vsel vm1, v14, v16;
	v1 =	vld [tilespmem:s29+$0x10];
	vm2 =	vgt.s32 v6, $0x1F3F  }
0x3a: {  	v13 =	vand.u32 $0xFFF, v3;
	v5 =	vadd.s32 $0xFFFFE0C0, v4;
	v8 =	vld [tilespmem:s29+$0x4010];
	vm2 =	vmand vm3, vm2  }
0x3b: {  	v15 =	vand.u32 $0x1F, v6  }
0x3c: {  	v11 =	vsel vm1, v11, v12;
	[tilespmem:s29+$0x30] =	vst v14;
	v9 =	vsel vm0, v9, v10;
	v55 =	vadd.s32 $0xFFFFE0C0, v6  }
0x3d: {  	v2 =	vsel vm0, v2, v7;
	v3 =	vsel vm2, v3, v13;
	v57 =	vand.u32 $0x1F, v4;
	[tilespmem:s29+$0x4040] =	vst v9  }
0x3e: {  	vm13 =	vgt.s32 v4, $0x1F3F;
	v56 =	vadd.s32 $0x7D0, v15;
	[tilespmem:s29+$0x40] =	vst v2;
	v2 =	vadd.s32 $0x7D0, v57  }
0x3f: {  	[tilespmem:s29+$0x20] =	vst v3;
	vm12 =	vlt.s32 v0, $0x1F40;
	v6 =	vsel vm2, v55, v56;
	v60 =	vand.u32 $0xFFF, v0  }
0x40: {  	[tilespmem:s29+$0x4030] =	vst v11;
	vm14 =	vlt.s32 v1, $0x1F40;
	vm0 =	vmand vm12, vm13;
	v58 =	vadd.s32 $0xFFFFE0C0, v8  }
0x41: {  	[tilespmem:s29+$0x4020] =	vst v6;
	v59 =	vand.u32 $0x1F, v8;
	vm3 =	vgt.s32 v8, $0x1F3F;
	v2 =	vsel vm0, v5, v2  }
0x42: {  	v0 =	vsel vm0, v0, v60;
	v4 =	vadd.s32 $0x7D0, v59;
	vm15 =	vmand vm14, vm3;
	[tilespmem:s29+$0x4000] =	vst v2  }
0x43: {  	v62 =	vand.u32 $0xFFF, v1;
	[tilespmem:s29+$0x0] =	vst v0;
	v61 =	vsel vm15, v58, v4  }
0x44: {  	v63 =	vsel vm15, v1, v62;
	[tilespmem:s29+$0x4010] =	vst v61  }
0x45: {  	[tilespmem:s29+$0x10] =	vst v63  }
0x46: {  	s29 =	simm.s32 $0x0;
	[bflag:$0x0] =	sbarrier.arrive $0xFFFF  }
0x47: {  	[tilespmem:s15], [sflag:$0x1] =	stream.indirect.gather [hbm4b:s1+s14], $0x80, s29, s14, $0xb8;
	[tilespmem:$0x1B000] =	vst v63  }
0x48: {  	s29 =	simm.s32 $0x80  }
0x49: {  	[tilespmem:s17], [sflag:$0x1] =	stream.indirect.gather [hbm4b:s1+s14], $0x80, s29, s14, $0xb8;
	[tilespmem:$0x1B000] =	vst v63  }
0x4a: {  	s29 =	simm.s32 $0x100  }
0x4b: {  	[tilespmem:s19], [sflag:$0x1] =	stream.indirect.gather [hbm4b:s1+s14], $0x80, s29, s14, $0xb8;
	[tilespmem:$0x1B000] =	vst v63  }
0x4c: {  	_ =	swait.ge [sflag:s20], $0x2800  }
0x4d: {  	[sflag:s20] =	ssyncset.done $0x0  }
0x4e: {  	[sflag:s20] =	ssyncadd.s32 $0xFFFFD800  }
0x4f: {  	_ =	swait.ge [sflag:s20], $0x2800  }
0x50: {  	[sflag:s20] =	ssyncset.done $0x0  }
0x51: {  	[sflag:s20] =	ssyncadd.s32 $0xFFFFD800  }
0x52: {  	_ =	swait.ge [sflag:s20], $0x2800  }
0x53: {  	[sflag:s20] =	ssyncset.done $0x0  }
0x54: {  	s29 =	simm.s32 $0x180;
	[sflag:s20] =	ssyncadd.s32 $0xFFFFD800  }
0x55: {  	[tilespmem:s21], [sflag:$0x2] =	stream.indirect.gather [hbm4b:s1+s14], $0x80, s29, s14, $0xb8;
	[tilespmem:$0x1B000] =	vst v63  }
0x56: {  	s29 =	simm.s32 $0x200  }
0x57: {  	[tilespmem:s22], [sflag:$0x2] =	stream.indirect.gather [hbm4b:s1+s14], $0x80, s29, s14, $0xb8;
	[tilespmem:$0x1B000] =	vst v63  }
0x58: {  	s29 =	simm.s32 $0x280  }
0x59: {  	[tilespmem:s23], [sflag:$0x2] =	stream.indirect.gather [hbm4b:s1+s14], $0x80, s29, s14, $0xb8;
	[tilespmem:$0x1B000] =	vst v63  }
0x5a: {  	s29 =	simm.s32 $0x4000  }
0x5b: {  	[spmem:s3] =	stream.indirect.scatter.add.f32 [tilespmem:s15], [sflag:$0x3], $0x80, s29, s14, $0xb8;
	[tilespmem:$0x1B000] =	vst v63  }
0x5c: {  	s29 =	simm.s32 $0x4080  }
0x5d: {  	[spmem:s3] =	stream.indirect.scatter.add.f32 [tilespmem:s17], [sflag:$0x3], $0x80, s29, s14, $0xb8;
	[tilespmem:$0x1B000] =	vst v63  }
0x5e: {  	s29 =	simm.s32 $0x4100  }
0x5f: {  	[spmem:s3] =	stream.indirect.scatter.add.f32 [tilespmem:s19], [sflag:$0x3], $0x80, s29, s14, $0xb8;
	[tilespmem:$0x1B000] =	vst v63  }
0x60: {  	_ =	swait.ge [sflag:s24], $0x2800  }
0x61: {  	[sflag:s24] =	ssyncset.done $0x0  }
0x62: {  	[sflag:s24] =	ssyncadd.s32 $0xFFFFD800  }
0x63: {  	_ =	swait.ge [sflag:s24], $0x2800  }
0x64: {  	[sflag:s24] =	ssyncset.done $0x0  }
0x65: {  	[sflag:s24] =	ssyncadd.s32 $0xFFFFD800  }
0x66: {  	_ =	swait.ge [sflag:s24], $0x2800  }
0x67: {  	[sflag:s24] =	ssyncset.done $0x0  }
0x68: {  	s29 =	simm.s32 $0x4180;
	[sflag:s24] =	ssyncadd.s32 $0xFFFFD800  }
0x69: {  	[spmem:s3] =	stream.indirect.scatter.add.f32 [tilespmem:s21], [sflag:$0x4], $0x80, s29, s14, $0xb8;
	[tilespmem:$0x1B000] =	vst v63  }
0x6a: {  	s29 =	simm.s32 $0x4200  }
0x6b: {  	[spmem:s3] =	stream.indirect.scatter.add.f32 [tilespmem:s22], [sflag:$0x4], $0x80, s29, s14, $0xb8;
	[tilespmem:$0x1B000] =	vst v63  }
0x6c: {  	s29 =	simm.s32 $0x4280  }
0x6d: {  	[spmem:s3] =	stream.indirect.scatter.add.f32 [tilespmem:s23], [sflag:$0x4], $0x80, s29, s14, $0xb8;
	[tilespmem:$0x1B000] =	vst v63  }
0x6e: {  	_ =	swait.ge [sflag:s25], $0x2800  }
0x6f: {  	[sflag:s25] =	ssyncset.done $0x0  }
0x70: {  	[sflag:s25] =	ssyncadd.s32 $0xFFFFD800  }
0x71: {  	_ =	swait.ge [sflag:s25], $0x2800  }
0x72: {  	[sflag:s25] =	ssyncset.done $0x0  }
0x73: {  	[sflag:s25] =	ssyncadd.s32 $0xFFFFD800  }
0x74: {  	_ =	swait.ge [sflag:s25], $0x2800  }
0x75: {  	[sflag:s25] =	ssyncset.done $0x0  }
0x76: {  	s29 =	simm.s32 $0x300;
	[sflag:s25] =	ssyncadd.s32 $0xFFFFD800  }
0x77: {  	[tilespmem:s15], [sflag:$0x1] =	stream.indirect.gather [hbm4b:s1+s14], $0x80, s29, s14, $0xb8;
	[tilespmem:$0x1B000] =	vst v63  }
0x78: {  	s29 =	simm.s32 $0x380  }
0x79: {  	[tilespmem:s17], [sflag:$0x1] =	stream.indirect.gather [hbm4b:s1+s14], $0x80, s29, s14, $0xb8;
	[tilespmem:$0x1B000] =	vst v63  }
0x7a: {  	s29 =	simm.s32 $0x400  }
0x7b: {  	[tilespmem:s19], [sflag:$0x1] =	stream.indirect.gather [hbm4b:s1+s14], $0x80, s29, s14, $0xb8;
	[tilespmem:$0x1B000] =	vst v63  }
0x7c: {  	_ =	swait.ge [sflag:s26], $0x2800  }
0x7d: {  	[sflag:s26] =	ssyncset.done $0x0  }
0x7e: {  	[sflag:s26] =	ssyncadd.s32 $0xFFFFD800  }
0x7f: {  	_ =	swait.ge [sflag:s26], $0x2800  }
0x80: {  	[sflag:s26] =	ssyncset.done $0x0  }
0x81: {  	[sflag:s26] =	ssyncadd.s32 $0xFFFFD800  }
0x82: {  	_ =	swait.ge [sflag:s26], $0x2800  }
0x83: {  	s29 =	simm.s32 $0xC00;
	[sflag:s26] =	ssyncset.done $0x0  }
.LBB2_4:
0x84: {  	p0 =	sne.s32 s29, $0xE400  }
0x85: {  	[sflag:s26] =	ssyncadd.s32 $0xFFFFD800;
	s30 =	smov.u32 s29;
	s29 =	sadd.s32 $0xC00, s29  }
0x86: {  	_ =	swait.ge [sflag:s20], $0x2800  }
0x87: {  	[sflag:s20] =	ssyncset.done $0x0  }
0x88: {  	[sflag:s20] =	ssyncadd.s32 $0xFFFFD800  }
0x89: {  	_ =	swait.ge [sflag:s20], $0x2800  }
0x8a: {  	[sflag:s20] =	ssyncset.done $0x0  }
0x8b: {  	[sflag:s20] =	ssyncadd.s32 $0xFFFFD800  }
0x8c: {  	_ =	swait.ge [sflag:s20], $0x2800  }
0x8d: {  	s30 =	sshra.s32 s30, $0x2;
	[sflag:s20] =	ssyncset.done $0x0  }
0x8e: {  	s31 =	sadd.s32 $0x180, s30;
	[sflag:s20] =	ssyncadd.s32 $0xFFFFD800  }
0x8f: {  	[tilespmem:s21], [sflag:$0x2] =	stream.indirect.gather [hbm4b:s1+s14], $0x80, s31, s14, $0xb8;
	[tilespmem:$0x1B000] =	vst v63  }
0x90: {  	s31 =	sadd.s32 $0x200, s30  }
0x91: {  	[tilespmem:s22], [sflag:$0x2] =	stream.indirect.gather [hbm4b:s1+s14], $0x80, s31, s14, $0xb8;
	[tilespmem:$0x1B000] =	vst v63  }
0x92: {  	s31 =	sadd.s32 $0x280, s30  }
0x93: {  	[tilespmem:s23], [sflag:$0x2] =	stream.indirect.gather [hbm4b:s1+s14], $0x80, s31, s14, $0xb8;
	[tilespmem:$0x1B000] =	vst v63  }
0x94: {  	s31 =	sadd.s32 $0x4000, s30  }
0x95: {  	[spmem:s3] =	stream.indirect.scatter.add.f32 [tilespmem:s15], [sflag:$0x3], $0x80, s31, s14, $0xb8;
	[tilespmem:$0x1B000] =	vst v63  }
0x96: {  	s31 =	sadd.s32 $0x4080, s30  }
0x97: {  	[spmem:s3] =	stream.indirect.scatter.add.f32 [tilespmem:s17], [sflag:$0x3], $0x80, s31, s14, $0xb8;
	[tilespmem:$0x1B000] =	vst v63  }
0x98: {  	s31 =	sadd.s32 $0x4100, s30  }
0x99: {  	[spmem:s3] =	stream.indirect.scatter.add.f32 [tilespmem:s19], [sflag:$0x3], $0x80, s31, s14, $0xb8;
	[tilespmem:$0x1B000] =	vst v63  }
0x9a: {  	_ =	swait.ge [sflag:s24], $0x2800  }
0x9b: {  	[sflag:s24] =	ssyncset.done $0x0  }
0x9c: {  	[sflag:s24] =	ssyncadd.s32 $0xFFFFD800  }
0x9d: {  	_ =	swait.ge [sflag:s24], $0x2800  }
0x9e: {  	[sflag:s24] =	ssyncset.done $0x0  }
0x9f: {  	[sflag:s24] =	ssyncadd.s32 $0xFFFFD800  }
0xa0: {  	_ =	swait.ge [sflag:s24], $0x2800  }
0xa1: {  	[sflag:s24] =	ssyncset.done $0x0  }
0xa2: {  	s31 =	sadd.s32 $0x4180, s30;
	[sflag:s24] =	ssyncadd.s32 $0xFFFFD800  }
0xa3: {  	[spmem:s3] =	stream.indirect.scatter.add.f32 [tilespmem:s21], [sflag:$0x4], $0x80, s31, s14, $0xb8;
	[tilespmem:$0x1B000] =	vst v63  }
0xa4: {  	s31 =	sadd.s32 $0x4200, s30  }
0xa5: {  	[spmem:s3] =	stream.indirect.scatter.add.f32 [tilespmem:s22], [sflag:$0x4], $0x80, s31, s14, $0xb8;
	[tilespmem:$0x1B000] =	vst v63  }
0xa6: {  	s31 =	sadd.s32 $0x4280, s30  }
0xa7: {  	[spmem:s3] =	stream.indirect.scatter.add.f32 [tilespmem:s23], [sflag:$0x4], $0x80, s31, s14, $0xb8;
	[tilespmem:$0x1B000] =	vst v63  }
0xa8: {  	_ =	swait.ge [sflag:s25], $0x2800  }
0xa9: {  	[sflag:s25] =	ssyncset.done $0x0  }
0xaa: {  	[sflag:s25] =	ssyncadd.s32 $0xFFFFD800  }
0xab: {  	_ =	swait.ge [sflag:s25], $0x2800  }
0xac: {  	[sflag:s25] =	ssyncset.done $0x0  }
0xad: {  	[sflag:s25] =	ssyncadd.s32 $0xFFFFD800  }
0xae: {  	_ =	swait.ge [sflag:s25], $0x2800  }
0xaf: {  	[sflag:s25] =	ssyncset.done $0x0  }
0xb0: {  	s31 =	sadd.s32 $0x300, s30;
	[sflag:s25] =	ssyncadd.s32 $0xFFFFD800  }
0xb1: {  	[tilespmem:s15], [sflag:$0x1] =	stream.indirect.gather [hbm4b:s1+s14], $0x80, s31, s14, $0xb8;
	[tilespmem:$0x1B000] =	vst v63  }
0xb2: {  	s31 =	sadd.s32 $0x380, s30  }
0xb3: {  	[tilespmem:s17], [sflag:$0x1] =	stream.indirect.gather [hbm4b:s1+s14], $0x80, s31, s14, $0xb8;
	[tilespmem:$0x1B000] =	vst v63  }
0xb4: {  	s30 =	sadd.s32 $0x400, s30  }
0xb5: {  	[tilespmem:s19], [sflag:$0x1] =	stream.indirect.gather [hbm4b:s1+s14], $0x80, s30, s14, $0xb8;
	[tilespmem:$0x1B000] =	vst v63  }
0xb6: {  	_ =	swait.ge [sflag:s26], $0x2800  }
0xb7: {  	[sflag:s26] =	ssyncset.done $0x0  }
0xb8: {  	[sflag:s26] =	ssyncadd.s32 $0xFFFFD800  }
.Ltmp1:
0xb9: {  	_ =	swait.ge [sflag:s26], $0x2800;
	(pc) =	sbr.rel @p0 .LBB2_4-.Ltmp1, $4  }
0xba: {  	[sflag:s26] =	ssyncset.done $0x0  }
0xbb: {  	[sflag:s26] =	ssyncadd.s32 $0xFFFFD800  }
0xbc: {  	_ =	swait.ge [sflag:s26], $0x2800  }
0xbd: {  	[sflag:s26] =	ssyncset.done $0x0  }
0xbe: {  	[sflag:s26] =	ssyncadd.s32 $0xFFFFD800  }
0xbf: {  	_ =	swait.ge [sflag:s20], $0x2800  }
0xc0: {  	[sflag:s20] =	ssyncset.done $0x0  }
0xc1: {  	[sflag:s20] =	ssyncadd.s32 $0xFFFFD800  }
0xc2: {  	_ =	swait.ge [sflag:s20], $0x2800  }
0xc3: {  	[sflag:s20] =	ssyncset.done $0x0  }
0xc4: {  	[sflag:s20] =	ssyncadd.s32 $0xFFFFD800  }
0xc5: {  	_ =	swait.ge [sflag:s20], $0x2800  }
0xc6: {  	[sflag:s20] =	ssyncset.done $0x0  }
0xc7: {  	s29 =	simm.s32 $0x3D80;
	[sflag:s20] =	ssyncadd.s32 $0xFFFFD800  }
0xc8: {  	[tilespmem:s21], [sflag:$0x2] =	stream.indirect.gather [hbm4b:s1+s14], $0x80, s29, s14, $0xb8;
	[tilespmem:$0x1B000] =	vst v63  }
0xc9: {  	s31 =	simm.s32 $0x3E00  }
0xca: {  	[tilespmem:s22], [sflag:$0x2] =	stream.indirect.gather [hbm4b:s1+s14], $0x80, s31, s14, $0xb8;
	[tilespmem:$0x1B000] =	vst v63  }
0xcb: {  	s30 =	simm.s32 $0x3E80  }
0xcc: {  	[tilespmem:s23], [sflag:$0x2] =	stream.indirect.gather [hbm4b:s1+s14], $0x80, s30, s14, $0xb8;
	[tilespmem:$0x1B000] =	vst v63  }
0xcd: {  	s31 =	simm.s32 $0x7C00  }
0xce: {  	[spmem:s3] =	stream.indirect.scatter.add.f32 [tilespmem:s15], [sflag:$0x3], $0x80, s31, s14, $0xb8;
	[tilespmem:$0x1B000] =	vst v63  }
0xcf: {  	_ = 	snop  }
0xd0: {  	[spmem:s3] =	stream.indirect.scatter.add.f32 [tilespmem:s17], [sflag:$0x3], $0x80, s0, s14, $0xb8;
	[tilespmem:$0x1B000] =	vst v63  }
0xd1: {  	_ = 	snop  }
0xd2: {  	[spmem:s3] =	stream.indirect.scatter.add.f32 [tilespmem:s19], [sflag:$0x3], $0x80, s2, s14, $0xb8;
	[tilespmem:$0x1B000] =	vst v63  }
0xd3: {  	_ =	swait.ge [sflag:s24], $0x2800  }
0xd4: {  	[sflag:s24] =	ssyncset.done $0x0  }
0xd5: {  	[sflag:s24] =	ssyncadd.s32 $0xFFFFD800  }
0xd6: {  	_ =	swait.ge [sflag:s24], $0x2800  }
0xd7: {  	[sflag:s24] =	ssyncset.done $0x0  }
0xd8: {  	[sflag:s24] =	ssyncadd.s32 $0xFFFFD800  }
0xd9: {  	_ =	swait.ge [sflag:s24], $0x2800  }
0xda: {  	[sflag:s24] =	ssyncset.done $0x0  }
0xdb: {  	[sflag:s24] =	ssyncadd.s32 $0xFFFFD800  }
0xdc: {  	[spmem:s3] =	stream.indirect.scatter.add.f32 [tilespmem:s21], [sflag:$0x4], $0x80, s13, s14, $0xb8;
	[tilespmem:$0x1B000] =	vst v63  }
0xdd: {  	_ = 	snop  }
0xde: {  	[spmem:s3] =	stream.indirect.scatter.add.f32 [tilespmem:s22], [sflag:$0x4], $0x80, s16, s14, $0xb8;
	[tilespmem:$0x1B000] =	vst v63  }
0xdf: {  	_ = 	snop  }
0xe0: {  	[spmem:s3] =	stream.indirect.scatter.add.f32 [tilespmem:s23], [sflag:$0x4], $0x80, s18, s14, $0xb8;
	[tilespmem:$0x1B000] =	vst v63  }
0xe1: {  	_ =	swait.ge [sflag:s25], $0x2800  }
0xe2: {  	[sflag:s25] =	ssyncset.done $0x0  }
0xe3: {  	[sflag:s25] =	ssyncadd.s32 $0xFFFFD800  }
0xe4: {  	_ =	swait.ge [sflag:s25], $0x2800  }
0xe5: {  	[sflag:s25] =	ssyncset.done $0x0  }
0xe6: {  	[sflag:s25] =	ssyncadd.s32 $0xFFFFD800  }
0xe7: {  	_ =	swait.ge [sflag:s25], $0x2800  }
0xe8: {  	[sflag:s25] =	ssyncset.done $0x0  }
0xe9: {  	[sflag:s25] =	ssyncadd.s32 $0xFFFFD800  }
0xea: {  	_ =	swait.ge [sflag:s26], $0x2800  }
0xeb: {  	[sflag:s26] =	ssyncset.done $0x0  }
0xec: {  	[sflag:s26] =	ssyncadd.s32 $0xFFFFD800  }
0xed: {  	_ =	swait.ge [sflag:s26], $0x2800  }
0xee: {  	[sflag:s26] =	ssyncset.done $0x0  }
0xef: {  	[sflag:s26] =	ssyncadd.s32 $0xFFFFD800  }
0xf0: {  	_ =	swait.ge [sflag:s26], $0x2800  }
0xf1: {  	s28 =	sadd.s32 $0x1, s28;
	[sflag:s26] =	ssyncset.done $0x0  }
0xf2: {  	p0 =	sne.s32 s28, s10;
	[sflag:s26] =	ssyncadd.s32 $0xFFFFD800  }
.Ltmp2:
0xf3: {  	[bflag:$0x0] =	sbarrier.arrive $0xFFFF;
	(pc) =	sbr.rel @p0 .LBB2_1-.Ltmp2, $4  }
0xf4: {  	[hbm:s9], [sflag:s6] =	dma.local [spmem:s11], $0x800  }
0xf5: {  	_ =	swait.ge [sflag:s12], $0x800  }
0xf6: {  	[sflag:s12] =	ssyncset.done $0x0  }
0xf7: {  	[sflag:s12] =	ssyncadd.s32 $0xFFFFF800  }
0xf8: {  	_ =	sfence.sel $0x180000  }
0xf9: {  	[bflag:$0x0] =	sbarrier.arrive $0xFFFF  }
0xfa: {  	_ =	strace $0x90000047  }
0xfb: {  	s0 =	stileid.u32;
	[bflag:$0x2] =	sbarrier.arrive $0xFFFF  }
0xfc: {  	p0 =	sne.s32 s0, $0x0;
	s0 =	rddreg [dreg:$0x4]  }
0xfd: {  	s0 =	sadd.s32 @!p0 $0x100000, s0  }
0xfe: {  	[sflag:s0] =	ssyncadd.tile.s32 @!p0 $0x1;
	_ =	shalt  }
.Lfunc_end2:
_tile_overlayer_lowered:
.L_overlay_start_2:
0xff: {  	(tag) =	ssettag $0x2  }
0x100: {  	s0 =	rddreg [dreg:$0x0];
	s2 =	stileid.u32  }
0x101: {  	s1 =	rddreg [dreg:$0x1];
	p0 =	sne.s32 s2, $0x0  }
0x102: {  	s3 =	rddreg [dreg:$0x2];
	[bflag:$0x3] =	sbarrier.arrive $0xFFFF;
	s2 =	simm.s32 @!p0 $0x1C05  }
0x103: {  	[timem:s3], [sflag:s2] =	dma.local @!p0 [hbm:s0], s1  }
0x104: {  	s0 =	simm.s32 @!p0 $0x5  }
0x105: {  	_ =	swait.ge @!p0 [sflag:s0], s1  }
0x106: {  	s1 =	ssub.s32 @!p0 $0x0, s1;
	[sflag:s0] =	ssyncset.done @!p0 $0x0  }
0x107: {  	[sflag:s0] =	ssyncadd.s32 @!p0 s1  }
0x108: {  	[bflag:$0x3] =	sbarrier.arrive $0xFFFF  }
0x109: {  	_ =	shalt  }

</sc_bundles>
